<compile_context>
chip_gen: v7x
topology: tpu7x:2x2x1
jax: 0.10.2.dev20260603
libtpu: 0.0.44.dev20260713+nightly
codegen_flags: <defaults>
</compile_context>

<pallas_src>
import functools

import jax
import jax.numpy as jnp
from jax import lax
from jax.experimental import pallas as pl
from jax.experimental.pallas import tpu as pltpu

try:
    from jax.experimental.pallas import tpu_sc as plsc
except ImportError:
    plsc = None

_L = 16


def _sc_dirs(xs, ys, zs, gidx_j, num_rows):
    info = plsc.get_sparse_core_info()
    nw = info.num_cores * info.num_subcores
    per_w = num_rows // nw
    steps = per_w // _L
    bv = xs.shape[0]
    mesh = plsc.VectorSubcoreMesh(core_axis_name="c", subcore_axis_name="s")
    plane = jax.ShapeDtypeStruct((num_rows,), jnp.float32)

    @functools.partial(
        pl.kernel,
        mesh=mesh,
        out_type=(plane, plane, plane),
        compiler_params=pltpu.CompilerParams(needs_layout_passes=False),
        scratch_types=[
            pltpu.VMEM((bv,), jnp.float32),
            pltpu.VMEM((bv,), jnp.float32),
            pltpu.VMEM((bv,), jnp.float32),
            pltpu.VMEM((per_w,), jnp.int32),
            pltpu.VMEM((per_w,), jnp.float32),
            pltpu.VMEM((per_w,), jnp.float32),
            pltpu.VMEM((per_w,), jnp.float32),
            pltpu.SemaphoreType.DMA,
        ],
    )
    def k(xs_hbm, ys_hbm, zs_hbm, idx_hbm, ox_hbm, oy_hbm, oz_hbm,
          xs_v, ys_v, zs_v, idx_v, dx_v, dy_v, dz_v, sem):
        wid = lax.axis_index("s") * info.num_cores + lax.axis_index("c")
        base = wid * per_w
        gbase = lax.rem(base, bv)
        ins = [
            pltpu.async_copy(xs_hbm, xs_v, sem),
            pltpu.async_copy(ys_hbm, ys_v, sem),
            pltpu.async_copy(zs_hbm, zs_v, sem),
            pltpu.async_copy(idx_hbm.at[pl.ds(base, per_w)], idx_v, sem),
        ]
        for cp in ins:
            cp.wait()

        @functools.partial(plsc.parallel_loop(0, steps, unroll=4))
        def _(i):
            off = i * _L
            iv = idx_v[pl.ds(off, _L)]
            gx = plsc.load_gather(xs_v, [iv])
            gy = plsc.load_gather(ys_v, [iv])
            gz = plsc.load_gather(zs_v, [iv])
            coff = gbase + off
            dx_v[pl.ds(off, _L)] = gx - xs_v[pl.ds(coff, _L)]
            dy_v[pl.ds(off, _L)] = gy - ys_v[pl.ds(coff, _L)]
            dz_v[pl.ds(off, _L)] = gz - zs_v[pl.ds(coff, _L)]
        outs = [
            pltpu.async_copy(dx_v, ox_hbm.at[pl.ds(base, per_w)], sem),
            pltpu.async_copy(dy_v, oy_hbm.at[pl.ds(base, per_w)], sem),
            pltpu.async_copy(dz_v, oz_hbm.at[pl.ds(base, per_w)], sem),
        ]
        for cp in outs:
            cp.wait()

    return k(xs, ys, zs, gidx_j)


def _rsqrt_refined(s):
    r = lax.rsqrt(jnp.maximum(s, 1e-30))
    r = r * (1.5 - 0.5 * s * r * r)
    return jnp.where(s > 0.0, r, 0.0)


def _tc_body(x_ref, y_ref, z_ref, fm_ref, supt_ref, bias_ref, out_ref,
             sup_scr):
    @pl.when(pl.program_id(0) == 0)
    def _():
        supt = supt_ref[...]
        sxc = supt[:, 0:1]
        syc = supt[:, 1:2]
        szc = supt[:, 2:3]
        s2 = sxc * sxc + syc * syc + szc * szc
        sinv = _rsqrt_refined(s2)
        sup_scr[:, 0:1] = sxc * sinv
        sup_scr[:, 1:2] = syc * sinv
        sup_scr[:, 2:3] = szc * sinv

    x = x_ref[...]
    y = y_ref[...]
    z = z_ref[...]
    s = x * x + y * y + z * z
    inv = _rsqrt_refined(s)
    xn = x * inv
    yn = y * inv
    zn = z * inv

    xnb = xn.astype(jnp.bfloat16)
    ynb = yn.astype(jnp.bfloat16)
    znb = zn.astype(jnp.bfloat16)

    fmt = fm_ref[...].T
    n = x.shape[0]
    o = fmt.shape[0]
    s_num = supt_ref.shape[0] // o
    cols = []
    for t in range(s_num):
        sx_t = sup_scr[t * o:(t + 1) * o, 0:1].astype(jnp.bfloat16)
        sy_t = sup_scr[t * o:(t + 1) * o, 1:2].astype(jnp.bfloat16)
        sz_t = sup_scr[t * o:(t + 1) * o, 2:3].astype(jnp.bfloat16)
        m = None
        for j in range(n):
            th = (xnb[j:j + 1] * sx_t + ynb[j:j + 1] * sy_t
                  + znb[j:j + 1] * sz_t)
            m = th if m is None else jnp.maximum(m, th)
        m = jnp.maximum(m.astype(jnp.float32), 0.0)
        cols.append(jnp.sum(fmt * m, axis=0, keepdims=True))
    out_t = jnp.concatenate(cols, axis=0)
    out_ref[...] = out_t.T + bias_ref[...]


def _tc_compute(xt, yt, zt, fm, supt_pad, bias2d, rows_block=1024):
    n, bv = xt.shape
    o = fm.shape[1]
    s_num = bias2d.shape[1]
    dir_spec = pl.BlockSpec((n, rows_block), lambda i: (0, i))
    return pl.pallas_call(
        _tc_body,
        grid=(bv // rows_block,),
        in_specs=[
            dir_spec,
            dir_spec,
            dir_spec,
            pl.BlockSpec((rows_block, o), lambda i: (i, 0)),
            pl.BlockSpec((s_num * o, 8), lambda i: (0, 0)),
            pl.BlockSpec((1, s_num), lambda i: (0, 0)),
        ],
        out_specs=pl.BlockSpec((rows_block, s_num), lambda i: (i, 0)),
        out_shape=jax.ShapeDtypeStruct((bv, s_num), jnp.float32),
        scratch_shapes=[pltpu.VMEM((s_num * o, 8), jnp.float32)],
    )(xt, yt, zt, fm, supt_pad, bias2d)


def kernel(neighbor_index, vertices, feature_map, directions, bias):
    bs, v, n = neighbor_index.shape
    o = feature_map.shape[-1]
    s_num = directions.shape[1] // o
    bv = bs * v

    idx = neighbor_index.astype(jnp.int32)
    gidx = idx + (jnp.arange(bs, dtype=jnp.int32) * v)[:, None, None]
    gidx_j = jnp.transpose(gidx, (2, 0, 1)).reshape(-1)

    vflat = vertices.reshape(bv, 3)
    dx, dy, dz = _sc_dirs(vflat[:, 0], vflat[:, 1], vflat[:, 2],
                          gidx_j, n * bv)

    fm = feature_map.reshape(bv, o)
    supt_pad = jnp.zeros((s_num * o, 8), jnp.float32).at[:, :3].set(
        directions.T)
    bias2d = bias.reshape(1, s_num)

    out = _tc_compute(dx.reshape(n, bv), dy.reshape(n, bv),
                      dz.reshape(n, bv), fm, supt_pad, bias2d)
    return out.reshape(bs, v, s_num)

# --- scband reference (transcript-rebuilt; emitter-appended) ---
"""Pipeline reference for scband-conv-transpose-layer-13554916786446 (READ-ONLY COPY).

The authoritative reference and input builder live on the scoring server;
editing this copy changes nothing except your own understanding.
"""

import jax, jax.numpy as jnp
import numpy as np
import math


def _normalize(x, axis):
    n = jnp.linalg.norm(x, axis=axis, keepdims=True)
    return x / jnp.maximum(n, 1e-12)


def setup_inputs(seed: int = 0) -> dict:
    key = jax.random.key(seed)
    k1, k2, k3, k4, k5 = jax.random.split(key, 5)
    bs, v, n = 4, 1024, 16
    in_channel, out_channel, support_num = 8, 128, 8
    stdv = 1.0 / math.sqrt(out_channel * (support_num + 1))
    neighbor_index = jax.random.randint(k1, (bs, v, n), 0, v, dtype=jnp.int64 if jax.config.read('jax_enable_x64') else jnp.int32)
    vertices = jax.random.normal(k2, (bs, v, 3), dtype=jnp.float32)
    feature_map = jax.random.normal(k3, (bs, v, out_channel), dtype=jnp.float32)
    directions = jax.random.uniform(k4, (3, support_num * out_channel), minval=-stdv, maxval=stdv, dtype=jnp.float32)
    bias = jax.random.uniform(k5, (in_channel,), minval=-stdv, maxval=stdv, dtype=jnp.float32)
    return {"neighbor_index": neighbor_index, "vertices": vertices, "feature_map": feature_map, "directions": directions, "bias": bias}


def reference(neighbor_index, vertices, feature_map, directions, bias):
    bs, v, n = neighbor_index.shape
    # indexing_neighbor: gather neighbor coordinates -> (bs, v, n, 3)
    id_0 = jnp.arange(bs).reshape(-1, 1, 1)
    neighbors = vertices[id_0, neighbor_index]
    neighbor_direction = neighbors - vertices[:, :, None, :]
    neighbor_direction_norm = _normalize(neighbor_direction, -1)
    support_direction_norm = _normalize(directions, 0)
    theta = neighbor_direction_norm @ support_direction_norm  # (bs, v, n, S*O)
    theta = jax.nn.relu(theta)
    O = feature_map.shape[-1]
    S = directions.shape[1] // O
    theta = theta.reshape(bs, v, n, S, O)
    theta = jnp.max(theta, axis=2)  # (bs, v, S, O)
    fm = feature_map[:, :, None, :]  # (bs, v, 1, O)
    out = fm @ jnp.swapaxes(theta, 2, 3)  # (bs, v, 1, S)
    out = out[:, :, 0, :]  # squeeze(2) -> (bs, v, S)
    out = out + bias[None, :]
    return out

if __name__ == "__main__":
    import jax
    _d = setup_inputs()
    print(jax.jit(kernel)(*tuple(_d.values())))

</pallas_src>

<mosaic_0001>
#map = affine_map<(d0, d1) -> (0)>
module attributes {stable_mosaic.version = 14 : i64} {
  func.func @k(%arg0: i32, %arg1: i32, %arg2: memref<4096xf32, #tpu.memory_space<hbm>>, %arg3: memref<4096xf32, #tpu.memory_space<hbm>>, %arg4: memref<4096xf32, #tpu.memory_space<hbm>>, %arg5: memref<65536xi32, #tpu.memory_space<hbm>>, %arg6: memref<65536xf32, #tpu.memory_space<hbm>>, %arg7: memref<65536xf32, #tpu.memory_space<hbm>>, %arg8: memref<65536xf32, #tpu.memory_space<hbm>>, %arg9: memref<4096xf32, #tpu.memory_space<vmem>>, %arg10: memref<4096xf32, #tpu.memory_space<vmem>>, %arg11: memref<4096xf32, #tpu.memory_space<vmem>>, %arg12: memref<2048xi32, #tpu.memory_space<vmem>>, %arg13: memref<2048xf32, #tpu.memory_space<vmem>>, %arg14: memref<2048xf32, #tpu.memory_space<vmem>>, %arg15: memref<2048xf32, #tpu.memory_space<vmem>>, %arg16: memref<!tpu.dma_semaphore, #tpu.memory_space<semaphore_mem>>) attributes {dimension_semantics = [#tpu.dimension_semantics<core_parallel>, #tpu.dimension_semantics<subcore_parallel>], iteration_bounds = array<i64: 2, 16>, scalar_prefetch = 0 : i64, scratch_operands = 8 : i64, tpu.core_type = #tpu.core_type<sc_vector_subcore>, window_params = [{transform_indices = #map}, {transform_indices = #map}, {transform_indices = #map}, {transform_indices = #map}, {transform_indices = #map}, {transform_indices = #map}, {transform_indices = #map}]} {
    %mul3A = arith.constant 2 : i32
    %mul3A_0 = arith.muli %arg1, %mul3A : i32
    %add3A = arith.addi %mul3A_0, %arg0 : i32
    %mul3A_1 = arith.constant 2048 : i32
    %mul3A_2 = arith.muli %add3A, %mul3A_1 : i32
    %rem3A = arith.constant 4096 : i32
    %rem3A_3 = arith.remsi %mul3A_2, %rem3A : i32
    tpu.enqueue_dma source(%arg2 : memref<4096xf32, #tpu.memory_space<hbm>>) target(%arg9 : memref<4096xf32, #tpu.memory_space<vmem>>) target_semaphore(%arg16 : memref<!tpu.dma_semaphore, #tpu.memory_space<semaphore_mem>>)
    tpu.enqueue_dma source(%arg3 : memref<4096xf32, #tpu.memory_space<hbm>>) target(%arg10 : memref<4096xf32, #tpu.memory_space<vmem>>) target_semaphore(%arg16 : memref<!tpu.dma_semaphore, #tpu.memory_space<semaphore_mem>>)
    tpu.enqueue_dma source(%arg4 : memref<4096xf32, #tpu.memory_space<hbm>>) target(%arg11 : memref<4096xf32, #tpu.memory_space<vmem>>) target_semaphore(%arg16 : memref<!tpu.dma_semaphore, #tpu.memory_space<semaphore_mem>>)
    %dma_start3A = tpu.memref_slice %arg5[%mul3A_2] : memref<65536xi32, #tpu.memory_space<hbm>> -> memref<2048xi32, #tpu.memory_space<hbm>>
    %dma_start3A_4 = tpu.memref_slice %arg5[%mul3A_2] : memref<65536xi32, #tpu.memory_space<hbm>> -> memref<2048xi32, #tpu.memory_space<hbm>>
    tpu.enqueue_dma source(%dma_start3A_4 : memref<2048xi32, #tpu.memory_space<hbm>>) target(%arg12 : memref<2048xi32, #tpu.memory_space<vmem>>) target_semaphore(%arg16 : memref<!tpu.dma_semaphore, #tpu.memory_space<semaphore_mem>>)
    tpu.wait_dma2 semaphore(%arg16 : memref<!tpu.dma_semaphore, #tpu.memory_space<semaphore_mem>>) src(%arg2 : memref<4096xf32, #tpu.memory_space<hbm>>) dst(%arg9 : memref<4096xf32, #tpu.memory_space<vmem>>)
    tpu.wait_dma2 semaphore(%arg16 : memref<!tpu.dma_semaphore, #tpu.memory_space<semaphore_mem>>) src(%arg3 : memref<4096xf32, #tpu.memory_space<hbm>>) dst(%arg10 : memref<4096xf32, #tpu.memory_space<vmem>>)
    tpu.wait_dma2 semaphore(%arg16 : memref<!tpu.dma_semaphore, #tpu.memory_space<semaphore_mem>>) src(%arg4 : memref<4096xf32, #tpu.memory_space<hbm>>) dst(%arg11 : memref<4096xf32, #tpu.memory_space<vmem>>)
    %dma_wait3A = tpu.memref_slice %arg5[%mul3A_2] : memref<65536xi32, #tpu.memory_space<hbm>> -> memref<2048xi32, #tpu.memory_space<hbm>>
    %dma_wait3A_5 = tpu.memref_slice %arg5[%mul3A_2] : memref<65536xi32, #tpu.memory_space<hbm>> -> memref<2048xi32, #tpu.memory_space<hbm>>
    tpu.wait_dma2 semaphore(%arg16 : memref<!tpu.dma_semaphore, #tpu.memory_space<semaphore_mem>>) src(%dma_wait3A_5 : memref<2048xi32, #tpu.memory_space<hbm>>) dst(%arg12 : memref<2048xi32, #tpu.memory_space<vmem>>)
    %parallel_loop3A = arith.constant 0 : i32
    %parallel_loop3A_6 = arith.constant 128 : i32
    %parallel_loop3A_7 = arith.constant 1 : i32
    scf.for %parallel_loop3A_20 = %parallel_loop3A to %parallel_loop3A_6 step %parallel_loop3A_7  : i32 {
      %parallel_loop3A_21 = arith.constant 16 : i32
      %parallel_loop3A_22 = arith.muli %parallel_loop3A_20, %parallel_loop3A_21 : i32
      %parallel_loop3A_23 = arith.index_cast %parallel_loop3A_22 : i32 to index
      %parallel_loop3A_24 = tpu.vector_load %arg12[%parallel_loop3A_23] {strides = array<i32>} : memref<2048xi32, #tpu.memory_space<vmem>>, vector<16xi32>,
      %parallel_loop3A_25 = tpu.vector_load_idx %arg9[%parallel_loop3A_24] : memref<4096xf32, #tpu.memory_space<vmem>>[vector<16xi32>], vector<16xf32>,
      %parallel_loop3A_26 = tpu.vector_load_idx %arg10[%parallel_loop3A_24] : memref<4096xf32, #tpu.memory_space<vmem>>[vector<16xi32>], vector<16xf32>,
      %parallel_loop3A_27 = tpu.vector_load_idx %arg11[%parallel_loop3A_24] : memref<4096xf32, #tpu.memory_space<vmem>>[vector<16xi32>], vector<16xf32>,
      %parallel_loop3A_28 = arith.addi %rem3A_3, %parallel_loop3A_22 : i32
      %parallel_loop3A_29 = arith.index_cast %parallel_loop3A_28 : i32 to index
      %parallel_loop3A_30 = tpu.vector_load %arg9[%parallel_loop3A_29] {strides = array<i32>} : memref<4096xf32, #tpu.memory_space<vmem>>, vector<16xf32>,
      %parallel_loop3A_31 = arith.subf %parallel_loop3A_25, %parallel_loop3A_30 : vector<16xf32>
      %parallel_loop3A_32 = arith.index_cast %parallel_loop3A_22 : i32 to index
      %parallel_loop3A_33 = tpu.vector_load %arg13[%parallel_loop3A_32] {strides = array<i32>} : memref<2048xf32, #tpu.memory_space<vmem>>, vector<16xf32>,
      tpu.vector_store %arg13[%parallel_loop3A_32], %parallel_loop3A_31 {strides = array<i32>} : memref<2048xf32, #tpu.memory_space<vmem>>, vector<16xf32>,
      %parallel_loop3A_34 = arith.index_cast %parallel_loop3A_28 : i32 to index
      %parallel_loop3A_35 = tpu.vector_load %arg10[%parallel_loop3A_34] {strides = array<i32>} : memref<4096xf32, #tpu.memory_space<vmem>>, vector<16xf32>,
      %parallel_loop3A_36 = arith.subf %parallel_loop3A_26, %parallel_loop3A_35 : vector<16xf32>
      %parallel_loop3A_37 = arith.index_cast %parallel_loop3A_22 : i32 to index
      %parallel_loop3A_38 = tpu.vector_load %arg14[%parallel_loop3A_37] {strides = array<i32>} : memref<2048xf32, #tpu.memory_space<vmem>>, vector<16xf32>,
      tpu.vector_store %arg14[%parallel_loop3A_37], %parallel_loop3A_36 {strides = array<i32>} : memref<2048xf32, #tpu.memory_space<vmem>>, vector<16xf32>,
      %parallel_loop3A_39 = arith.index_cast %parallel_loop3A_28 : i32 to index
      %parallel_loop3A_40 = tpu.vector_load %arg11[%parallel_loop3A_39] {strides = array<i32>} : memref<4096xf32, #tpu.memory_space<vmem>>, vector<16xf32>,
      %parallel_loop3A_41 = arith.subf %parallel_loop3A_27, %parallel_loop3A_40 : vector<16xf32>
      %parallel_loop3A_42 = arith.index_cast %parallel_loop3A_22 : i32 to index
      %parallel_loop3A_43 = tpu.vector_load %arg15[%parallel_loop3A_42] {strides = array<i32>} : memref<2048xf32, #tpu.memory_space<vmem>>, vector<16xf32>,
      tpu.vector_store %arg15[%parallel_loop3A_42], %parallel_loop3A_41 {strides = array<i32>} : memref<2048xf32, #tpu.memory_space<vmem>>, vector<16xf32>,
    } {sc.loop_unroll_factor = 4 : i64, sc.parallel_access}
    %dma_start3A_8 = tpu.memref_slice %arg6[%mul3A_2] : memref<65536xf32, #tpu.memory_space<hbm>> -> memref<2048xf32, #tpu.memory_space<hbm>>
    %dma_start3A_9 = tpu.memref_slice %arg6[%mul3A_2] : memref<65536xf32, #tpu.memory_space<hbm>> -> memref<2048xf32, #tpu.memory_space<hbm>>
    tpu.enqueue_dma source(%arg13 : memref<2048xf32, #tpu.memory_space<vmem>>) target(%dma_start3A_9 : memref<2048xf32, #tpu.memory_space<hbm>>) target_semaphore(%arg16 : memref<!tpu.dma_semaphore, #tpu.memory_space<semaphore_mem>>)
    %dma_start3A_10 = tpu.memref_slice %arg7[%mul3A_2] : memref<65536xf32, #tpu.memory_space<hbm>> -> memref<2048xf32, #tpu.memory_space<hbm>>
    %dma_start3A_11 = tpu.memref_slice %arg7[%mul3A_2] : memref<65536xf32, #tpu.memory_space<hbm>> -> memref<2048xf32, #tpu.memory_space<hbm>>
    tpu.enqueue_dma source(%arg14 : memref<2048xf32, #tpu.memory_space<vmem>>) target(%dma_start3A_11 : memref<2048xf32, #tpu.memory_space<hbm>>) target_semaphore(%arg16 : memref<!tpu.dma_semaphore, #tpu.memory_space<semaphore_mem>>)
    %dma_start3A_12 = tpu.memref_slice %arg8[%mul3A_2] : memref<65536xf32, #tpu.memory_space<hbm>> -> memref<2048xf32, #tpu.memory_space<hbm>>
    %dma_start3A_13 = tpu.memref_slice %arg8[%mul3A_2] : memref<65536xf32, #tpu.memory_space<hbm>> -> memref<2048xf32, #tpu.memory_space<hbm>>
    tpu.enqueue_dma source(%arg15 : memref<2048xf32, #tpu.memory_space<vmem>>) target(%dma_start3A_13 : memref<2048xf32, #tpu.memory_space<hbm>>) target_semaphore(%arg16 : memref<!tpu.dma_semaphore, #tpu.memory_space<semaphore_mem>>)
    %dma_wait3A_14 = tpu.memref_slice %arg6[%mul3A_2] : memref<65536xf32, #tpu.memory_space<hbm>> -> memref<2048xf32, #tpu.memory_space<hbm>>
    %dma_wait3A_15 = tpu.memref_slice %arg6[%mul3A_2] : memref<65536xf32, #tpu.memory_space<hbm>> -> memref<2048xf32, #tpu.memory_space<hbm>>
    tpu.wait_dma2 semaphore(%arg16 : memref<!tpu.dma_semaphore, #tpu.memory_space<semaphore_mem>>) src(%arg13 : memref<2048xf32, #tpu.memory_space<vmem>>) dst(%dma_wait3A_15 : memref<2048xf32, #tpu.memory_space<hbm>>)
    %dma_wait3A_16 = tpu.memref_slice %arg7[%mul3A_2] : memref<65536xf32, #tpu.memory_space<hbm>> -> memref<2048xf32, #tpu.memory_space<hbm>>
    %dma_wait3A_17 = tpu.memref_slice %arg7[%mul3A_2] : memref<65536xf32, #tpu.memory_space<hbm>> -> memref<2048xf32, #tpu.memory_space<hbm>>
    tpu.wait_dma2 semaphore(%arg16 : memref<!tpu.dma_semaphore, #tpu.memory_space<semaphore_mem>>) src(%arg14 : memref<2048xf32, #tpu.memory_space<vmem>>) dst(%dma_wait3A_17 : memref<2048xf32, #tpu.memory_space<hbm>>)
    %dma_wait3A_18 = tpu.memref_slice %arg8[%mul3A_2] : memref<65536xf32, #tpu.memory_space<hbm>> -> memref<2048xf32, #tpu.memory_space<hbm>>
    %dma_wait3A_19 = tpu.memref_slice %arg8[%mul3A_2] : memref<65536xf32, #tpu.memory_space<hbm>> -> memref<2048xf32, #tpu.memory_space<hbm>>
    tpu.wait_dma2 semaphore(%arg16 : memref<!tpu.dma_semaphore, #tpu.memory_space<semaphore_mem>>) src(%arg15 : memref<2048xf32, #tpu.memory_space<vmem>>) dst(%dma_wait3A_19 : memref<2048xf32, #tpu.memory_space<hbm>>)
    return
  }
}

module attributes {stable_mosaic.version = 14 : i64} {
  func.func @_tc_body(%arg0: i32, %arg1: memref<16x1024xf32, #tpu.memory_space<vmem>>, %arg2: memref<16x1024xf32, #tpu.memory_space<vmem>>, %arg3: memref<16x1024xf32, #tpu.memory_space<vmem>>, %arg4: memref<1024x128xf32, #tpu.memory_space<vmem>>, %arg5: memref<1024x8xf32, #tpu.memory_space<vmem>>, %arg6: memref<1x8xf32, #tpu.memory_space<vmem>>, %arg7: memref<1024x8xf32, #tpu.memory_space<vmem>>, %arg8: memref<1024x8xf32, #tpu.memory_space<vmem>>) attributes {dimension_semantics = [#tpu.dimension_semantics<arbitrary>], iteration_bounds = array<i64: 4>, scalar_prefetch = 0 : i64, scratch_operands = 1 : i64, tpu.core_type = #tpu.core_type<tc>, window_params = [{transform_indices = @transform_0, window_bounds = array<i64: 16, 1024>}, {transform_indices = @transform_1, window_bounds = array<i64: 16, 1024>}, {transform_indices = @transform_2, window_bounds = array<i64: 16, 1024>}, {transform_indices = @transform_3, window_bounds = array<i64: 1024, 128>}, {pipeline_mode = #tpu.pipeline_mode<synchronous>, transform_indices = @transform_4, window_bounds = array<i64: 1024, 8>}, {pipeline_mode = #tpu.pipeline_mode<synchronous>, transform_indices = @transform_5, window_bounds = array<i64: 1, 8>}, {transform_indices = @transform_6, window_bounds = array<i64: 1024, 8>}]} {
    %eq3A = arith.constant 0 : i32
    %eq3A_0 = arith.cmpi eq, %arg0, %eq3A : i32
    %convert_element_type3A = arith.extui %eq3A_0 : i1 to i32
    %cond3A = arith.constant 0 : i32
    %cond3A_1 = arith.cmpi ne, %convert_element_type3A, %cond3A : i32
    scf.if %cond3A_1 {
      %get3A_2112 = arith.constant 0 : index
      %get3A_2113 = arith.constant 0 : index
      %get3A_2114 = vector.load %arg5[%get3A_2112, %get3A_2113] : memref<1024x8xf32, #tpu.memory_space<vmem>>, vector<1024x8xf32>
      %slice3A_2115 = vector.extract_strided_slice %get3A_2114 {offsets = [0, 0], sizes = [1024, 1], strides = [1, 1]} : vector<1024x8xf32> to vector<1024x1xf32>
      %slice3A_2116 = vector.extract_strided_slice %get3A_2114 {offsets = [0, 1], sizes = [1024, 1], strides = [1, 1]} : vector<1024x8xf32> to vector<1024x1xf32>
      %slice3A_2117 = vector.extract_strided_slice %get3A_2114 {offsets = [0, 2], sizes = [1024, 1], strides = [1, 1]} : vector<1024x8xf32> to vector<1024x1xf32>
      %mul3A_2118 = arith.mulf %slice3A_2115, %slice3A_2115 : vector<1024x1xf32>
      %mul3A_2119 = arith.mulf %slice3A_2116, %slice3A_2116 : vector<1024x1xf32>
      %add3A_2120 = arith.addf %mul3A_2118, %mul3A_2119 : vector<1024x1xf32>
      %mul3A_2121 = arith.mulf %slice3A_2117, %slice3A_2117 : vector<1024x1xf32>
      %add3A_2122 = arith.addf %add3A_2120, %mul3A_2121 : vector<1024x1xf32>
      %max3A_2123 = arith.constant 1.000000e-30 : f32
      %max3A_2124 = vector.broadcast %max3A_2123 : f32 to vector<1024x1xf32>
      %max3A_2125 = arith.maximumf %add3A_2122, %max3A_2124 : vector<1024x1xf32>
      %rsqrt3A_2126 = math.rsqrt %max3A_2125 : vector<1024x1xf32>
      %mul3A_2127 = arith.constant 5.000000e-01 : f32
      %mul3A_2128 = vector.broadcast %mul3A_2127 : f32 to vector<1024x1xf32>
      %mul3A_2129 = arith.mulf %mul3A_2128, %add3A_2122 : vector<1024x1xf32>
      %mul3A_2130 = arith.mulf %mul3A_2129, %rsqrt3A_2126 : vector<1024x1xf32>
      %mul3A_2131 = arith.mulf %mul3A_2130, %rsqrt3A_2126 : vector<1024x1xf32>
      %sub3A_2132 = arith.constant 1.500000e+00 : f32
      %sub3A_2133 = vector.broadcast %sub3A_2132 : f32 to vector<1024x1xf32>
      %sub3A_2134 = arith.subf %sub3A_2133, %mul3A_2131 : vector<1024x1xf32>
      %mul3A_2135 = arith.mulf %rsqrt3A_2126, %sub3A_2134 : vector<1024x1xf32>
      %gt3A_2136 = arith.constant 0.000000e+00 : f32
      %gt3A_2137 = vector.broadcast %gt3A_2136 : f32 to vector<1024x1xf32>
      %gt3A_2138 = arith.cmpf ogt, %add3A_2122, %gt3A_2137 : vector<1024x1xf32>
      %jit3A_2139 = arith.constant 0.000000e+00 : f32
      %broadcast_in_dim3A_2140 = vector.broadcast %jit3A_2139 : f32 to vector<1024x1xf32>
      %select_n3A_2141 = arith.select %gt3A_2138, %mul3A_2135, %broadcast_in_dim3A_2140 : vector<1024x1xi1>, vector<1024x1xf32>
      %mul3A_2142 = arith.mulf %slice3A_2115, %select_n3A_2141 : vector<1024x1xf32>
      %swap3A_2143 = arith.constant 0 : index
      %swap3A_2144 = arith.constant 0 : index
      %swap3A_2145 = vector.load %arg8[%swap3A_2143, %swap3A_2144] : memref<1024x8xf32, #tpu.memory_space<vmem>>, vector<1024x1xf32>
      tpu.vector_store %arg8[%swap3A_2143, %swap3A_2144], %mul3A_2142 {strides = array<i32>} : memref<1024x8xf32, #tpu.memory_space<vmem>>, vector<1024x1xf32>,
      %mul3A_2146 = arith.mulf %slice3A_2116, %select_n3A_2141 : vector<1024x1xf32>
      %swap3A_2147 = arith.constant 0 : index
      %swap3A_2148 = arith.constant 1 : index
      %swap3A_2149 = vector.load %arg8[%swap3A_2147, %swap3A_2148] : memref<1024x8xf32, #tpu.memory_space<vmem>>, vector<1024x1xf32>
      tpu.vector_store %arg8[%swap3A_2147, %swap3A_2148], %mul3A_2146 {strides = array<i32>} : memref<1024x8xf32, #tpu.memory_space<vmem>>, vector<1024x1xf32>,
      %mul3A_2150 = arith.mulf %slice3A_2117, %select_n3A_2141 : vector<1024x1xf32>
      %swap3A_2151 = arith.constant 0 : index
      %swap3A_2152 = arith.constant 2 : index
      %swap3A_2153 = vector.load %arg8[%swap3A_2151, %swap3A_2152] : memref<1024x8xf32, #tpu.memory_space<vmem>>, vector<1024x1xf32>
      tpu.vector_store %arg8[%swap3A_2151, %swap3A_2152], %mul3A_2150 {strides = array<i32>} : memref<1024x8xf32, #tpu.memory_space<vmem>>, vector<1024x1xf32>,
    } else {
    }
    %get3A = arith.constant 0 : index
    %get3A_2 = arith.constant 0 : index
    %get3A_3 = vector.load %arg1[%get3A, %get3A_2] : memref<16x1024xf32, #tpu.memory_space<vmem>>, vector<16x1024xf32>
    %get3A_4 = arith.constant 0 : index
    %get3A_5 = arith.constant 0 : index
    %get3A_6 = vector.load %arg2[%get3A_4, %get3A_5] : memref<16x1024xf32, #tpu.memory_space<vmem>>, vector<16x1024xf32>
    %get3A_7 = arith.constant 0 : index
    %get3A_8 = arith.constant 0 : index
    %get3A_9 = vector.load %arg3[%get3A_7, %get3A_8] : memref<16x1024xf32, #tpu.memory_space<vmem>>, vector<16x1024xf32>
    %mul3A = arith.mulf %get3A_3, %get3A_3 : vector<16x1024xf32>
    %mul3A_10 = arith.mulf %get3A_6, %get3A_6 : vector<16x1024xf32>
    %add3A = arith.addf %mul3A, %mul3A_10 : vector<16x1024xf32>
    %mul3A_11 = arith.mulf %get3A_9, %get3A_9 : vector<16x1024xf32>
    %add3A_12 = arith.addf %add3A, %mul3A_11 : vector<16x1024xf32>
    %max3A = arith.constant 1.000000e-30 : f32
    %max3A_13 = vector.broadcast %max3A : f32 to vector<16x1024xf32>
    %max3A_14 = arith.maximumf %add3A_12, %max3A_13 : vector<16x1024xf32>
    %rsqrt3A = math.rsqrt %max3A_14 : vector<16x1024xf32>
    %mul3A_15 = arith.constant 5.000000e-01 : f32
    %mul3A_16 = vector.broadcast %mul3A_15 : f32 to vector<16x1024xf32>
    %mul3A_17 = arith.mulf %mul3A_16, %add3A_12 : vector<16x1024xf32>
    %mul3A_18 = arith.mulf %mul3A_17, %rsqrt3A : vector<16x1024xf32>
    %mul3A_19 = arith.mulf %mul3A_18, %rsqrt3A : vector<16x1024xf32>
    %sub3A = arith.constant 1.500000e+00 : f32
    %sub3A_20 = vector.broadcast %sub3A : f32 to vector<16x1024xf32>
    %sub3A_21 = arith.subf %sub3A_20, %mul3A_19 : vector<16x1024xf32>
    %mul3A_22 = arith.mulf %rsqrt3A, %sub3A_21 : vector<16x1024xf32>
    %gt3A = arith.constant 0.000000e+00 : f32
    %gt3A_23 = vector.broadcast %gt3A : f32 to vector<16x1024xf32>
    %gt3A_24 = arith.cmpf ogt, %add3A_12, %gt3A_23 : vector<16x1024xf32>
    %jit3A = arith.constant 0.000000e+00 : f32
    %broadcast_in_dim3A = vector.broadcast %jit3A : f32 to vector<16x1024xf32>
    %select_n3A = arith.select %gt3A_24, %mul3A_22, %broadcast_in_dim3A : vector<16x1024xi1>, vector<16x1024xf32>
    %mul3A_25 = arith.mulf %get3A_3, %select_n3A : vector<16x1024xf32>
    %mul3A_26 = arith.mulf %get3A_6, %select_n3A : vector<16x1024xf32>
    %mul3A_27 = arith.mulf %get3A_9, %select_n3A : vector<16x1024xf32>
    %convert_element_type3A_28 = arith.truncf %mul3A_25 : vector<16x1024xf32> to vector<16x1024xbf16>
    %convert_element_type3A_29 = arith.truncf %mul3A_26 : vector<16x1024xf32> to vector<16x1024xbf16>
    %convert_element_type3A_30 = arith.truncf %mul3A_27 : vector<16x1024xf32> to vector<16x1024xbf16>
    %get3A_31 = arith.constant 0 : index
    %get3A_32 = arith.constant 0 : index
    %get3A_33 = vector.load %arg4[%get3A_31, %get3A_32] : memref<1024x128xf32, #tpu.memory_space<vmem>>, vector<1024x128xf32>
    %transpose3A = tpu.transpose %get3A_33, [1, 0] : vector<1024x128xf32> -> vector<128x1024xf32>
    %get3A_34 = arith.constant 0 : index
    %get3A_35 = arith.constant 0 : index
    %get3A_36 = vector.load %arg8[%get3A_34, %get3A_35] : memref<1024x8xf32, #tpu.memory_space<vmem>>, vector<128x1xf32>
    %convert_element_type3A_37 = arith.truncf %get3A_36 : vector<128x1xf32> to vector<128x1xbf16>
    %get3A_38 = arith.constant 0 : index
    %get3A_39 = arith.constant 1 : index
    %get3A_40 = vector.load %arg8[%get3A_38, %get3A_39] : memref<1024x8xf32, #tpu.memory_space<vmem>>, vector<128x1xf32>
    %convert_element_type3A_41 = arith.truncf %get3A_40 : vector<128x1xf32> to vector<128x1xbf16>
    %get3A_42 = arith.constant 0 : index
    %get3A_43 = arith.constant 2 : index
    %get3A_44 = vector.load %arg8[%get3A_42, %get3A_43] : memref<1024x8xf32, #tpu.memory_space<vmem>>, vector<128x1xf32>
    %convert_element_type3A_45 = arith.truncf %get3A_44 : vector<128x1xf32> to vector<128x1xbf16>
    %slice3A = vector.extract_strided_slice %convert_element_type3A_28 {offsets = [0, 0], sizes = [1, 1024], strides = [1, 1]} : vector<16x1024xbf16> to vector<1x1024xbf16>
    %mul3A_46 = vector.broadcast %slice3A : vector<1x1024xbf16> to vector<128x1024xbf16>
    %mul3A_47 = vector.broadcast %convert_element_type3A_37 : vector<128x1xbf16> to vector<128x1024xbf16>
    %mul3A_48 = arith.mulf %mul3A_46, %mul3A_47 : vector<128x1024xbf16>
    %slice3A_49 = vector.extract_strided_slice %convert_element_type3A_29 {offsets = [0, 0], sizes = [1, 1024], strides = [1, 1]} : vector<16x1024xbf16> to vector<1x1024xbf16>
    %mul3A_50 = vector.broadcast %slice3A_49 : vector<1x1024xbf16> to vector<128x1024xbf16>
    %mul3A_51 = vector.broadcast %convert_element_type3A_41 : vector<128x1xbf16> to vector<128x1024xbf16>
    %mul3A_52 = arith.mulf %mul3A_50, %mul3A_51 : vector<128x1024xbf16>
    %add3A_53 = arith.addf %mul3A_48, %mul3A_52 : vector<128x1024xbf16>
    %slice3A_54 = vector.extract_strided_slice %convert_element_type3A_30 {offsets = [0, 0], sizes = [1, 1024], strides = [1, 1]} : vector<16x1024xbf16> to vector<1x1024xbf16>
    %mul3A_55 = vector.broadcast %slice3A_54 : vector<1x1024xbf16> to vector<128x1024xbf16>
    %mul3A_56 = vector.broadcast %convert_element_type3A_45 : vector<128x1xbf16> to vector<128x1024xbf16>
    %mul3A_57 = arith.mulf %mul3A_55, %mul3A_56 : vector<128x1024xbf16>
    %add3A_58 = arith.addf %add3A_53, %mul3A_57 : vector<128x1024xbf16>
    %slice3A_59 = vector.extract_strided_slice %convert_element_type3A_28 {offsets = [1, 0], sizes = [1, 1024], strides = [1, 1]} : vector<16x1024xbf16> to vector<1x1024xbf16>
    %mul3A_60 = vector.broadcast %slice3A_59 : vector<1x1024xbf16> to vector<128x1024xbf16>
    %mul3A_61 = vector.broadcast %convert_element_type3A_37 : vector<128x1xbf16> to vector<128x1024xbf16>
    %mul3A_62 = arith.mulf %mul3A_60, %mul3A_61 : vector<128x1024xbf16>
    %slice3A_63 = vector.extract_strided_slice %convert_element_type3A_29 {offsets = [1, 0], sizes = [1, 1024], strides = [1, 1]} : vector<16x1024xbf16> to vector<1x1024xbf16>
    %mul3A_64 = vector.broadcast %slice3A_63 : vector<1x1024xbf16> to vector<128x1024xbf16>
    %mul3A_65 = vector.broadcast %convert_element_type3A_41 : vector<128x1xbf16> to vector<128x1024xbf16>
    %mul3A_66 = arith.mulf %mul3A_64, %mul3A_65 : vector<128x1024xbf16>
    %add3A_67 = arith.addf %mul3A_62, %mul3A_66 : vector<128x1024xbf16>
    %slice3A_68 = vector.extract_strided_slice %convert_element_type3A_30 {offsets = [1, 0], sizes = [1, 1024], strides = [1, 1]} : vector<16x1024xbf16> to vector<1x1024xbf16>
    %mul3A_69 = vector.broadcast %slice3A_68 : vector<1x1024xbf16> to vector<128x1024xbf16>
    %mul3A_70 = vector.broadcast %convert_element_type3A_45 : vector<128x1xbf16> to vector<128x1024xbf16>
    %mul3A_71 = arith.mulf %mul3A_69, %mul3A_70 : vector<128x1024xbf16>
    %add3A_72 = arith.addf %add3A_67, %mul3A_71 : vector<128x1024xbf16>
    %max3A_73 = arith.maximumf %add3A_58, %add3A_72 : vector<128x1024xbf16>
    %slice3A_74 = vector.extract_strided_slice %convert_element_type3A_28 {offsets = [2, 0], sizes = [1, 1024], strides = [1, 1]} : vector<16x1024xbf16> to vector<1x1024xbf16>
    %mul3A_75 = vector.broadcast %slice3A_74 : vector<1x1024xbf16> to vector<128x1024xbf16>
    %mul3A_76 = vector.broadcast %convert_element_type3A_37 : vector<128x1xbf16> to vector<128x1024xbf16>
    %mul3A_77 = arith.mulf %mul3A_75, %mul3A_76 : vector<128x1024xbf16>
    %slice3A_78 = vector.extract_strided_slice %convert_element_type3A_29 {offsets = [2, 0], sizes = [1, 1024], strides = [1, 1]} : vector<16x1024xbf16> to vector<1x1024xbf16>
    %mul3A_79 = vector.broadcast %slice3A_78 : vector<1x1024xbf16> to vector<128x1024xbf16>
    %mul3A_80 = vector.broadcast %convert_element_type3A_41 : vector<128x1xbf16> to vector<128x1024xbf16>
    %mul3A_81 = arith.mulf %mul3A_79, %mul3A_80 : vector<128x1024xbf16>
    %add3A_82 = arith.addf %mul3A_77, %mul3A_81 : vector<128x1024xbf16>
    %slice3A_83 = vector.extract_strided_slice %convert_element_type3A_30 {offsets = [2, 0], sizes = [1, 1024], strides = [1, 1]} : vector<16x1024xbf16> to vector<1x1024xbf16>
    %mul3A_84 = vector.broadcast %slice3A_83 : vector<1x1024xbf16> to vector<128x1024xbf16>
    %mul3A_85 = vector.broadcast %convert_element_type3A_45 : vector<128x1xbf16> to vector<128x1024xbf16>
    %mul3A_86 = arith.mulf %mul3A_84, %mul3A_85 : vector<128x1024xbf16>
    %add3A_87 = arith.addf %add3A_82, %mul3A_86 : vector<128x1024xbf16>
    %max3A_88 = arith.maximumf %max3A_73, %add3A_87 : vector<128x1024xbf16>
    %slice3A_89 = vector.extract_strided_slice %convert_element_type3A_28 {offsets = [3, 0], sizes = [1, 1024], strides = [1, 1]} : vector<16x1024xbf16> to vector<1x1024xbf16>
    %mul3A_90 = vector.broadcast %slice3A_89 : vector<1x1024xbf16> to vector<128x1024xbf16>
    %mul3A_91 = vector.broadcast %convert_element_type3A_37 : vector<128x1xbf16> to vector<128x1024xbf16>
    %mul3A_92 = arith.mulf %mul3A_90, %mul3A_91 : vector<128x1024xbf16>
    %slice3A_93 = vector.extract_strided_slice %convert_element_type3A_29 {offsets = [3, 0], sizes = [1, 1024], strides = [1, 1]} : vector<16x1024xbf16> to vector<1x1024xbf16>
    %mul3A_94 = vector.broadcast %slice3A_93 : vector<1x1024xbf16> to vector<128x1024xbf16>
    %mul3A_95 = vector.broadcast %convert_element_type3A_41 : vector<128x1xbf16> to vector<128x1024xbf16>
    %mul3A_96 = arith.mulf %mul3A_94, %mul3A_95 : vector<128x1024xbf16>
    %add3A_97 = arith.addf %mul3A_92, %mul3A_96 : vector<128x1024xbf16>
    %slice3A_98 = vector.extract_strided_slice %convert_element_type3A_30 {offsets = [3, 0], sizes = [1, 1024], strides = [1, 1]} : vector<16x1024xbf16> to vector<1x1024xbf16>
    %mul3A_99 = vector.broadcast %slice3A_98 : vector<1x1024xbf16> to vector<128x1024xbf16>
    %mul3A_100 = vector.broadcast %convert_element_type3A_45 : vector<128x1xbf16> to vector<128x1024xbf16>
    %mul3A_101 = arith.mulf %mul3A_99, %mul3A_100 : vector<128x1024xbf16>
    %add3A_102 = arith.addf %add3A_97, %mul3A_101 : vector<128x1024xbf16>
    %max3A_103 = arith.maximumf %max3A_88, %add3A_102 : vector<128x1024xbf16>
    %slice3A_104 = vector.extract_strided_slice %convert_element_type3A_28 {offsets = [4, 0], sizes = [1, 1024], strides = [1, 1]} : vector<16x1024xbf16> to vector<1x1024xbf16>
    %mul3A_105 = vector.broadcast %slice3A_104 : vector<1x1024xbf16> to vector<128x1024xbf16>
    %mul3A_106 = vector.broadcast %convert_element_type3A_37 : vector<128x1xbf16> to vector<128x1024xbf16>
    %mul3A_107 = arith.mulf %mul3A_105, %mul3A_106 : vector<128x1024xbf16>
    %slice3A_108 = vector.extract_strided_slice %convert_element_type3A_29 {offsets = [4, 0], sizes = [1, 1024], strides = [1, 1]} : vector<16x1024xbf16> to vector<1x1024xbf16>
    %mul3A_109 = vector.broadcast %slice3A_108 : vector<1x1024xbf16> to vector<128x1024xbf16>
    %mul3A_110 = vector.broadcast %convert_element_type3A_41 : vector<128x1xbf16> to vector<128x1024xbf16>
    %mul3A_111 = arith.mulf %mul3A_109, %mul3A_110 : vector<128x1024xbf16>
    %add3A_112 = arith.addf %mul3A_107, %mul3A_111 : vector<128x1024xbf16>
    %slice3A_113 = vector.extract_strided_slice %convert_element_type3A_30 {offsets = [4, 0], sizes = [1, 1024], strides = [1, 1]} : vector<16x1024xbf16> to vector<1x1024xbf16>
    %mul3A_114 = vector.broadcast %slice3A_113 : vector<1x1024xbf16> to vector<128x1024xbf16>
    %mul3A_115 = vector.broadcast %convert_element_type3A_45 : vector<128x1xbf16> to vector<128x1024xbf16>
    %mul3A_116 = arith.mulf %mul3A_114, %mul3A_115 : vector<128x1024xbf16>
    %add3A_117 = arith.addf %add3A_112, %mul3A_116 : vector<128x1024xbf16>
    %max3A_118 = arith.maximumf %max3A_103, %add3A_117 : vector<128x1024xbf16>
    %slice3A_119 = vector.extract_strided_slice %convert_element_type3A_28 {offsets = [5, 0], sizes = [1, 1024], strides = [1, 1]} : vector<16x1024xbf16> to vector<1x1024xbf16>
    %mul3A_120 = vector.broadcast %slice3A_119 : vector<1x1024xbf16> to vector<128x1024xbf16>
    %mul3A_121 = vector.broadcast %convert_element_type3A_37 : vector<128x1xbf16> to vector<128x1024xbf16>
    %mul3A_122 = arith.mulf %mul3A_120, %mul3A_121 : vector<128x1024xbf16>
    %slice3A_123 = vector.extract_strided_slice %convert_element_type3A_29 {offsets = [5, 0], sizes = [1, 1024], strides = [1, 1]} : vector<16x1024xbf16> to vector<1x1024xbf16>
    %mul3A_124 = vector.broadcast %slice3A_123 : vector<1x1024xbf16> to vector<128x1024xbf16>
    %mul3A_125 = vector.broadcast %convert_element_type3A_41 : vector<128x1xbf16> to vector<128x1024xbf16>
    %mul3A_126 = arith.mulf %mul3A_124, %mul3A_125 : vector<128x1024xbf16>
    %add3A_127 = arith.addf %mul3A_122, %mul3A_126 : vector<128x1024xbf16>
    %slice3A_128 = vector.extract_strided_slice %convert_element_type3A_30 {offsets = [5, 0], sizes = [1, 1024], strides = [1, 1]} : vector<16x1024xbf16> to vector<1x1024xbf16>
    %mul3A_129 = vector.broadcast %slice3A_128 : vector<1x1024xbf16> to vector<128x1024xbf16>
    %mul3A_130 = vector.broadcast %convert_element_type3A_45 : vector<128x1xbf16> to vector<128x1024xbf16>
    %mul3A_131 = arith.mulf %mul3A_129, %mul3A_130 : vector<128x1024xbf16>
    %add3A_132 = arith.addf %add3A_127, %mul3A_131 : vector<128x1024xbf16>
    %max3A_133 = arith.maximumf %max3A_118, %add3A_132 : vector<128x1024xbf16>
    %slice3A_134 = vector.extract_strided_slice %convert_element_type3A_28 {offsets = [6, 0], sizes = [1, 1024], strides = [1, 1]} : vector<16x1024xbf16> to vector<1x1024xbf16>
    %mul3A_135 = vector.broadcast %slice3A_134 : vector<1x1024xbf16> to vector<128x1024xbf16>
    %mul3A_136 = vector.broadcast %convert_element_type3A_37 : vector<128x1xbf16> to vector<128x1024xbf16>
    %mul3A_137 = arith.mulf %mul3A_135, %mul3A_136 : vector<128x1024xbf16>
    %slice3A_138 = vector.extract_strided_slice %convert_element_type3A_29 {offsets = [6, 0], sizes = [1, 1024], strides = [1, 1]} : vector<16x1024xbf16> to vector<1x1024xbf16>
    %mul3A_139 = vector.broadcast %slice3A_138 : vector<1x1024xbf16> to vector<128x1024xbf16>
    %mul3A_140 = vector.broadcast %convert_element_type3A_41 : vector<128x1xbf16> to vector<128x1024xbf16>
    %mul3A_141 = arith.mulf %mul3A_139, %mul3A_140 : vector<128x1024xbf16>
    %add3A_142 = arith.addf %mul3A_137, %mul3A_141 : vector<128x1024xbf16>
    %slice3A_143 = vector.extract_strided_slice %convert_element_type3A_30 {offsets = [6, 0], sizes = [1, 1024], strides = [1, 1]} : vector<16x1024xbf16> to vector<1x1024xbf16>
    %mul3A_144 = vector.broadcast %slice3A_143 : vector<1x1024xbf16> to vector<128x1024xbf16>
    %mul3A_145 = vector.broadcast %convert_element_type3A_45 : vector<128x1xbf16> to vector<128x1024xbf16>
    %mul3A_146 = arith.mulf %mul3A_144, %mul3A_145 : vector<128x1024xbf16>
    %add3A_147 = arith.addf %add3A_142, %mul3A_146 : vector<128x1024xbf16>
    %max3A_148 = arith.maximumf %max3A_133, %add3A_147 : vector<128x1024xbf16>
    %slice3A_149 = vector.extract_strided_slice %convert_element_type3A_28 {offsets = [7, 0], sizes = [1, 1024], strides = [1, 1]} : vector<16x1024xbf16> to vector<1x1024xbf16>
    %mul3A_150 = vector.broadcast %slice3A_149 : vector<1x1024xbf16> to vector<128x1024xbf16>
    %mul3A_151 = vector.broadcast %convert_element_type3A_37 : vector<128x1xbf16> to vector<128x1024xbf16>
    %mul3A_152 = arith.mulf %mul3A_150, %mul3A_151 : vector<128x1024xbf16>
    %slice3A_153 = vector.extract_strided_slice %convert_element_type3A_29 {offsets = [7, 0], sizes = [1, 1024], strides = [1, 1]} : vector<16x1024xbf16> to vector<1x1024xbf16>
    %mul3A_154 = vector.broadcast %slice3A_153 : vector<1x1024xbf16> to vector<128x1024xbf16>
    %mul3A_155 = vector.broadcast %convert_element_type3A_41 : vector<128x1xbf16> to vector<128x1024xbf16>
    %mul3A_156 = arith.mulf %mul3A_154, %mul3A_155 : vector<128x1024xbf16>
    %add3A_157 = arith.addf %mul3A_152, %mul3A_156 : vector<128x1024xbf16>
    %slice3A_158 = vector.extract_strided_slice %convert_element_type3A_30 {offsets = [7, 0], sizes = [1, 1024], strides = [1, 1]} : vector<16x1024xbf16> to vector<1x1024xbf16>
    %mul3A_159 = vector.broadcast %slice3A_158 : vector<1x1024xbf16> to vector<128x1024xbf16>
    %mul3A_160 = vector.broadcast %convert_element_type3A_45 : vector<128x1xbf16> to vector<128x1024xbf16>
    %mul3A_161 = arith.mulf %mul3A_159, %mul3A_160 : vector<128x1024xbf16>
    %add3A_162 = arith.addf %add3A_157, %mul3A_161 : vector<128x1024xbf16>
    %max3A_163 = arith.maximumf %max3A_148, %add3A_162 : vector<128x1024xbf16>
    %slice3A_164 = vector.extract_strided_slice %convert_element_type3A_28 {offsets = [8, 0], sizes = [1, 1024], strides = [1, 1]} : vector<16x1024xbf16> to vector<1x1024xbf16>
    %mul3A_165 = vector.broadcast %slice3A_164 : vector<1x1024xbf16> to vector<128x1024xbf16>
    %mul3A_166 = vector.broadcast %convert_element_type3A_37 : vector<128x1xbf16> to vector<128x1024xbf16>
    %mul3A_167 = arith.mulf %mul3A_165, %mul3A_166 : vector<128x1024xbf16>
    %slice3A_168 = vector.extract_strided_slice %convert_element_type3A_29 {offsets = [8, 0], sizes = [1, 1024], strides = [1, 1]} : vector<16x1024xbf16> to vector<1x1024xbf16>
    %mul3A_169 = vector.broadcast %slice3A_168 : vector<1x1024xbf16> to vector<128x1024xbf16>
    %mul3A_170 = vector.broadcast %convert_element_type3A_41 : vector<128x1xbf16> to vector<128x1024xbf16>
    %mul3A_171 = arith.mulf %mul3A_169, %mul3A_170 : vector<128x1024xbf16>
    %add3A_172 = arith.addf %mul3A_167, %mul3A_171 : vector<128x1024xbf16>
    %slice3A_173 = vector.extract_strided_slice %convert_element_type3A_30 {offsets = [8, 0], sizes = [1, 1024], strides = [1, 1]} : vector<16x1024xbf16> to vector<1x1024xbf16>
    %mul3A_174 = vector.broadcast %slice3A_173 : vector<1x1024xbf16> to vector<128x1024xbf16>
    %mul3A_175 = vector.broadcast %convert_element_type3A_45 : vector<128x1xbf16> to vector<128x1024xbf16>
    %mul3A_176 = arith.mulf %mul3A_174, %mul3A_175 : vector<128x1024xbf16>
    %add3A_177 = arith.addf %add3A_172, %mul3A_176 : vector<128x1024xbf16>
    %max3A_178 = arith.maximumf %max3A_163, %add3A_177 : vector<128x1024xbf16>
    %slice3A_179 = vector.extract_strided_slice %convert_element_type3A_28 {offsets = [9, 0], sizes = [1, 1024], strides = [1, 1]} : vector<16x1024xbf16> to vector<1x1024xbf16>
    %mul3A_180 = vector.broadcast %slice3A_179 : vector<1x1024xbf16> to vector<128x1024xbf16>
    %mul3A_181 = vector.broadcast %convert_element_type3A_37 : vector<128x1xbf16> to vector<128x1024xbf16>
    %mul3A_182 = arith.mulf %mul3A_180, %mul3A_181 : vector<128x1024xbf16>
    %slice3A_183 = vector.extract_strided_slice %convert_element_type3A_29 {offsets = [9, 0], sizes = [1, 1024], strides = [1, 1]} : vector<16x1024xbf16> to vector<1x1024xbf16>
    %mul3A_184 = vector.broadcast %slice3A_183 : vector<1x1024xbf16> to vector<128x1024xbf16>
    %mul3A_185 = vector.broadcast %convert_element_type3A_41 : vector<128x1xbf16> to vector<128x1024xbf16>
    %mul3A_186 = arith.mulf %mul3A_184, %mul3A_185 : vector<128x1024xbf16>
    %add3A_187 = arith.addf %mul3A_182, %mul3A_186 : vector<128x1024xbf16>
    %slice3A_188 = vector.extract_strided_slice %convert_element_type3A_30 {offsets = [9, 0], sizes = [1, 1024], strides = [1, 1]} : vector<16x1024xbf16> to vector<1x1024xbf16>
    %mul3A_189 = vector.broadcast %slice3A_188 : vector<1x1024xbf16> to vector<128x1024xbf16>
    %mul3A_190 = vector.broadcast %convert_element_type3A_45 : vector<128x1xbf16> to vector<128x1024xbf16>
    %mul3A_191 = arith.mulf %mul3A_189, %mul3A_190 : vector<128x1024xbf16>
    %add3A_192 = arith.addf %add3A_187, %mul3A_191 : vector<128x1024xbf16>
    %max3A_193 = arith.maximumf %max3A_178, %add3A_192 : vector<128x1024xbf16>
    %slice3A_194 = vector.extract_strided_slice %convert_element_type3A_28 {offsets = [10, 0], sizes = [1, 1024], strides = [1, 1]} : vector<16x1024xbf16> to vector<1x1024xbf16>
    %mul3A_195 = vector.broadcast %slice3A_194 : vector<1x1024xbf16> to vector<128x1024xbf16>
    %mul3A_196 = vector.broadcast %convert_element_type3A_37 : vector<128x1xbf16> to vector<128x1024xbf16>
    %mul3A_197 = arith.mulf %mul3A_195, %mul3A_196 : vector<128x1024xbf16>
    %slice3A_198 = vector.extract_strided_slice %convert_element_type3A_29 {offsets = [10, 0], sizes = [1, 1024], strides = [1, 1]} : vector<16x1024xbf16> to vector<1x1024xbf16>
    %mul3A_199 = vector.broadcast %slice3A_198 : vector<1x1024xbf16> to vector<128x1024xbf16>
    %mul3A_200 = vector.broadcast %convert_element_type3A_41 : vector<128x1xbf16> to vector<128x1024xbf16>
    %mul3A_201 = arith.mulf %mul3A_199, %mul3A_200 : vector<128x1024xbf16>
    %add3A_202 = arith.addf %mul3A_197, %mul3A_201 : vector<128x1024xbf16>
    %slice3A_203 = vector.extract_strided_slice %convert_element_type3A_30 {offsets = [10, 0], sizes = [1, 1024], strides = [1, 1]} : vector<16x1024xbf16> to vector<1x1024xbf16>
    %mul3A_204 = vector.broadcast %slice3A_203 : vector<1x1024xbf16> to vector<128x1024xbf16>
    %mul3A_205 = vector.broadcast %convert_element_type3A_45 : vector<128x1xbf16> to vector<128x1024xbf16>
    %mul3A_206 = arith.mulf %mul3A_204, %mul3A_205 : vector<128x1024xbf16>
    %add3A_207 = arith.addf %add3A_202, %mul3A_206 : vector<128x1024xbf16>
    %max3A_208 = arith.maximumf %max3A_193, %add3A_207 : vector<128x1024xbf16>
    %slice3A_209 = vector.extract_strided_slice %convert_element_type3A_28 {offsets = [11, 0], sizes = [1, 1024], strides = [1, 1]} : vector<16x1024xbf16> to vector<1x1024xbf16>
    %mul3A_210 = vector.broadcast %slice3A_209 : vector<1x1024xbf16> to vector<128x1024xbf16>
    %mul3A_211 = vector.broadcast %convert_element_type3A_37 : vector<128x1xbf16> to vector<128x1024xbf16>
    %mul3A_212 = arith.mulf %mul3A_210, %mul3A_211 : vector<128x1024xbf16>
    %slice3A_213 = vector.extract_strided_slice %convert_element_type3A_29 {offsets = [11, 0], sizes = [1, 1024], strides = [1, 1]} : vector<16x1024xbf16> to vector<1x1024xbf16>
    %mul3A_214 = vector.broadcast %slice3A_213 : vector<1x1024xbf16> to vector<128x1024xbf16>
    %mul3A_215 = vector.broadcast %convert_element_type3A_41 : vector<128x1xbf16> to vector<128x1024xbf16>
    %mul3A_216 = arith.mulf %mul3A_214, %mul3A_215 : vector<128x1024xbf16>
    %add3A_217 = arith.addf %mul3A_212, %mul3A_216 : vector<128x1024xbf16>
    %slice3A_218 = vector.extract_strided_slice %convert_element_type3A_30 {offsets = [11, 0], sizes = [1, 1024], strides = [1, 1]} : vector<16x1024xbf16> to vector<1x1024xbf16>
    %mul3A_219 = vector.broadcast %slice3A_218 : vector<1x1024xbf16> to vector<128x1024xbf16>
    %mul3A_220 = vector.broadcast %convert_element_type3A_45 : vector<128x1xbf16> to vector<128x1024xbf16>
    %mul3A_221 = arith.mulf %mul3A_219, %mul3A_220 : vector<128x1024xbf16>
    %add3A_222 = arith.addf %add3A_217, %mul3A_221 : vector<128x1024xbf16>
    %max3A_223 = arith.maximumf %max3A_208, %add3A_222 : vector<128x1024xbf16>
    %slice3A_224 = vector.extract_strided_slice %convert_element_type3A_28 {offsets = [12, 0], sizes = [1, 1024], strides = [1, 1]} : vector<16x1024xbf16> to vector<1x1024xbf16>
    %mul3A_225 = vector.broadcast %slice3A_224 : vector<1x1024xbf16> to vector<128x1024xbf16>
    %mul3A_226 = vector.broadcast %convert_element_type3A_37 : vector<128x1xbf16> to vector<128x1024xbf16>
    %mul3A_227 = arith.mulf %mul3A_225, %mul3A_226 : vector<128x1024xbf16>
    %slice3A_228 = vector.extract_strided_slice %convert_element_type3A_29 {offsets = [12, 0], sizes = [1, 1024], strides = [1, 1]} : vector<16x1024xbf16> to vector<1x1024xbf16>
    %mul3A_229 = vector.broadcast %slice3A_228 : vector<1x1024xbf16> to vector<128x1024xbf16>
    %mul3A_230 = vector.broadcast %convert_element_type3A_41 : vector<128x1xbf16> to vector<128x1024xbf16>
    %mul3A_231 = arith.mulf %mul3A_229, %mul3A_230 : vector<128x1024xbf16>
    %add3A_232 = arith.addf %mul3A_227, %mul3A_231 : vector<128x1024xbf16>
    %slice3A_233 = vector.extract_strided_slice %convert_element_type3A_30 {offsets = [12, 0], sizes = [1, 1024], strides = [1, 1]} : vector<16x1024xbf16> to vector<1x1024xbf16>
    %mul3A_234 = vector.broadcast %slice3A_233 : vector<1x1024xbf16> to vector<128x1024xbf16>
    %mul3A_235 = vector.broadcast %convert_element_type3A_45 : vector<128x1xbf16> to vector<128x1024xbf16>
    %mul3A_236 = arith.mulf %mul3A_234, %mul3A_235 : vector<128x1024xbf16>
    %add3A_237 = arith.addf %add3A_232, %mul3A_236 : vector<128x1024xbf16>
    %max3A_238 = arith.maximumf %max3A_223, %add3A_237 : vector<128x1024xbf16>
    %slice3A_239 = vector.extract_strided_slice %convert_element_type3A_28 {offsets = [13, 0], sizes = [1, 1024], strides = [1, 1]} : vector<16x1024xbf16> to vector<1x1024xbf16>
    %mul3A_240 = vector.broadcast %slice3A_239 : vector<1x1024xbf16> to vector<128x1024xbf16>
    %mul3A_241 = vector.broadcast %convert_element_type3A_37 : vector<128x1xbf16> to vector<128x1024xbf16>
    %mul3A_242 = arith.mulf %mul3A_240, %mul3A_241 : vector<128x1024xbf16>
    %slice3A_243 = vector.extract_strided_slice %convert_element_type3A_29 {offsets = [13, 0], sizes = [1, 1024], strides = [1, 1]} : vector<16x1024xbf16> to vector<1x1024xbf16>
    %mul3A_244 = vector.broadcast %slice3A_243 : vector<1x1024xbf16> to vector<128x1024xbf16>
    %mul3A_245 = vector.broadcast %convert_element_type3A_41 : vector<128x1xbf16> to vector<128x1024xbf16>
    %mul3A_246 = arith.mulf %mul3A_244, %mul3A_245 : vector<128x1024xbf16>
    %add3A_247 = arith.addf %mul3A_242, %mul3A_246 : vector<128x1024xbf16>
    %slice3A_248 = vector.extract_strided_slice %convert_element_type3A_30 {offsets = [13, 0], sizes = [1, 1024], strides = [1, 1]} : vector<16x1024xbf16> to vector<1x1024xbf16>
    %mul3A_249 = vector.broadcast %slice3A_248 : vector<1x1024xbf16> to vector<128x1024xbf16>
    %mul3A_250 = vector.broadcast %convert_element_type3A_45 : vector<128x1xbf16> to vector<128x1024xbf16>
    %mul3A_251 = arith.mulf %mul3A_249, %mul3A_250 : vector<128x1024xbf16>
    %add3A_252 = arith.addf %add3A_247, %mul3A_251 : vector<128x1024xbf16>
    %max3A_253 = arith.maximumf %max3A_238, %add3A_252 : vector<128x1024xbf16>
    %slice3A_254 = vector.extract_strided_slice %convert_element_type3A_28 {offsets = [14, 0], sizes = [1, 1024], strides = [1, 1]} : vector<16x1024xbf16> to vector<1x1024xbf16>
    %mul3A_255 = vector.broadcast %slice3A_254 : vector<1x1024xbf16> to vector<128x1024xbf16>
    %mul3A_256 = vector.broadcast %convert_element_type3A_37 : vector<128x1xbf16> to vector<128x1024xbf16>
    %mul3A_257 = arith.mulf %mul3A_255, %mul3A_256 : vector<128x1024xbf16>
    %slice3A_258 = vector.extract_strided_slice %convert_element_type3A_29 {offsets = [14, 0], sizes = [1, 1024], strides = [1, 1]} : vector<16x1024xbf16> to vector<1x1024xbf16>
    %mul3A_259 = vector.broadcast %slice3A_258 : vector<1x1024xbf16> to vector<128x1024xbf16>
    %mul3A_260 = vector.broadcast %convert_element_type3A_41 : vector<128x1xbf16> to vector<128x1024xbf16>
    %mul3A_261 = arith.mulf %mul3A_259, %mul3A_260 : vector<128x1024xbf16>
    %add3A_262 = arith.addf %mul3A_257, %mul3A_261 : vector<128x1024xbf16>
    %slice3A_263 = vector.extract_strided_slice %convert_element_type3A_30 {offsets = [14, 0], sizes = [1, 1024], strides = [1, 1]} : vector<16x1024xbf16> to vector<1x1024xbf16>
    %mul3A_264 = vector.broadcast %slice3A_263 : vector<1x1024xbf16> to vector<128x1024xbf16>
    %mul3A_265 = vector.broadcast %convert_element_type3A_45 : vector<128x1xbf16> to vector<128x1024xbf16>
    %mul3A_266 = arith.mulf %mul3A_264, %mul3A_265 : vector<128x1024xbf16>
    %add3A_267 = arith.addf %add3A_262, %mul3A_266 : vector<128x1024xbf16>
    %max3A_268 = arith.maximumf %max3A_253, %add3A_267 : vector<128x1024xbf16>
    %slice3A_269 = vector.extract_strided_slice %convert_element_type3A_28 {offsets = [15, 0], sizes = [1, 1024], strides = [1, 1]} : vector<16x1024xbf16> to vector<1x1024xbf16>
    %mul3A_270 = vector.broadcast %slice3A_269 : vector<1x1024xbf16> to vector<128x1024xbf16>
    %mul3A_271 = vector.broadcast %convert_element_type3A_37 : vector<128x1xbf16> to vector<128x1024xbf16>
    %mul3A_272 = arith.mulf %mul3A_270, %mul3A_271 : vector<128x1024xbf16>
    %slice3A_273 = vector.extract_strided_slice %convert_element_type3A_29 {offsets = [15, 0], sizes = [1, 1024], strides = [1, 1]} : vector<16x1024xbf16> to vector<1x1024xbf16>
    %mul3A_274 = vector.broadcast %slice3A_273 : vector<1x1024xbf16> to vector<128x1024xbf16>
    %mul3A_275 = vector.broadcast %convert_element_type3A_41 : vector<128x1xbf16> to vector<128x1024xbf16>
    %mul3A_276 = arith.mulf %mul3A_274, %mul3A_275 : vector<128x1024xbf16>
    %add3A_277 = arith.addf %mul3A_272, %mul3A_276 : vector<128x1024xbf16>
    %slice3A_278 = vector.extract_strided_slice %convert_element_type3A_30 {offsets = [15, 0], sizes = [1, 1024], strides = [1, 1]} : vector<16x1024xbf16> to vector<1x1024xbf16>
    %mul3A_279 = vector.broadcast %slice3A_278 : vector<1x1024xbf16> to vector<128x1024xbf16>
    %mul3A_280 = vector.broadcast %convert_element_type3A_45 : vector<128x1xbf16> to vector<128x1024xbf16>
    %mul3A_281 = arith.mulf %mul3A_279, %mul3A_280 : vector<128x1024xbf16>
    %add3A_282 = arith.addf %add3A_277, %mul3A_281 : vector<128x1024xbf16>
    %max3A_283 = arith.maximumf %max3A_268, %add3A_282 : vector<128x1024xbf16>
    %convert_element_type3A_284 = arith.extf %max3A_283 : vector<128x1024xbf16> to vector<128x1024xf32>
    %max3A_285 = arith.constant 0.000000e+00 : f32
    %max3A_286 = vector.broadcast %max3A_285 : f32 to vector<128x1024xf32>
    %max3A_287 = arith.maximumf %convert_element_type3A_284, %max3A_286 : vector<128x1024xf32>
    %mul3A_288 = arith.mulf %transpose3A, %max3A_287 : vector<128x1024xf32>
    %reduce_sum3A = arith.constant dense<0.000000e+00> : vector<1024xf32>
    %reduce_sum3A_289 = vector.multi_reduction <add>, %mul3A_288, %reduce_sum3A [0] : vector<128x1024xf32> to vector<1024xf32>
    %broadcast_in_dim3A_290 = vector.shape_cast %reduce_sum3A_289 : vector<1024xf32> to vector<1x1024xf32>
    %get3A_291 = arith.constant 128 : index
    %get3A_292 = arith.constant 0 : index
    %get3A_293 = vector.load %arg8[%get3A_291, %get3A_292] : memref<1024x8xf32, #tpu.memory_space<vmem>>, vector<128x1xf32>
    %convert_element_type3A_294 = arith.truncf %get3A_293 : vector<128x1xf32> to vector<128x1xbf16>
    %get3A_295 = arith.constant 128 : index
    %get3A_296 = arith.constant 1 : index
    %get3A_297 = vector.load %arg8[%get3A_295, %get3A_296] : memref<1024x8xf32, #tpu.memory_space<vmem>>, vector<128x1xf32>
    %convert_element_type3A_298 = arith.truncf %get3A_297 : vector<128x1xf32> to vector<128x1xbf16>
    %get3A_299 = arith.constant 128 : index
    %get3A_300 = arith.constant 2 : index
    %get3A_301 = vector.load %arg8[%get3A_299, %get3A_300] : memref<1024x8xf32, #tpu.memory_space<vmem>>, vector<128x1xf32>
    %convert_element_type3A_302 = arith.truncf %get3A_301 : vector<128x1xf32> to vector<128x1xbf16>
    %slice3A_303 = vector.extract_strided_slice %convert_element_type3A_28 {offsets = [0, 0], sizes = [1, 1024], strides = [1, 1]} : vector<16x1024xbf16> to vector<1x1024xbf16>
    %mul3A_304 = vector.broadcast %slice3A_303 : vector<1x1024xbf16> to vector<128x1024xbf16>
    %mul3A_305 = vector.broadcast %convert_element_type3A_294 : vector<128x1xbf16> to vector<128x1024xbf16>
    %mul3A_306 = arith.mulf %mul3A_304, %mul3A_305 : vector<128x1024xbf16>
    %slice3A_307 = vector.extract_strided_slice %convert_element_type3A_29 {offsets = [0, 0], sizes = [1, 1024], strides = [1, 1]} : vector<16x1024xbf16> to vector<1x1024xbf16>
    %mul3A_308 = vector.broadcast %slice3A_307 : vector<1x1024xbf16> to vector<128x1024xbf16>
    %mul3A_309 = vector.broadcast %convert_element_type3A_298 : vector<128x1xbf16> to vector<128x1024xbf16>
    %mul3A_310 = arith.mulf %mul3A_308, %mul3A_309 : vector<128x1024xbf16>
    %add3A_311 = arith.addf %mul3A_306, %mul3A_310 : vector<128x1024xbf16>
    %slice3A_312 = vector.extract_strided_slice %convert_element_type3A_30 {offsets = [0, 0], sizes = [1, 1024], strides = [1, 1]} : vector<16x1024xbf16> to vector<1x1024xbf16>
    %mul3A_313 = vector.broadcast %slice3A_312 : vector<1x1024xbf16> to vector<128x1024xbf16>
    %mul3A_314 = vector.broadcast %convert_element_type3A_302 : vector<128x1xbf16> to vector<128x1024xbf16>
    %mul3A_315 = arith.mulf %mul3A_313, %mul3A_314 : vector<128x1024xbf16>
    %add3A_316 = arith.addf %add3A_311, %mul3A_315 : vector<128x1024xbf16>
    %slice3A_317 = vector.extract_strided_slice %convert_element_type3A_28 {offsets = [1, 0], sizes = [1, 1024], strides = [1, 1]} : vector<16x1024xbf16> to vector<1x1024xbf16>
    %mul3A_318 = vector.broadcast %slice3A_317 : vector<1x1024xbf16> to vector<128x1024xbf16>
    %mul3A_319 = vector.broadcast %convert_element_type3A_294 : vector<128x1xbf16> to vector<128x1024xbf16>
    %mul3A_320 = arith.mulf %mul3A_318, %mul3A_319 : vector<128x1024xbf16>
    %slice3A_321 = vector.extract_strided_slice %convert_element_type3A_29 {offsets = [1, 0], sizes = [1, 1024], strides = [1, 1]} : vector<16x1024xbf16> to vector<1x1024xbf16>
    %mul3A_322 = vector.broadcast %slice3A_321 : vector<1x1024xbf16> to vector<128x1024xbf16>
    %mul3A_323 = vector.broadcast %convert_element_type3A_298 : vector<128x1xbf16> to vector<128x1024xbf16>
    %mul3A_324 = arith.mulf %mul3A_322, %mul3A_323 : vector<128x1024xbf16>
    %add3A_325 = arith.addf %mul3A_320, %mul3A_324 : vector<128x1024xbf16>
    %slice3A_326 = vector.extract_strided_slice %convert_element_type3A_30 {offsets = [1, 0], sizes = [1, 1024], strides = [1, 1]} : vector<16x1024xbf16> to vector<1x1024xbf16>
    %mul3A_327 = vector.broadcast %slice3A_326 : vector<1x1024xbf16> to vector<128x1024xbf16>
    %mul3A_328 = vector.broadcast %convert_element_type3A_302 : vector<128x1xbf16> to vector<128x1024xbf16>
    %mul3A_329 = arith.mulf %mul3A_327, %mul3A_328 : vector<128x1024xbf16>
    %add3A_330 = arith.addf %add3A_325, %mul3A_329 : vector<128x1024xbf16>
    %max3A_331 = arith.maximumf %add3A_316, %add3A_330 : vector<128x1024xbf16>
    %slice3A_332 = vector.extract_strided_slice %convert_element_type3A_28 {offsets = [2, 0], sizes = [1, 1024], strides = [1, 1]} : vector<16x1024xbf16> to vector<1x1024xbf16>
    %mul3A_333 = vector.broadcast %slice3A_332 : vector<1x1024xbf16> to vector<128x1024xbf16>
    %mul3A_334 = vector.broadcast %convert_element_type3A_294 : vector<128x1xbf16> to vector<128x1024xbf16>
    %mul3A_335 = arith.mulf %mul3A_333, %mul3A_334 : vector<128x1024xbf16>
    %slice3A_336 = vector.extract_strided_slice %convert_element_type3A_29 {offsets = [2, 0], sizes = [1, 1024], strides = [1, 1]} : vector<16x1024xbf16> to vector<1x1024xbf16>
    %mul3A_337 = vector.broadcast %slice3A_336 : vector<1x1024xbf16> to vector<128x1024xbf16>
    %mul3A_338 = vector.broadcast %convert_element_type3A_298 : vector<128x1xbf16> to vector<128x1024xbf16>
    %mul3A_339 = arith.mulf %mul3A_337, %mul3A_338 : vector<128x1024xbf16>
    %add3A_340 = arith.addf %mul3A_335, %mul3A_339 : vector<128x1024xbf16>
    %slice3A_341 = vector.extract_strided_slice %convert_element_type3A_30 {offsets = [2, 0], sizes = [1, 1024], strides = [1, 1]} : vector<16x1024xbf16> to vector<1x1024xbf16>
    %mul3A_342 = vector.broadcast %slice3A_341 : vector<1x1024xbf16> to vector<128x1024xbf16>
    %mul3A_343 = vector.broadcast %convert_element_type3A_302 : vector<128x1xbf16> to vector<128x1024xbf16>
    %mul3A_344 = arith.mulf %mul3A_342, %mul3A_343 : vector<128x1024xbf16>
    %add3A_345 = arith.addf %add3A_340, %mul3A_344 : vector<128x1024xbf16>
    %max3A_346 = arith.maximumf %max3A_331, %add3A_345 : vector<128x1024xbf16>
    %slice3A_347 = vector.extract_strided_slice %convert_element_type3A_28 {offsets = [3, 0], sizes = [1, 1024], strides = [1, 1]} : vector<16x1024xbf16> to vector<1x1024xbf16>
    %mul3A_348 = vector.broadcast %slice3A_347 : vector<1x1024xbf16> to vector<128x1024xbf16>
    %mul3A_349 = vector.broadcast %convert_element_type3A_294 : vector<128x1xbf16> to vector<128x1024xbf16>
    %mul3A_350 = arith.mulf %mul3A_348, %mul3A_349 : vector<128x1024xbf16>
    %slice3A_351 = vector.extract_strided_slice %convert_element_type3A_29 {offsets = [3, 0], sizes = [1, 1024], strides = [1, 1]} : vector<16x1024xbf16> to vector<1x1024xbf16>
    %mul3A_352 = vector.broadcast %slice3A_351 : vector<1x1024xbf16> to vector<128x1024xbf16>
    %mul3A_353 = vector.broadcast %convert_element_type3A_298 : vector<128x1xbf16> to vector<128x1024xbf16>
    %mul3A_354 = arith.mulf %mul3A_352, %mul3A_353 : vector<128x1024xbf16>
    %add3A_355 = arith.addf %mul3A_350, %mul3A_354 : vector<128x1024xbf16>
    %slice3A_356 = vector.extract_strided_slice %convert_element_type3A_30 {offsets = [3, 0], sizes = [1, 1024], strides = [1, 1]} : vector<16x1024xbf16> to vector<1x1024xbf16>
    %mul3A_357 = vector.broadcast %slice3A_356 : vector<1x1024xbf16> to vector<128x1024xbf16>
    %mul3A_358 = vector.broadcast %convert_element_type3A_302 : vector<128x1xbf16> to vector<128x1024xbf16>
    %mul3A_359 = arith.mulf %mul3A_357, %mul3A_358 : vector<128x1024xbf16>
    %add3A_360 = arith.addf %add3A_355, %mul3A_359 : vector<128x1024xbf16>
    %max3A_361 = arith.maximumf %max3A_346, %add3A_360 : vector<128x1024xbf16>
    %slice3A_362 = vector.extract_strided_slice %convert_element_type3A_28 {offsets = [4, 0], sizes = [1, 1024], strides = [1, 1]} : vector<16x1024xbf16> to vector<1x1024xbf16>
    %mul3A_363 = vector.broadcast %slice3A_362 : vector<1x1024xbf16> to vector<128x1024xbf16>
    %mul3A_364 = vector.broadcast %convert_element_type3A_294 : vector<128x1xbf16> to vector<128x1024xbf16>
    %mul3A_365 = arith.mulf %mul3A_363, %mul3A_364 : vector<128x1024xbf16>
    %slice3A_366 = vector.extract_strided_slice %convert_element_type3A_29 {offsets = [4, 0], sizes = [1, 1024], strides = [1, 1]} : vector<16x1024xbf16> to vector<1x1024xbf16>
    %mul3A_367 = vector.broadcast %slice3A_366 : vector<1x1024xbf16> to vector<128x1024xbf16>
    %mul3A_368 = vector.broadcast %convert_element_type3A_298 : vector<128x1xbf16> to vector<128x1024xbf16>
    %mul3A_369 = arith.mulf %mul3A_367, %mul3A_368 : vector<128x1024xbf16>
    %add3A_370 = arith.addf %mul3A_365, %mul3A_369 : vector<128x1024xbf16>
    %slice3A_371 = vector.extract_strided_slice %convert_element_type3A_30 {offsets = [4, 0], sizes = [1, 1024], strides = [1, 1]} : vector<16x1024xbf16> to vector<1x1024xbf16>
    %mul3A_372 = vector.broadcast %slice3A_371 : vector<1x1024xbf16> to vector<128x1024xbf16>
    %mul3A_373 = vector.broadcast %convert_element_type3A_302 : vector<128x1xbf16> to vector<128x1024xbf16>
    %mul3A_374 = arith.mulf %mul3A_372, %mul3A_373 : vector<128x1024xbf16>
    %add3A_375 = arith.addf %add3A_370, %mul3A_374 : vector<128x1024xbf16>
    %max3A_376 = arith.maximumf %max3A_361, %add3A_375 : vector<128x1024xbf16>
    %slice3A_377 = vector.extract_strided_slice %convert_element_type3A_28 {offsets = [5, 0], sizes = [1, 1024], strides = [1, 1]} : vector<16x1024xbf16> to vector<1x1024xbf16>
    %mul3A_378 = vector.broadcast %slice3A_377 : vector<1x1024xbf16> to vector<128x1024xbf16>
    %mul3A_379 = vector.broadcast %convert_element_type3A_294 : vector<128x1xbf16> to vector<128x1024xbf16>
    %mul3A_380 = arith.mulf %mul3A_378, %mul3A_379 : vector<128x1024xbf16>
    %slice3A_381 = vector.extract_strided_slice %convert_element_type3A_29 {offsets = [5, 0], sizes = [1, 1024], strides = [1, 1]} : vector<16x1024xbf16> to vector<1x1024xbf16>
    %mul3A_382 = vector.broadcast %slice3A_381 : vector<1x1024xbf16> to vector<128x1024xbf16>
    %mul3A_383 = vector.broadcast %convert_element_type3A_298 : vector<128x1xbf16> to vector<128x1024xbf16>
    %mul3A_384 = arith.mulf %mul3A_382, %mul3A_383 : vector<128x1024xbf16>
    %add3A_385 = arith.addf %mul3A_380, %mul3A_384 : vector<128x1024xbf16>
    %slice3A_386 = vector.extract_strided_slice %convert_element_type3A_30 {offsets = [5, 0], sizes = [1, 1024], strides = [1, 1]} : vector<16x1024xbf16> to vector<1x1024xbf16>
    %mul3A_387 = vector.broadcast %slice3A_386 : vector<1x1024xbf16> to vector<128x1024xbf16>
    %mul3A_388 = vector.broadcast %convert_element_type3A_302 : vector<128x1xbf16> to vector<128x1024xbf16>
    %mul3A_389 = arith.mulf %mul3A_387, %mul3A_388 : vector<128x1024xbf16>
    %add3A_390 = arith.addf %add3A_385, %mul3A_389 : vector<128x1024xbf16>
    %max3A_391 = arith.maximumf %max3A_376, %add3A_390 : vector<128x1024xbf16>
    %slice3A_392 = vector.extract_strided_slice %convert_element_type3A_28 {offsets = [6, 0], sizes = [1, 1024], strides = [1, 1]} : vector<16x1024xbf16> to vector<1x1024xbf16>
    %mul3A_393 = vector.broadcast %slice3A_392 : vector<1x1024xbf16> to vector<128x1024xbf16>
    %mul3A_394 = vector.broadcast %convert_element_type3A_294 : vector<128x1xbf16> to vector<128x1024xbf16>
    %mul3A_395 = arith.mulf %mul3A_393, %mul3A_394 : vector<128x1024xbf16>
    %slice3A_396 = vector.extract_strided_slice %convert_element_type3A_29 {offsets = [6, 0], sizes = [1, 1024], strides = [1, 1]} : vector<16x1024xbf16> to vector<1x1024xbf16>
    %mul3A_397 = vector.broadcast %slice3A_396 : vector<1x1024xbf16> to vector<128x1024xbf16>
    %mul3A_398 = vector.broadcast %convert_element_type3A_298 : vector<128x1xbf16> to vector<128x1024xbf16>
    %mul3A_399 = arith.mulf %mul3A_397, %mul3A_398 : vector<128x1024xbf16>
    %add3A_400 = arith.addf %mul3A_395, %mul3A_399 : vector<128x1024xbf16>
    %slice3A_401 = vector.extract_strided_slice %convert_element_type3A_30 {offsets = [6, 0], sizes = [1, 1024], strides = [1, 1]} : vector<16x1024xbf16> to vector<1x1024xbf16>
    %mul3A_402 = vector.broadcast %slice3A_401 : vector<1x1024xbf16> to vector<128x1024xbf16>
    %mul3A_403 = vector.broadcast %convert_element_type3A_302 : vector<128x1xbf16> to vector<128x1024xbf16>
    %mul3A_404 = arith.mulf %mul3A_402, %mul3A_403 : vector<128x1024xbf16>
    %add3A_405 = arith.addf %add3A_400, %mul3A_404 : vector<128x1024xbf16>
    %max3A_406 = arith.maximumf %max3A_391, %add3A_405 : vector<128x1024xbf16>
    %slice3A_407 = vector.extract_strided_slice %convert_element_type3A_28 {offsets = [7, 0], sizes = [1, 1024], strides = [1, 1]} : vector<16x1024xbf16> to vector<1x1024xbf16>
    %mul3A_408 = vector.broadcast %slice3A_407 : vector<1x1024xbf16> to vector<128x1024xbf16>
    %mul3A_409 = vector.broadcast %convert_element_type3A_294 : vector<128x1xbf16> to vector<128x1024xbf16>
    %mul3A_410 = arith.mulf %mul3A_408, %mul3A_409 : vector<128x1024xbf16>
    %slice3A_411 = vector.extract_strided_slice %convert_element_type3A_29 {offsets = [7, 0], sizes = [1, 1024], strides = [1, 1]} : vector<16x1024xbf16> to vector<1x1024xbf16>
    %mul3A_412 = vector.broadcast %slice3A_411 : vector<1x1024xbf16> to vector<128x1024xbf16>
    %mul3A_413 = vector.broadcast %convert_element_type3A_298 : vector<128x1xbf16> to vector<128x1024xbf16>
    %mul3A_414 = arith.mulf %mul3A_412, %mul3A_413 : vector<128x1024xbf16>
    %add3A_415 = arith.addf %mul3A_410, %mul3A_414 : vector<128x1024xbf16>
    %slice3A_416 = vector.extract_strided_slice %convert_element_type3A_30 {offsets = [7, 0], sizes = [1, 1024], strides = [1, 1]} : vector<16x1024xbf16> to vector<1x1024xbf16>
    %mul3A_417 = vector.broadcast %slice3A_416 : vector<1x1024xbf16> to vector<128x1024xbf16>
    %mul3A_418 = vector.broadcast %convert_element_type3A_302 : vector<128x1xbf16> to vector<128x1024xbf16>
    %mul3A_419 = arith.mulf %mul3A_417, %mul3A_418 : vector<128x1024xbf16>
    %add3A_420 = arith.addf %add3A_415, %mul3A_419 : vector<128x1024xbf16>
    %max3A_421 = arith.maximumf %max3A_406, %add3A_420 : vector<128x1024xbf16>
    %slice3A_422 = vector.extract_strided_slice %convert_element_type3A_28 {offsets = [8, 0], sizes = [1, 1024], strides = [1, 1]} : vector<16x1024xbf16> to vector<1x1024xbf16>
    %mul3A_423 = vector.broadcast %slice3A_422 : vector<1x1024xbf16> to vector<128x1024xbf16>
    %mul3A_424 = vector.broadcast %convert_element_type3A_294 : vector<128x1xbf16> to vector<128x1024xbf16>
    %mul3A_425 = arith.mulf %mul3A_423, %mul3A_424 : vector<128x1024xbf16>
    %slice3A_426 = vector.extract_strided_slice %convert_element_type3A_29 {offsets = [8, 0], sizes = [1, 1024], strides = [1, 1]} : vector<16x1024xbf16> to vector<1x1024xbf16>
    %mul3A_427 = vector.broadcast %slice3A_426 : vector<1x1024xbf16> to vector<128x1024xbf16>
    %mul3A_428 = vector.broadcast %convert_element_type3A_298 : vector<128x1xbf16> to vector<128x1024xbf16>
    %mul3A_429 = arith.mulf %mul3A_427, %mul3A_428 : vector<128x1024xbf16>
    %add3A_430 = arith.addf %mul3A_425, %mul3A_429 : vector<128x1024xbf16>
    %slice3A_431 = vector.extract_strided_slice %convert_element_type3A_30 {offsets = [8, 0], sizes = [1, 1024], strides = [1, 1]} : vector<16x1024xbf16> to vector<1x1024xbf16>
    %mul3A_432 = vector.broadcast %slice3A_431 : vector<1x1024xbf16> to vector<128x1024xbf16>
    %mul3A_433 = vector.broadcast %convert_element_type3A_302 : vector<128x1xbf16> to vector<128x1024xbf16>
    %mul3A_434 = arith.mulf %mul3A_432, %mul3A_433 : vector<128x1024xbf16>
    %add3A_435 = arith.addf %add3A_430, %mul3A_434 : vector<128x1024xbf16>
    %max3A_436 = arith.maximumf %max3A_421, %add3A_435 : vector<128x1024xbf16>
    %slice3A_437 = vector.extract_strided_slice %convert_element_type3A_28 {offsets = [9, 0], sizes = [1, 1024], strides = [1, 1]} : vector<16x1024xbf16> to vector<1x1024xbf16>
    %mul3A_438 = vector.broadcast %slice3A_437 : vector<1x1024xbf16> to vector<128x1024xbf16>
    %mul3A_439 = vector.broadcast %convert_element_type3A_294 : vector<128x1xbf16> to vector<128x1024xbf16>
    %mul3A_440 = arith.mulf %mul3A_438, %mul3A_439 : vector<128x1024xbf16>
    %slice3A_441 = vector.extract_strided_slice %convert_element_type3A_29 {offsets = [9, 0], sizes = [1, 1024], strides = [1, 1]} : vector<16x1024xbf16> to vector<1x1024xbf16>
    %mul3A_442 = vector.broadcast %slice3A_441 : vector<1x1024xbf16> to vector<128x1024xbf16>
    %mul3A_443 = vector.broadcast %convert_element_type3A_298 : vector<128x1xbf16> to vector<128x1024xbf16>
    %mul3A_444 = arith.mulf %mul3A_442, %mul3A_443 : vector<128x1024xbf16>
    %add3A_445 = arith.addf %mul3A_440, %mul3A_444 : vector<128x1024xbf16>
    %slice3A_446 = vector.extract_strided_slice %convert_element_type3A_30 {offsets = [9, 0], sizes = [1, 1024], strides = [1, 1]} : vector<16x1024xbf16> to vector<1x1024xbf16>
    %mul3A_447 = vector.broadcast %slice3A_446 : vector<1x1024xbf16> to vector<128x1024xbf16>
    %mul3A_448 = vector.broadcast %convert_element_type3A_302 : vector<128x1xbf16> to vector<128x1024xbf16>
    %mul3A_449 = arith.mulf %mul3A_447, %mul3A_448 : vector<128x1024xbf16>
    %add3A_450 = arith.addf %add3A_445, %mul3A_449 : vector<128x1024xbf16>
    %max3A_451 = arith.maximumf %max3A_436, %add3A_450 : vector<128x1024xbf16>
    %slice3A_452 = vector.extract_strided_slice %convert_element_type3A_28 {offsets = [10, 0], sizes = [1, 1024], strides = [1, 1]} : vector<16x1024xbf16> to vector<1x1024xbf16>
    %mul3A_453 = vector.broadcast %slice3A_452 : vector<1x1024xbf16> to vector<128x1024xbf16>
    %mul3A_454 = vector.broadcast %convert_element_type3A_294 : vector<128x1xbf16> to vector<128x1024xbf16>
    %mul3A_455 = arith.mulf %mul3A_453, %mul3A_454 : vector<128x1024xbf16>
    %slice3A_456 = vector.extract_strided_slice %convert_element_type3A_29 {offsets = [10, 0], sizes = [1, 1024], strides = [1, 1]} : vector<16x1024xbf16> to vector<1x1024xbf16>
    %mul3A_457 = vector.broadcast %slice3A_456 : vector<1x1024xbf16> to vector<128x1024xbf16>
    %mul3A_458 = vector.broadcast %convert_element_type3A_298 : vector<128x1xbf16> to vector<128x1024xbf16>
    %mul3A_459 = arith.mulf %mul3A_457, %mul3A_458 : vector<128x1024xbf16>
    %add3A_460 = arith.addf %mul3A_455, %mul3A_459 : vector<128x1024xbf16>
    %slice3A_461 = vector.extract_strided_slice %convert_element_type3A_30 {offsets = [10, 0], sizes = [1, 1024], strides = [1, 1]} : vector<16x1024xbf16> to vector<1x1024xbf16>
    %mul3A_462 = vector.broadcast %slice3A_461 : vector<1x1024xbf16> to vector<128x1024xbf16>
    %mul3A_463 = vector.broadcast %convert_element_type3A_302 : vector<128x1xbf16> to vector<128x1024xbf16>
    %mul3A_464 = arith.mulf %mul3A_462, %mul3A_463 : vector<128x1024xbf16>
    %add3A_465 = arith.addf %add3A_460, %mul3A_464 : vector<128x1024xbf16>
    %max3A_466 = arith.maximumf %max3A_451, %add3A_465 : vector<128x1024xbf16>
    %slice3A_467 = vector.extract_strided_slice %convert_element_type3A_28 {offsets = [11, 0], sizes = [1, 1024], strides = [1, 1]} : vector<16x1024xbf16> to vector<1x1024xbf16>
    %mul3A_468 = vector.broadcast %slice3A_467 : vector<1x1024xbf16> to vector<128x1024xbf16>
    %mul3A_469 = vector.broadcast %convert_element_type3A_294 : vector<128x1xbf16> to vector<128x1024xbf16>
    %mul3A_470 = arith.mulf %mul3A_468, %mul3A_469 : vector<128x1024xbf16>
    %slice3A_471 = vector.extract_strided_slice %convert_element_type3A_29 {offsets = [11, 0], sizes = [1, 1024], strides = [1, 1]} : vector<16x1024xbf16> to vector<1x1024xbf16>
    %mul3A_472 = vector.broadcast %slice3A_471 : vector<1x1024xbf16> to vector<128x1024xbf16>
    %mul3A_473 = vector.broadcast %convert_element_type3A_298 : vector<128x1xbf16> to vector<128x1024xbf16>
    %mul3A_474 = arith.mulf %mul3A_472, %mul3A_473 : vector<128x1024xbf16>
    %add3A_475 = arith.addf %mul3A_470, %mul3A_474 : vector<128x1024xbf16>
    %slice3A_476 = vector.extract_strided_slice %convert_element_type3A_30 {offsets = [11, 0], sizes = [1, 1024], strides = [1, 1]} : vector<16x1024xbf16> to vector<1x1024xbf16>
    %mul3A_477 = vector.broadcast %slice3A_476 : vector<1x1024xbf16> to vector<128x1024xbf16>
    %mul3A_478 = vector.broadcast %convert_element_type3A_302 : vector<128x1xbf16> to vector<128x1024xbf16>
    %mul3A_479 = arith.mulf %mul3A_477, %mul3A_478 : vector<128x1024xbf16>
    %add3A_480 = arith.addf %add3A_475, %mul3A_479 : vector<128x1024xbf16>
    %max3A_481 = arith.maximumf %max3A_466, %add3A_480 : vector<128x1024xbf16>
    %slice3A_482 = vector.extract_strided_slice %convert_element_type3A_28 {offsets = [12, 0], sizes = [1, 1024], strides = [1, 1]} : vector<16x1024xbf16> to vector<1x1024xbf16>
    %mul3A_483 = vector.broadcast %slice3A_482 : vector<1x1024xbf16> to vector<128x1024xbf16>
    %mul3A_484 = vector.broadcast %convert_element_type3A_294 : vector<128x1xbf16> to vector<128x1024xbf16>
    %mul3A_485 = arith.mulf %mul3A_483, %mul3A_484 : vector<128x1024xbf16>
    %slice3A_486 = vector.extract_strided_slice %convert_element_type3A_29 {offsets = [12, 0], sizes = [1, 1024], strides = [1, 1]} : vector<16x1024xbf16> to vector<1x1024xbf16>
    %mul3A_487 = vector.broadcast %slice3A_486 : vector<1x1024xbf16> to vector<128x1024xbf16>
    %mul3A_488 = vector.broadcast %convert_element_type3A_298 : vector<128x1xbf16> to vector<128x1024xbf16>
    %mul3A_489 = arith.mulf %mul3A_487, %mul3A_488 : vector<128x1024xbf16>
    %add3A_490 = arith.addf %mul3A_485, %mul3A_489 : vector<128x1024xbf16>
    %slice3A_491 = vector.extract_strided_slice %convert_element_type3A_30 {offsets = [12, 0], sizes = [1, 1024], strides = [1, 1]} : vector<16x1024xbf16> to vector<1x1024xbf16>
    %mul3A_492 = vector.broadcast %slice3A_491 : vector<1x1024xbf16> to vector<128x1024xbf16>
    %mul3A_493 = vector.broadcast %convert_element_type3A_302 : vector<128x1xbf16> to vector<128x1024xbf16>
    %mul3A_494 = arith.mulf %mul3A_492, %mul3A_493 : vector<128x1024xbf16>
    %add3A_495 = arith.addf %add3A_490, %mul3A_494 : vector<128x1024xbf16>
    %max3A_496 = arith.maximumf %max3A_481, %add3A_495 : vector<128x1024xbf16>
    %slice3A_497 = vector.extract_strided_slice %convert_element_type3A_28 {offsets = [13, 0], sizes = [1, 1024], strides = [1, 1]} : vector<16x1024xbf16> to vector<1x1024xbf16>
    %mul3A_498 = vector.broadcast %slice3A_497 : vector<1x1024xbf16> to vector<128x1024xbf16>
    %mul3A_499 = vector.broadcast %convert_element_type3A_294 : vector<128x1xbf16> to vector<128x1024xbf16>
    %mul3A_500 = arith.mulf %mul3A_498, %mul3A_499 : vector<128x1024xbf16>
    %slice3A_501 = vector.extract_strided_slice %convert_element_type3A_29 {offsets = [13, 0], sizes = [1, 1024], strides = [1, 1]} : vector<16x1024xbf16> to vector<1x1024xbf16>
    %mul3A_502 = vector.broadcast %slice3A_501 : vector<1x1024xbf16> to vector<128x1024xbf16>
    %mul3A_503 = vector.broadcast %convert_element_type3A_298 : vector<128x1xbf16> to vector<128x1024xbf16>
    %mul3A_504 = arith.mulf %mul3A_502, %mul3A_503 : vector<128x1024xbf16>
    %add3A_505 = arith.addf %mul3A_500, %mul3A_504 : vector<128x1024xbf16>
    %slice3A_506 = vector.extract_strided_slice %convert_element_type3A_30 {offsets = [13, 0], sizes = [1, 1024], strides = [1, 1]} : vector<16x1024xbf16> to vector<1x1024xbf16>
    %mul3A_507 = vector.broadcast %slice3A_506 : vector<1x1024xbf16> to vector<128x1024xbf16>
    %mul3A_508 = vector.broadcast %convert_element_type3A_302 : vector<128x1xbf16> to vector<128x1024xbf16>
    %mul3A_509 = arith.mulf %mul3A_507, %mul3A_508 : vector<128x1024xbf16>
    %add3A_510 = arith.addf %add3A_505, %mul3A_509 : vector<128x1024xbf16>
    %max3A_511 = arith.maximumf %max3A_496, %add3A_510 : vector<128x1024xbf16>
    %slice3A_512 = vector.extract_strided_slice %convert_element_type3A_28 {offsets = [14, 0], sizes = [1, 1024], strides = [1, 1]} : vector<16x1024xbf16> to vector<1x1024xbf16>
    %mul3A_513 = vector.broadcast %slice3A_512 : vector<1x1024xbf16> to vector<128x1024xbf16>
    %mul3A_514 = vector.broadcast %convert_element_type3A_294 : vector<128x1xbf16> to vector<128x1024xbf16>
    %mul3A_515 = arith.mulf %mul3A_513, %mul3A_514 : vector<128x1024xbf16>
    %slice3A_516 = vector.extract_strided_slice %convert_element_type3A_29 {offsets = [14, 0], sizes = [1, 1024], strides = [1, 1]} : vector<16x1024xbf16> to vector<1x1024xbf16>
    %mul3A_517 = vector.broadcast %slice3A_516 : vector<1x1024xbf16> to vector<128x1024xbf16>
    %mul3A_518 = vector.broadcast %convert_element_type3A_298 : vector<128x1xbf16> to vector<128x1024xbf16>
    %mul3A_519 = arith.mulf %mul3A_517, %mul3A_518 : vector<128x1024xbf16>
    %add3A_520 = arith.addf %mul3A_515, %mul3A_519 : vector<128x1024xbf16>
    %slice3A_521 = vector.extract_strided_slice %convert_element_type3A_30 {offsets = [14, 0], sizes = [1, 1024], strides = [1, 1]} : vector<16x1024xbf16> to vector<1x1024xbf16>
    %mul3A_522 = vector.broadcast %slice3A_521 : vector<1x1024xbf16> to vector<128x1024xbf16>
    %mul3A_523 = vector.broadcast %convert_element_type3A_302 : vector<128x1xbf16> to vector<128x1024xbf16>
    %mul3A_524 = arith.mulf %mul3A_522, %mul3A_523 : vector<128x1024xbf16>
    %add3A_525 = arith.addf %add3A_520, %mul3A_524 : vector<128x1024xbf16>
    %max3A_526 = arith.maximumf %max3A_511, %add3A_525 : vector<128x1024xbf16>
    %slice3A_527 = vector.extract_strided_slice %convert_element_type3A_28 {offsets = [15, 0], sizes = [1, 1024], strides = [1, 1]} : vector<16x1024xbf16> to vector<1x1024xbf16>
    %mul3A_528 = vector.broadcast %slice3A_527 : vector<1x1024xbf16> to vector<128x1024xbf16>
    %mul3A_529 = vector.broadcast %convert_element_type3A_294 : vector<128x1xbf16> to vector<128x1024xbf16>
    %mul3A_530 = arith.mulf %mul3A_528, %mul3A_529 : vector<128x1024xbf16>
    %slice3A_531 = vector.extract_strided_slice %convert_element_type3A_29 {offsets = [15, 0], sizes = [1, 1024], strides = [1, 1]} : vector<16x1024xbf16> to vector<1x1024xbf16>
    %mul3A_532 = vector.broadcast %slice3A_531 : vector<1x1024xbf16> to vector<128x1024xbf16>
    %mul3A_533 = vector.broadcast %convert_element_type3A_298 : vector<128x1xbf16> to vector<128x1024xbf16>
    %mul3A_534 = arith.mulf %mul3A_532, %mul3A_533 : vector<128x1024xbf16>
    %add3A_535 = arith.addf %mul3A_530, %mul3A_534 : vector<128x1024xbf16>
    %slice3A_536 = vector.extract_strided_slice %convert_element_type3A_30 {offsets = [15, 0], sizes = [1, 1024], strides = [1, 1]} : vector<16x1024xbf16> to vector<1x1024xbf16>
    %mul3A_537 = vector.broadcast %slice3A_536 : vector<1x1024xbf16> to vector<128x1024xbf16>
    %mul3A_538 = vector.broadcast %convert_element_type3A_302 : vector<128x1xbf16> to vector<128x1024xbf16>
    %mul3A_539 = arith.mulf %mul3A_537, %mul3A_538 : vector<128x1024xbf16>
    %add3A_540 = arith.addf %add3A_535, %mul3A_539 : vector<128x1024xbf16>
    %max3A_541 = arith.maximumf %max3A_526, %add3A_540 : vector<128x1024xbf16>
    %convert_element_type3A_542 = arith.extf %max3A_541 : vector<128x1024xbf16> to vector<128x1024xf32>
    %max3A_543 = arith.constant 0.000000e+00 : f32
    %max3A_544 = vector.broadcast %max3A_543 : f32 to vector<128x1024xf32>
    %max3A_545 = arith.maximumf %convert_element_type3A_542, %max3A_544 : vector<128x1024xf32>
    %mul3A_546 = arith.mulf %transpose3A, %max3A_545 : vector<128x1024xf32>
    %reduce_sum3A_547 = arith.constant dense<0.000000e+00> : vector<1024xf32>
    %reduce_sum3A_548 = vector.multi_reduction <add>, %mul3A_546, %reduce_sum3A_547 [0] : vector<128x1024xf32> to vector<1024xf32>
    %broadcast_in_dim3A_549 = vector.shape_cast %reduce_sum3A_548 : vector<1024xf32> to vector<1x1024xf32>
    %get3A_550 = arith.constant 256 : index
    %get3A_551 = arith.constant 0 : index
    %get3A_552 = vector.load %arg8[%get3A_550, %get3A_551] : memref<1024x8xf32, #tpu.memory_space<vmem>>, vector<128x1xf32>
    %convert_element_type3A_553 = arith.truncf %get3A_552 : vector<128x1xf32> to vector<128x1xbf16>
    %get3A_554 = arith.constant 256 : index
    %get3A_555 = arith.constant 1 : index
    %get3A_556 = vector.load %arg8[%get3A_554, %get3A_555] : memref<1024x8xf32, #tpu.memory_space<vmem>>, vector<128x1xf32>
    %convert_element_type3A_557 = arith.truncf %get3A_556 : vector<128x1xf32> to vector<128x1xbf16>
    %get3A_558 = arith.constant 256 : index
    %get3A_559 = arith.constant 2 : index
    %get3A_560 = vector.load %arg8[%get3A_558, %get3A_559] : memref<1024x8xf32, #tpu.memory_space<vmem>>, vector<128x1xf32>
    %convert_element_type3A_561 = arith.truncf %get3A_560 : vector<128x1xf32> to vector<128x1xbf16>
    %slice3A_562 = vector.extract_strided_slice %convert_element_type3A_28 {offsets = [0, 0], sizes = [1, 1024], strides = [1, 1]} : vector<16x1024xbf16> to vector<1x1024xbf16>
    %mul3A_563 = vector.broadcast %slice3A_562 : vector<1x1024xbf16> to vector<128x1024xbf16>
    %mul3A_564 = vector.broadcast %convert_element_type3A_553 : vector<128x1xbf16> to vector<128x1024xbf16>
    %mul3A_565 = arith.mulf %mul3A_563, %mul3A_564 : vector<128x1024xbf16>
    %slice3A_566 = vector.extract_strided_slice %convert_element_type3A_29 {offsets = [0, 0], sizes = [1, 1024], strides = [1, 1]} : vector<16x1024xbf16> to vector<1x1024xbf16>
    %mul3A_567 = vector.broadcast %slice3A_566 : vector<1x1024xbf16> to vector<128x1024xbf16>
    %mul3A_568 = vector.broadcast %convert_element_type3A_557 : vector<128x1xbf16> to vector<128x1024xbf16>
    %mul3A_569 = arith.mulf %mul3A_567, %mul3A_568 : vector<128x1024xbf16>
    %add3A_570 = arith.addf %mul3A_565, %mul3A_569 : vector<128x1024xbf16>
    %slice3A_571 = vector.extract_strided_slice %convert_element_type3A_30 {offsets = [0, 0], sizes = [1, 1024], strides = [1, 1]} : vector<16x1024xbf16> to vector<1x1024xbf16>
    %mul3A_572 = vector.broadcast %slice3A_571 : vector<1x1024xbf16> to vector<128x1024xbf16>
    %mul3A_573 = vector.broadcast %convert_element_type3A_561 : vector<128x1xbf16> to vector<128x1024xbf16>
    %mul3A_574 = arith.mulf %mul3A_572, %mul3A_573 : vector<128x1024xbf16>
    %add3A_575 = arith.addf %add3A_570, %mul3A_574 : vector<128x1024xbf16>
    %slice3A_576 = vector.extract_strided_slice %convert_element_type3A_28 {offsets = [1, 0], sizes = [1, 1024], strides = [1, 1]} : vector<16x1024xbf16> to vector<1x1024xbf16>
    %mul3A_577 = vector.broadcast %slice3A_576 : vector<1x1024xbf16> to vector<128x1024xbf16>
    %mul3A_578 = vector.broadcast %convert_element_type3A_553 : vector<128x1xbf16> to vector<128x1024xbf16>
    %mul3A_579 = arith.mulf %mul3A_577, %mul3A_578 : vector<128x1024xbf16>
    %slice3A_580 = vector.extract_strided_slice %convert_element_type3A_29 {offsets = [1, 0], sizes = [1, 1024], strides = [1, 1]} : vector<16x1024xbf16> to vector<1x1024xbf16>
    %mul3A_581 = vector.broadcast %slice3A_580 : vector<1x1024xbf16> to vector<128x1024xbf16>
    %mul3A_582 = vector.broadcast %convert_element_type3A_557 : vector<128x1xbf16> to vector<128x1024xbf16>
    %mul3A_583 = arith.mulf %mul3A_581, %mul3A_582 : vector<128x1024xbf16>
    %add3A_584 = arith.addf %mul3A_579, %mul3A_583 : vector<128x1024xbf16>
    %slice3A_585 = vector.extract_strided_slice %convert_element_type3A_30 {offsets = [1, 0], sizes = [1, 1024], strides = [1, 1]} : vector<16x1024xbf16> to vector<1x1024xbf16>
    %mul3A_586 = vector.broadcast %slice3A_585 : vector<1x1024xbf16> to vector<128x1024xbf16>
    %mul3A_587 = vector.broadcast %convert_element_type3A_561 : vector<128x1xbf16> to vector<128x1024xbf16>
    %mul3A_588 = arith.mulf %mul3A_586, %mul3A_587 : vector<128x1024xbf16>
    %add3A_589 = arith.addf %add3A_584, %mul3A_588 : vector<128x1024xbf16>
    %max3A_590 = arith.maximumf %add3A_575, %add3A_589 : vector<128x1024xbf16>
    %slice3A_591 = vector.extract_strided_slice %convert_element_type3A_28 {offsets = [2, 0], sizes = [1, 1024], strides = [1, 1]} : vector<16x1024xbf16> to vector<1x1024xbf16>
    %mul3A_592 = vector.broadcast %slice3A_591 : vector<1x1024xbf16> to vector<128x1024xbf16>
    %mul3A_593 = vector.broadcast %convert_element_type3A_553 : vector<128x1xbf16> to vector<128x1024xbf16>
    %mul3A_594 = arith.mulf %mul3A_592, %mul3A_593 : vector<128x1024xbf16>
    %slice3A_595 = vector.extract_strided_slice %convert_element_type3A_29 {offsets = [2, 0], sizes = [1, 1024], strides = [1, 1]} : vector<16x1024xbf16> to vector<1x1024xbf16>
    %mul3A_596 = vector.broadcast %slice3A_595 : vector<1x1024xbf16> to vector<128x1024xbf16>
    %mul3A_597 = vector.broadcast %convert_element_type3A_557 : vector<128x1xbf16> to vector<128x1024xbf16>
    %mul3A_598 = arith.mulf %mul3A_596, %mul3A_597 : vector<128x1024xbf16>
    %add3A_599 = arith.addf %mul3A_594, %mul3A_598 : vector<128x1024xbf16>
    %slice3A_600 = vector.extract_strided_slice %convert_element_type3A_30 {offsets = [2, 0], sizes = [1, 1024], strides = [1, 1]} : vector<16x1024xbf16> to vector<1x1024xbf16>
    %mul3A_601 = vector.broadcast %slice3A_600 : vector<1x1024xbf16> to vector<128x1024xbf16>
    %mul3A_602 = vector.broadcast %convert_element_type3A_561 : vector<128x1xbf16> to vector<128x1024xbf16>
    %mul3A_603 = arith.mulf %mul3A_601, %mul3A_602 : vector<128x1024xbf16>
    %add3A_604 = arith.addf %add3A_599, %mul3A_603 : vector<128x1024xbf16>
    %max3A_605 = arith.maximumf %max3A_590, %add3A_604 : vector<128x1024xbf16>
    %slice3A_606 = vector.extract_strided_slice %convert_element_type3A_28 {offsets = [3, 0], sizes = [1, 1024], strides = [1, 1]} : vector<16x1024xbf16> to vector<1x1024xbf16>
    %mul3A_607 = vector.broadcast %slice3A_606 : vector<1x1024xbf16> to vector<128x1024xbf16>
    %mul3A_608 = vector.broadcast %convert_element_type3A_553 : vector<128x1xbf16> to vector<128x1024xbf16>
    %mul3A_609 = arith.mulf %mul3A_607, %mul3A_608 : vector<128x1024xbf16>
    %slice3A_610 = vector.extract_strided_slice %convert_element_type3A_29 {offsets = [3, 0], sizes = [1, 1024], strides = [1, 1]} : vector<16x1024xbf16> to vector<1x1024xbf16>
    %mul3A_611 = vector.broadcast %slice3A_610 : vector<1x1024xbf16> to vector<128x1024xbf16>
    %mul3A_612 = vector.broadcast %convert_element_type3A_557 : vector<128x1xbf16> to vector<128x1024xbf16>
    %mul3A_613 = arith.mulf %mul3A_611, %mul3A_612 : vector<128x1024xbf16>
    %add3A_614 = arith.addf %mul3A_609, %mul3A_613 : vector<128x1024xbf16>
    %slice3A_615 = vector.extract_strided_slice %convert_element_type3A_30 {offsets = [3, 0], sizes = [1, 1024], strides = [1, 1]} : vector<16x1024xbf16> to vector<1x1024xbf16>
    %mul3A_616 = vector.broadcast %slice3A_615 : vector<1x1024xbf16> to vector<128x1024xbf16>
    %mul3A_617 = vector.broadcast %convert_element_type3A_561 : vector<128x1xbf16> to vector<128x1024xbf16>
    %mul3A_618 = arith.mulf %mul3A_616, %mul3A_617 : vector<128x1024xbf16>
    %add3A_619 = arith.addf %add3A_614, %mul3A_618 : vector<128x1024xbf16>
    %max3A_620 = arith.maximumf %max3A_605, %add3A_619 : vector<128x1024xbf16>
    %slice3A_621 = vector.extract_strided_slice %convert_element_type3A_28 {offsets = [4, 0], sizes = [1, 1024], strides = [1, 1]} : vector<16x1024xbf16> to vector<1x1024xbf16>
    %mul3A_622 = vector.broadcast %slice3A_621 : vector<1x1024xbf16> to vector<128x1024xbf16>
    %mul3A_623 = vector.broadcast %convert_element_type3A_553 : vector<128x1xbf16> to vector<128x1024xbf16>
    %mul3A_624 = arith.mulf %mul3A_622, %mul3A_623 : vector<128x1024xbf16>
    %slice3A_625 = vector.extract_strided_slice %convert_element_type3A_29 {offsets = [4, 0], sizes = [1, 1024], strides = [1, 1]} : vector<16x1024xbf16> to vector<1x1024xbf16>
    %mul3A_626 = vector.broadcast %slice3A_625 : vector<1x1024xbf16> to vector<128x1024xbf16>
    %mul3A_627 = vector.broadcast %convert_element_type3A_557 : vector<128x1xbf16> to vector<128x1024xbf16>
    %mul3A_628 = arith.mulf %mul3A_626, %mul3A_627 : vector<128x1024xbf16>
    %add3A_629 = arith.addf %mul3A_624, %mul3A_628 : vector<128x1024xbf16>
    %slice3A_630 = vector.extract_strided_slice %convert_element_type3A_30 {offsets = [4, 0], sizes = [1, 1024], strides = [1, 1]} : vector<16x1024xbf16> to vector<1x1024xbf16>
    %mul3A_631 = vector.broadcast %slice3A_630 : vector<1x1024xbf16> to vector<128x1024xbf16>
    %mul3A_632 = vector.broadcast %convert_element_type3A_561 : vector<128x1xbf16> to vector<128x1024xbf16>
    %mul3A_633 = arith.mulf %mul3A_631, %mul3A_632 : vector<128x1024xbf16>
    %add3A_634 = arith.addf %add3A_629, %mul3A_633 : vector<128x1024xbf16>
    %max3A_635 = arith.maximumf %max3A_620, %add3A_634 : vector<128x1024xbf16>
    %slice3A_636 = vector.extract_strided_slice %convert_element_type3A_28 {offsets = [5, 0], sizes = [1, 1024], strides = [1, 1]} : vector<16x1024xbf16> to vector<1x1024xbf16>
    %mul3A_637 = vector.broadcast %slice3A_636 : vector<1x1024xbf16> to vector<128x1024xbf16>
    %mul3A_638 = vector.broadcast %convert_element_type3A_553 : vector<128x1xbf16> to vector<128x1024xbf16>
    %mul3A_639 = arith.mulf %mul3A_637, %mul3A_638 : vector<128x1024xbf16>
    %slice3A_640 = vector.extract_strided_slice %convert_element_type3A_29 {offsets = [5, 0], sizes = [1, 1024], strides = [1, 1]} : vector<16x1024xbf16> to vector<1x1024xbf16>
    %mul3A_641 = vector.broadcast %slice3A_640 : vector<1x1024xbf16> to vector<128x1024xbf16>
    %mul3A_642 = vector.broadcast %convert_element_type3A_557 : vector<128x1xbf16> to vector<128x1024xbf16>
    %mul3A_643 = arith.mulf %mul3A_641, %mul3A_642 : vector<128x1024xbf16>
    %add3A_644 = arith.addf %mul3A_639, %mul3A_643 : vector<128x1024xbf16>
    %slice3A_645 = vector.extract_strided_slice %convert_element_type3A_30 {offsets = [5, 0], sizes = [1, 1024], strides = [1, 1]} : vector<16x1024xbf16> to vector<1x1024xbf16>
    %mul3A_646 = vector.broadcast %slice3A_645 : vector<1x1024xbf16> to vector<128x1024xbf16>
    %mul3A_647 = vector.broadcast %convert_element_type3A_561 : vector<128x1xbf16> to vector<128x1024xbf16>
    %mul3A_648 = arith.mulf %mul3A_646, %mul3A_647 : vector<128x1024xbf16>
    %add3A_649 = arith.addf %add3A_644, %mul3A_648 : vector<128x1024xbf16>
    %max3A_650 = arith.maximumf %max3A_635, %add3A_649 : vector<128x1024xbf16>
    %slice3A_651 = vector.extract_strided_slice %convert_element_type3A_28 {offsets = [6, 0], sizes = [1, 1024], strides = [1, 1]} : vector<16x1024xbf16> to vector<1x1024xbf16>
    %mul3A_652 = vector.broadcast %slice3A_651 : vector<1x1024xbf16> to vector<128x1024xbf16>
    %mul3A_653 = vector.broadcast %convert_element_type3A_553 : vector<128x1xbf16> to vector<128x1024xbf16>
    %mul3A_654 = arith.mulf %mul3A_652, %mul3A_653 : vector<128x1024xbf16>
    %slice3A_655 = vector.extract_strided_slice %convert_element_type3A_29 {offsets = [6, 0], sizes = [1, 1024], strides = [1, 1]} : vector<16x1024xbf16> to vector<1x1024xbf16>
    %mul3A_656 = vector.broadcast %slice3A_655 : vector<1x1024xbf16> to vector<128x1024xbf16>
    %mul3A_657 = vector.broadcast %convert_element_type3A_557 : vector<128x1xbf16> to vector<128x1024xbf16>
    %mul3A_658 = arith.mulf %mul3A_656, %mul3A_657 : vector<128x1024xbf16>
    %add3A_659 = arith.addf %mul3A_654, %mul3A_658 : vector<128x1024xbf16>
    %slice3A_660 = vector.extract_strided_slice %convert_element_type3A_30 {offsets = [6, 0], sizes = [1, 1024], strides = [1, 1]} : vector<16x1024xbf16> to vector<1x1024xbf16>
    %mul3A_661 = vector.broadcast %slice3A_660 : vector<1x1024xbf16> to vector<128x1024xbf16>
    %mul3A_662 = vector.broadcast %convert_element_type3A_561 : vector<128x1xbf16> to vector<128x1024xbf16>
    %mul3A_663 = arith.mulf %mul3A_661, %mul3A_662 : vector<128x1024xbf16>
    %add3A_664 = arith.addf %add3A_659, %mul3A_663 : vector<128x1024xbf16>
    %max3A_665 = arith.maximumf %max3A_650, %add3A_664 : vector<128x1024xbf16>
    %slice3A_666 = vector.extract_strided_slice %convert_element_type3A_28 {offsets = [7, 0], sizes = [1, 1024], strides = [1, 1]} : vector<16x1024xbf16> to vector<1x1024xbf16>
    %mul3A_667 = vector.broadcast %slice3A_666 : vector<1x1024xbf16> to vector<128x1024xbf16>
    %mul3A_668 = vector.broadcast %convert_element_type3A_553 : vector<128x1xbf16> to vector<128x1024xbf16>
    %mul3A_669 = arith.mulf %mul3A_667, %mul3A_668 : vector<128x1024xbf16>
    %slice3A_670 = vector.extract_strided_slice %convert_element_type3A_29 {offsets = [7, 0], sizes = [1, 1024], strides = [1, 1]} : vector<16x1024xbf16> to vector<1x1024xbf16>
    %mul3A_671 = vector.broadcast %slice3A_670 : vector<1x1024xbf16> to vector<128x1024xbf16>
    %mul3A_672 = vector.broadcast %convert_element_type3A_557 : vector<128x1xbf16> to vector<128x1024xbf16>
    %mul3A_673 = arith.mulf %mul3A_671, %mul3A_672 : vector<128x1024xbf16>
    %add3A_674 = arith.addf %mul3A_669, %mul3A_673 : vector<128x1024xbf16>
    %slice3A_675 = vector.extract_strided_slice %convert_element_type3A_30 {offsets = [7, 0], sizes = [1, 1024], strides = [1, 1]} : vector<16x1024xbf16> to vector<1x1024xbf16>
    %mul3A_676 = vector.broadcast %slice3A_675 : vector<1x1024xbf16> to vector<128x1024xbf16>
    %mul3A_677 = vector.broadcast %convert_element_type3A_561 : vector<128x1xbf16> to vector<128x1024xbf16>
    %mul3A_678 = arith.mulf %mul3A_676, %mul3A_677 : vector<128x1024xbf16>
    %add3A_679 = arith.addf %add3A_674, %mul3A_678 : vector<128x1024xbf16>
    %max3A_680 = arith.maximumf %max3A_665, %add3A_679 : vector<128x1024xbf16>
    %slice3A_681 = vector.extract_strided_slice %convert_element_type3A_28 {offsets = [8, 0], sizes = [1, 1024], strides = [1, 1]} : vector<16x1024xbf16> to vector<1x1024xbf16>
    %mul3A_682 = vector.broadcast %slice3A_681 : vector<1x1024xbf16> to vector<128x1024xbf16>
    %mul3A_683 = vector.broadcast %convert_element_type3A_553 : vector<128x1xbf16> to vector<128x1024xbf16>
    %mul3A_684 = arith.mulf %mul3A_682, %mul3A_683 : vector<128x1024xbf16>
    %slice3A_685 = vector.extract_strided_slice %convert_element_type3A_29 {offsets = [8, 0], sizes = [1, 1024], strides = [1, 1]} : vector<16x1024xbf16> to vector<1x1024xbf16>
    %mul3A_686 = vector.broadcast %slice3A_685 : vector<1x1024xbf16> to vector<128x1024xbf16>
    %mul3A_687 = vector.broadcast %convert_element_type3A_557 : vector<128x1xbf16> to vector<128x1024xbf16>
    %mul3A_688 = arith.mulf %mul3A_686, %mul3A_687 : vector<128x1024xbf16>
    %add3A_689 = arith.addf %mul3A_684, %mul3A_688 : vector<128x1024xbf16>
    %slice3A_690 = vector.extract_strided_slice %convert_element_type3A_30 {offsets = [8, 0], sizes = [1, 1024], strides = [1, 1]} : vector<16x1024xbf16> to vector<1x1024xbf16>
    %mul3A_691 = vector.broadcast %slice3A_690 : vector<1x1024xbf16> to vector<128x1024xbf16>
    %mul3A_692 = vector.broadcast %convert_element_type3A_561 : vector<128x1xbf16> to vector<128x1024xbf16>
    %mul3A_693 = arith.mulf %mul3A_691, %mul3A_692 : vector<128x1024xbf16>
    %add3A_694 = arith.addf %add3A_689, %mul3A_693 : vector<128x1024xbf16>
    %max3A_695 = arith.maximumf %max3A_680, %add3A_694 : vector<128x1024xbf16>
    %slice3A_696 = vector.extract_strided_slice %convert_element_type3A_28 {offsets = [9, 0], sizes = [1, 1024], strides = [1, 1]} : vector<16x1024xbf16> to vector<1x1024xbf16>
    %mul3A_697 = vector.broadcast %slice3A_696 : vector<1x1024xbf16> to vector<128x1024xbf16>
    %mul3A_698 = vector.broadcast %convert_element_type3A_553 : vector<128x1xbf16> to vector<128x1024xbf16>
    %mul3A_699 = arith.mulf %mul3A_697, %mul3A_698 : vector<128x1024xbf16>
    %slice3A_700 = vector.extract_strided_slice %convert_element_type3A_29 {offsets = [9, 0], sizes = [1, 1024], strides = [1, 1]} : vector<16x1024xbf16> to vector<1x1024xbf16>
    %mul3A_701 = vector.broadcast %slice3A_700 : vector<1x1024xbf16> to vector<128x1024xbf16>
    %mul3A_702 = vector.broadcast %convert_element_type3A_557 : vector<128x1xbf16> to vector<128x1024xbf16>
    %mul3A_703 = arith.mulf %mul3A_701, %mul3A_702 : vector<128x1024xbf16>
    %add3A_704 = arith.addf %mul3A_699, %mul3A_703 : vector<128x1024xbf16>
    %slice3A_705 = vector.extract_strided_slice %convert_element_type3A_30 {offsets = [9, 0], sizes = [1, 1024], strides = [1, 1]} : vector<16x1024xbf16> to vector<1x1024xbf16>
    %mul3A_706 = vector.broadcast %slice3A_705 : vector<1x1024xbf16> to vector<128x1024xbf16>
    %mul3A_707 = vector.broadcast %convert_element_type3A_561 : vector<128x1xbf16> to vector<128x1024xbf16>
    %mul3A_708 = arith.mulf %mul3A_706, %mul3A_707 : vector<128x1024xbf16>
    %add3A_709 = arith.addf %add3A_704, %mul3A_708 : vector<128x1024xbf16>
    %max3A_710 = arith.maximumf %max3A_695, %add3A_709 : vector<128x1024xbf16>
    %slice3A_711 = vector.extract_strided_slice %convert_element_type3A_28 {offsets = [10, 0], sizes = [1, 1024], strides = [1, 1]} : vector<16x1024xbf16> to vector<1x1024xbf16>
    %mul3A_712 = vector.broadcast %slice3A_711 : vector<1x1024xbf16> to vector<128x1024xbf16>
    %mul3A_713 = vector.broadcast %convert_element_type3A_553 : vector<128x1xbf16> to vector<128x1024xbf16>
    %mul3A_714 = arith.mulf %mul3A_712, %mul3A_713 : vector<128x1024xbf16>
    %slice3A_715 = vector.extract_strided_slice %convert_element_type3A_29 {offsets = [10, 0], sizes = [1, 1024], strides = [1, 1]} : vector<16x1024xbf16> to vector<1x1024xbf16>
    %mul3A_716 = vector.broadcast %slice3A_715 : vector<1x1024xbf16> to vector<128x1024xbf16>
    %mul3A_717 = vector.broadcast %convert_element_type3A_557 : vector<128x1xbf16> to vector<128x1024xbf16>
    %mul3A_718 = arith.mulf %mul3A_716, %mul3A_717 : vector<128x1024xbf16>
    %add3A_719 = arith.addf %mul3A_714, %mul3A_718 : vector<128x1024xbf16>
    %slice3A_720 = vector.extract_strided_slice %convert_element_type3A_30 {offsets = [10, 0], sizes = [1, 1024], strides = [1, 1]} : vector<16x1024xbf16> to vector<1x1024xbf16>
    %mul3A_721 = vector.broadcast %slice3A_720 : vector<1x1024xbf16> to vector<128x1024xbf16>
    %mul3A_722 = vector.broadcast %convert_element_type3A_561 : vector<128x1xbf16> to vector<128x1024xbf16>
    %mul3A_723 = arith.mulf %mul3A_721, %mul3A_722 : vector<128x1024xbf16>
    %add3A_724 = arith.addf %add3A_719, %mul3A_723 : vector<128x1024xbf16>
    %max3A_725 = arith.maximumf %max3A_710, %add3A_724 : vector<128x1024xbf16>
    %slice3A_726 = vector.extract_strided_slice %convert_element_type3A_28 {offsets = [11, 0], sizes = [1, 1024], strides = [1, 1]} : vector<16x1024xbf16> to vector<1x1024xbf16>
    %mul3A_727 = vector.broadcast %slice3A_726 : vector<1x1024xbf16> to vector<128x1024xbf16>
    %mul3A_728 = vector.broadcast %convert_element_type3A_553 : vector<128x1xbf16> to vector<128x1024xbf16>
    %mul3A_729 = arith.mulf %mul3A_727, %mul3A_728 : vector<128x1024xbf16>
    %slice3A_730 = vector.extract_strided_slice %convert_element_type3A_29 {offsets = [11, 0], sizes = [1, 1024], strides = [1, 1]} : vector<16x1024xbf16> to vector<1x1024xbf16>
    %mul3A_731 = vector.broadcast %slice3A_730 : vector<1x1024xbf16> to vector<128x1024xbf16>
    %mul3A_732 = vector.broadcast %convert_element_type3A_557 : vector<128x1xbf16> to vector<128x1024xbf16>
    %mul3A_733 = arith.mulf %mul3A_731, %mul3A_732 : vector<128x1024xbf16>
    %add3A_734 = arith.addf %mul3A_729, %mul3A_733 : vector<128x1024xbf16>
    %slice3A_735 = vector.extract_strided_slice %convert_element_type3A_30 {offsets = [11, 0], sizes = [1, 1024], strides = [1, 1]} : vector<16x1024xbf16> to vector<1x1024xbf16>
    %mul3A_736 = vector.broadcast %slice3A_735 : vector<1x1024xbf16> to vector<128x1024xbf16>
    %mul3A_737 = vector.broadcast %convert_element_type3A_561 : vector<128x1xbf16> to vector<128x1024xbf16>
    %mul3A_738 = arith.mulf %mul3A_736, %mul3A_737 : vector<128x1024xbf16>
    %add3A_739 = arith.addf %add3A_734, %mul3A_738 : vector<128x1024xbf16>
    %max3A_740 = arith.maximumf %max3A_725, %add3A_739 : vector<128x1024xbf16>
    %slice3A_741 = vector.extract_strided_slice %convert_element_type3A_28 {offsets = [12, 0], sizes = [1, 1024], strides = [1, 1]} : vector<16x1024xbf16> to vector<1x1024xbf16>
    %mul3A_742 = vector.broadcast %slice3A_741 : vector<1x1024xbf16> to vector<128x1024xbf16>
    %mul3A_743 = vector.broadcast %convert_element_type3A_553 : vector<128x1xbf16> to vector<128x1024xbf16>
    %mul3A_744 = arith.mulf %mul3A_742, %mul3A_743 : vector<128x1024xbf16>
    %slice3A_745 = vector.extract_strided_slice %convert_element_type3A_29 {offsets = [12, 0], sizes = [1, 1024], strides = [1, 1]} : vector<16x1024xbf16> to vector<1x1024xbf16>
    %mul3A_746 = vector.broadcast %slice3A_745 : vector<1x1024xbf16> to vector<128x1024xbf16>
    %mul3A_747 = vector.broadcast %convert_element_type3A_557 : vector<128x1xbf16> to vector<128x1024xbf16>
    %mul3A_748 = arith.mulf %mul3A_746, %mul3A_747 : vector<128x1024xbf16>
    %add3A_749 = arith.addf %mul3A_744, %mul3A_748 : vector<128x1024xbf16>
    %slice3A_750 = vector.extract_strided_slice %convert_element_type3A_30 {offsets = [12, 0], sizes = [1, 1024], strides = [1, 1]} : vector<16x1024xbf16> to vector<1x1024xbf16>
    %mul3A_751 = vector.broadcast %slice3A_750 : vector<1x1024xbf16> to vector<128x1024xbf16>
    %mul3A_752 = vector.broadcast %convert_element_type3A_561 : vector<128x1xbf16> to vector<128x1024xbf16>
    %mul3A_753 = arith.mulf %mul3A_751, %mul3A_752 : vector<128x1024xbf16>
    %add3A_754 = arith.addf %add3A_749, %mul3A_753 : vector<128x1024xbf16>
    %max3A_755 = arith.maximumf %max3A_740, %add3A_754 : vector<128x1024xbf16>
    %slice3A_756 = vector.extract_strided_slice %convert_element_type3A_28 {offsets = [13, 0], sizes = [1, 1024], strides = [1, 1]} : vector<16x1024xbf16> to vector<1x1024xbf16>
    %mul3A_757 = vector.broadcast %slice3A_756 : vector<1x1024xbf16> to vector<128x1024xbf16>
    %mul3A_758 = vector.broadcast %convert_element_type3A_553 : vector<128x1xbf16> to vector<128x1024xbf16>
    %mul3A_759 = arith.mulf %mul3A_757, %mul3A_758 : vector<128x1024xbf16>
    %slice3A_760 = vector.extract_strided_slice %convert_element_type3A_29 {offsets = [13, 0], sizes = [1, 1024], strides = [1, 1]} : vector<16x1024xbf16> to vector<1x1024xbf16>
    %mul3A_761 = vector.broadcast %slice3A_760 : vector<1x1024xbf16> to vector<128x1024xbf16>
    %mul3A_762 = vector.broadcast %convert_element_type3A_557 : vector<128x1xbf16> to vector<128x1024xbf16>
    %mul3A_763 = arith.mulf %mul3A_761, %mul3A_762 : vector<128x1024xbf16>
    %add3A_764 = arith.addf %mul3A_759, %mul3A_763 : vector<128x1024xbf16>
    %slice3A_765 = vector.extract_strided_slice %convert_element_type3A_30 {offsets = [13, 0], sizes = [1, 1024], strides = [1, 1]} : vector<16x1024xbf16> to vector<1x1024xbf16>
    %mul3A_766 = vector.broadcast %slice3A_765 : vector<1x1024xbf16> to vector<128x1024xbf16>
    %mul3A_767 = vector.broadcast %convert_element_type3A_561 : vector<128x1xbf16> to vector<128x1024xbf16>
    %mul3A_768 = arith.mulf %mul3A_766, %mul3A_767 : vector<128x1024xbf16>
    %add3A_769 = arith.addf %add3A_764, %mul3A_768 : vector<128x1024xbf16>
    %max3A_770 = arith.maximumf %max3A_755, %add3A_769 : vector<128x1024xbf16>
    %slice3A_771 = vector.extract_strided_slice %convert_element_type3A_28 {offsets = [14, 0], sizes = [1, 1024], strides = [1, 1]} : vector<16x1024xbf16> to vector<1x1024xbf16>
    %mul3A_772 = vector.broadcast %slice3A_771 : vector<1x1024xbf16> to vector<128x1024xbf16>
    %mul3A_773 = vector.broadcast %convert_element_type3A_553 : vector<128x1xbf16> to vector<128x1024xbf16>
    %mul3A_774 = arith.mulf %mul3A_772, %mul3A_773 : vector<128x1024xbf16>
    %slice3A_775 = vector.extract_strided_slice %convert_element_type3A_29 {offsets = [14, 0], sizes = [1, 1024], strides = [1, 1]} : vector<16x1024xbf16> to vector<1x1024xbf16>
    %mul3A_776 = vector.broadcast %slice3A_775 : vector<1x1024xbf16> to vector<128x1024xbf16>
    %mul3A_777 = vector.broadcast %convert_element_type3A_557 : vector<128x1xbf16> to vector<128x1024xbf16>
    %mul3A_778 = arith.mulf %mul3A_776, %mul3A_777 : vector<128x1024xbf16>
    %add3A_779 = arith.addf %mul3A_774, %mul3A_778 : vector<128x1024xbf16>
    %slice3A_780 = vector.extract_strided_slice %convert_element_type3A_30 {offsets = [14, 0], sizes = [1, 1024], strides = [1, 1]} : vector<16x1024xbf16> to vector<1x1024xbf16>
    %mul3A_781 = vector.broadcast %slice3A_780 : vector<1x1024xbf16> to vector<128x1024xbf16>
    %mul3A_782 = vector.broadcast %convert_element_type3A_561 : vector<128x1xbf16> to vector<128x1024xbf16>
    %mul3A_783 = arith.mulf %mul3A_781, %mul3A_782 : vector<128x1024xbf16>
    %add3A_784 = arith.addf %add3A_779, %mul3A_783 : vector<128x1024xbf16>
    %max3A_785 = arith.maximumf %max3A_770, %add3A_784 : vector<128x1024xbf16>
    %slice3A_786 = vector.extract_strided_slice %convert_element_type3A_28 {offsets = [15, 0], sizes = [1, 1024], strides = [1, 1]} : vector<16x1024xbf16> to vector<1x1024xbf16>
    %mul3A_787 = vector.broadcast %slice3A_786 : vector<1x1024xbf16> to vector<128x1024xbf16>
    %mul3A_788 = vector.broadcast %convert_element_type3A_553 : vector<128x1xbf16> to vector<128x1024xbf16>
    %mul3A_789 = arith.mulf %mul3A_787, %mul3A_788 : vector<128x1024xbf16>
    %slice3A_790 = vector.extract_strided_slice %convert_element_type3A_29 {offsets = [15, 0], sizes = [1, 1024], strides = [1, 1]} : vector<16x1024xbf16> to vector<1x1024xbf16>
    %mul3A_791 = vector.broadcast %slice3A_790 : vector<1x1024xbf16> to vector<128x1024xbf16>
    %mul3A_792 = vector.broadcast %convert_element_type3A_557 : vector<128x1xbf16> to vector<128x1024xbf16>
    %mul3A_793 = arith.mulf %mul3A_791, %mul3A_792 : vector<128x1024xbf16>
    %add3A_794 = arith.addf %mul3A_789, %mul3A_793 : vector<128x1024xbf16>
    %slice3A_795 = vector.extract_strided_slice %convert_element_type3A_30 {offsets = [15, 0], sizes = [1, 1024], strides = [1, 1]} : vector<16x1024xbf16> to vector<1x1024xbf16>
    %mul3A_796 = vector.broadcast %slice3A_795 : vector<1x1024xbf16> to vector<128x1024xbf16>
    %mul3A_797 = vector.broadcast %convert_element_type3A_561 : vector<128x1xbf16> to vector<128x1024xbf16>
    %mul3A_798 = arith.mulf %mul3A_796, %mul3A_797 : vector<128x1024xbf16>
    %add3A_799 = arith.addf %add3A_794, %mul3A_798 : vector<128x1024xbf16>
    %max3A_800 = arith.maximumf %max3A_785, %add3A_799 : vector<128x1024xbf16>
    %convert_element_type3A_801 = arith.extf %max3A_800 : vector<128x1024xbf16> to vector<128x1024xf32>
    %max3A_802 = arith.constant 0.000000e+00 : f32
    %max3A_803 = vector.broadcast %max3A_802 : f32 to vector<128x1024xf32>
    %max3A_804 = arith.maximumf %convert_element_type3A_801, %max3A_803 : vector<128x1024xf32>
    %mul3A_805 = arith.mulf %transpose3A, %max3A_804 : vector<128x1024xf32>
    %reduce_sum3A_806 = arith.constant dense<0.000000e+00> : vector<1024xf32>
    %reduce_sum3A_807 = vector.multi_reduction <add>, %mul3A_805, %reduce_sum3A_806 [0] : vector<128x1024xf32> to vector<1024xf32>
    %broadcast_in_dim3A_808 = vector.shape_cast %reduce_sum3A_807 : vector<1024xf32> to vector<1x1024xf32>
    %get3A_809 = arith.constant 384 : index
    %get3A_810 = arith.constant 0 : index
    %get3A_811 = vector.load %arg8[%get3A_809, %get3A_810] : memref<1024x8xf32, #tpu.memory_space<vmem>>, vector<128x1xf32>
    %convert_element_type3A_812 = arith.truncf %get3A_811 : vector<128x1xf32> to vector<128x1xbf16>
    %get3A_813 = arith.constant 384 : index
    %get3A_814 = arith.constant 1 : index
    %get3A_815 = vector.load %arg8[%get3A_813, %get3A_814] : memref<1024x8xf32, #tpu.memory_space<vmem>>, vector<128x1xf32>
    %convert_element_type3A_816 = arith.truncf %get3A_815 : vector<128x1xf32> to vector<128x1xbf16>
    %get3A_817 = arith.constant 384 : index
    %get3A_818 = arith.constant 2 : index
    %get3A_819 = vector.load %arg8[%get3A_817, %get3A_818] : memref<1024x8xf32, #tpu.memory_space<vmem>>, vector<128x1xf32>
    %convert_element_type3A_820 = arith.truncf %get3A_819 : vector<128x1xf32> to vector<128x1xbf16>
    %slice3A_821 = vector.extract_strided_slice %convert_element_type3A_28 {offsets = [0, 0], sizes = [1, 1024], strides = [1, 1]} : vector<16x1024xbf16> to vector<1x1024xbf16>
    %mul3A_822 = vector.broadcast %slice3A_821 : vector<1x1024xbf16> to vector<128x1024xbf16>
    %mul3A_823 = vector.broadcast %convert_element_type3A_812 : vector<128x1xbf16> to vector<128x1024xbf16>
    %mul3A_824 = arith.mulf %mul3A_822, %mul3A_823 : vector<128x1024xbf16>
    %slice3A_825 = vector.extract_strided_slice %convert_element_type3A_29 {offsets = [0, 0], sizes = [1, 1024], strides = [1, 1]} : vector<16x1024xbf16> to vector<1x1024xbf16>
    %mul3A_826 = vector.broadcast %slice3A_825 : vector<1x1024xbf16> to vector<128x1024xbf16>
    %mul3A_827 = vector.broadcast %convert_element_type3A_816 : vector<128x1xbf16> to vector<128x1024xbf16>
    %mul3A_828 = arith.mulf %mul3A_826, %mul3A_827 : vector<128x1024xbf16>
    %add3A_829 = arith.addf %mul3A_824, %mul3A_828 : vector<128x1024xbf16>
    %slice3A_830 = vector.extract_strided_slice %convert_element_type3A_30 {offsets = [0, 0], sizes = [1, 1024], strides = [1, 1]} : vector<16x1024xbf16> to vector<1x1024xbf16>
    %mul3A_831 = vector.broadcast %slice3A_830 : vector<1x1024xbf16> to vector<128x1024xbf16>
    %mul3A_832 = vector.broadcast %convert_element_type3A_820 : vector<128x1xbf16> to vector<128x1024xbf16>
    %mul3A_833 = arith.mulf %mul3A_831, %mul3A_832 : vector<128x1024xbf16>
    %add3A_834 = arith.addf %add3A_829, %mul3A_833 : vector<128x1024xbf16>
    %slice3A_835 = vector.extract_strided_slice %convert_element_type3A_28 {offsets = [1, 0], sizes = [1, 1024], strides = [1, 1]} : vector<16x1024xbf16> to vector<1x1024xbf16>
    %mul3A_836 = vector.broadcast %slice3A_835 : vector<1x1024xbf16> to vector<128x1024xbf16>
    %mul3A_837 = vector.broadcast %convert_element_type3A_812 : vector<128x1xbf16> to vector<128x1024xbf16>
    %mul3A_838 = arith.mulf %mul3A_836, %mul3A_837 : vector<128x1024xbf16>
    %slice3A_839 = vector.extract_strided_slice %convert_element_type3A_29 {offsets = [1, 0], sizes = [1, 1024], strides = [1, 1]} : vector<16x1024xbf16> to vector<1x1024xbf16>
    %mul3A_840 = vector.broadcast %slice3A_839 : vector<1x1024xbf16> to vector<128x1024xbf16>
    %mul3A_841 = vector.broadcast %convert_element_type3A_816 : vector<128x1xbf16> to vector<128x1024xbf16>
    %mul3A_842 = arith.mulf %mul3A_840, %mul3A_841 : vector<128x1024xbf16>
    %add3A_843 = arith.addf %mul3A_838, %mul3A_842 : vector<128x1024xbf16>
    %slice3A_844 = vector.extract_strided_slice %convert_element_type3A_30 {offsets = [1, 0], sizes = [1, 1024], strides = [1, 1]} : vector<16x1024xbf16> to vector<1x1024xbf16>
    %mul3A_845 = vector.broadcast %slice3A_844 : vector<1x1024xbf16> to vector<128x1024xbf16>
    %mul3A_846 = vector.broadcast %convert_element_type3A_820 : vector<128x1xbf16> to vector<128x1024xbf16>
    %mul3A_847 = arith.mulf %mul3A_845, %mul3A_846 : vector<128x1024xbf16>
    %add3A_848 = arith.addf %add3A_843, %mul3A_847 : vector<128x1024xbf16>
    %max3A_849 = arith.maximumf %add3A_834, %add3A_848 : vector<128x1024xbf16>
    %slice3A_850 = vector.extract_strided_slice %convert_element_type3A_28 {offsets = [2, 0], sizes = [1, 1024], strides = [1, 1]} : vector<16x1024xbf16> to vector<1x1024xbf16>
    %mul3A_851 = vector.broadcast %slice3A_850 : vector<1x1024xbf16> to vector<128x1024xbf16>
    %mul3A_852 = vector.broadcast %convert_element_type3A_812 : vector<128x1xbf16> to vector<128x1024xbf16>
    %mul3A_853 = arith.mulf %mul3A_851, %mul3A_852 : vector<128x1024xbf16>
    %slice3A_854 = vector.extract_strided_slice %convert_element_type3A_29 {offsets = [2, 0], sizes = [1, 1024], strides = [1, 1]} : vector<16x1024xbf16> to vector<1x1024xbf16>
    %mul3A_855 = vector.broadcast %slice3A_854 : vector<1x1024xbf16> to vector<128x1024xbf16>
    %mul3A_856 = vector.broadcast %convert_element_type3A_816 : vector<128x1xbf16> to vector<128x1024xbf16>
    %mul3A_857 = arith.mulf %mul3A_855, %mul3A_856 : vector<128x1024xbf16>
    %add3A_858 = arith.addf %mul3A_853, %mul3A_857 : vector<128x1024xbf16>
    %slice3A_859 = vector.extract_strided_slice %convert_element_type3A_30 {offsets = [2, 0], sizes = [1, 1024], strides = [1, 1]} : vector<16x1024xbf16> to vector<1x1024xbf16>
    %mul3A_860 = vector.broadcast %slice3A_859 : vector<1x1024xbf16> to vector<128x1024xbf16>
    %mul3A_861 = vector.broadcast %convert_element_type3A_820 : vector<128x1xbf16> to vector<128x1024xbf16>
    %mul3A_862 = arith.mulf %mul3A_860, %mul3A_861 : vector<128x1024xbf16>
    %add3A_863 = arith.addf %add3A_858, %mul3A_862 : vector<128x1024xbf16>
    %max3A_864 = arith.maximumf %max3A_849, %add3A_863 : vector<128x1024xbf16>
    %slice3A_865 = vector.extract_strided_slice %convert_element_type3A_28 {offsets = [3, 0], sizes = [1, 1024], strides = [1, 1]} : vector<16x1024xbf16> to vector<1x1024xbf16>
    %mul3A_866 = vector.broadcast %slice3A_865 : vector<1x1024xbf16> to vector<128x1024xbf16>
    %mul3A_867 = vector.broadcast %convert_element_type3A_812 : vector<128x1xbf16> to vector<128x1024xbf16>
    %mul3A_868 = arith.mulf %mul3A_866, %mul3A_867 : vector<128x1024xbf16>
    %slice3A_869 = vector.extract_strided_slice %convert_element_type3A_29 {offsets = [3, 0], sizes = [1, 1024], strides = [1, 1]} : vector<16x1024xbf16> to vector<1x1024xbf16>
    %mul3A_870 = vector.broadcast %slice3A_869 : vector<1x1024xbf16> to vector<128x1024xbf16>
    %mul3A_871 = vector.broadcast %convert_element_type3A_816 : vector<128x1xbf16> to vector<128x1024xbf16>
    %mul3A_872 = arith.mulf %mul3A_870, %mul3A_871 : vector<128x1024xbf16>
    %add3A_873 = arith.addf %mul3A_868, %mul3A_872 : vector<128x1024xbf16>
    %slice3A_874 = vector.extract_strided_slice %convert_element_type3A_30 {offsets = [3, 0], sizes = [1, 1024], strides = [1, 1]} : vector<16x1024xbf16> to vector<1x1024xbf16>
    %mul3A_875 = vector.broadcast %slice3A_874 : vector<1x1024xbf16> to vector<128x1024xbf16>
    %mul3A_876 = vector.broadcast %convert_element_type3A_820 : vector<128x1xbf16> to vector<128x1024xbf16>
    %mul3A_877 = arith.mulf %mul3A_875, %mul3A_876 : vector<128x1024xbf16>
    %add3A_878 = arith.addf %add3A_873, %mul3A_877 : vector<128x1024xbf16>
    %max3A_879 = arith.maximumf %max3A_864, %add3A_878 : vector<128x1024xbf16>
    %slice3A_880 = vector.extract_strided_slice %convert_element_type3A_28 {offsets = [4, 0], sizes = [1, 1024], strides = [1, 1]} : vector<16x1024xbf16> to vector<1x1024xbf16>
    %mul3A_881 = vector.broadcast %slice3A_880 : vector<1x1024xbf16> to vector<128x1024xbf16>
    %mul3A_882 = vector.broadcast %convert_element_type3A_812 : vector<128x1xbf16> to vector<128x1024xbf16>
    %mul3A_883 = arith.mulf %mul3A_881, %mul3A_882 : vector<128x1024xbf16>
    %slice3A_884 = vector.extract_strided_slice %convert_element_type3A_29 {offsets = [4, 0], sizes = [1, 1024], strides = [1, 1]} : vector<16x1024xbf16> to vector<1x1024xbf16>
    %mul3A_885 = vector.broadcast %slice3A_884 : vector<1x1024xbf16> to vector<128x1024xbf16>
    %mul3A_886 = vector.broadcast %convert_element_type3A_816 : vector<128x1xbf16> to vector<128x1024xbf16>
    %mul3A_887 = arith.mulf %mul3A_885, %mul3A_886 : vector<128x1024xbf16>
    %add3A_888 = arith.addf %mul3A_883, %mul3A_887 : vector<128x1024xbf16>
    %slice3A_889 = vector.extract_strided_slice %convert_element_type3A_30 {offsets = [4, 0], sizes = [1, 1024], strides = [1, 1]} : vector<16x1024xbf16> to vector<1x1024xbf16>
    %mul3A_890 = vector.broadcast %slice3A_889 : vector<1x1024xbf16> to vector<128x1024xbf16>
    %mul3A_891 = vector.broadcast %convert_element_type3A_820 : vector<128x1xbf16> to vector<128x1024xbf16>
    %mul3A_892 = arith.mulf %mul3A_890, %mul3A_891 : vector<128x1024xbf16>
    %add3A_893 = arith.addf %add3A_888, %mul3A_892 : vector<128x1024xbf16>
    %max3A_894 = arith.maximumf %max3A_879, %add3A_893 : vector<128x1024xbf16>
    %slice3A_895 = vector.extract_strided_slice %convert_element_type3A_28 {offsets = [5, 0], sizes = [1, 1024], strides = [1, 1]} : vector<16x1024xbf16> to vector<1x1024xbf16>
    %mul3A_896 = vector.broadcast %slice3A_895 : vector<1x1024xbf16> to vector<128x1024xbf16>
    %mul3A_897 = vector.broadcast %convert_element_type3A_812 : vector<128x1xbf16> to vector<128x1024xbf16>
    %mul3A_898 = arith.mulf %mul3A_896, %mul3A_897 : vector<128x1024xbf16>
    %slice3A_899 = vector.extract_strided_slice %convert_element_type3A_29 {offsets = [5, 0], sizes = [1, 1024], strides = [1, 1]} : vector<16x1024xbf16> to vector<1x1024xbf16>
    %mul3A_900 = vector.broadcast %slice3A_899 : vector<1x1024xbf16> to vector<128x1024xbf16>
    %mul3A_901 = vector.broadcast %convert_element_type3A_816 : vector<128x1xbf16> to vector<128x1024xbf16>
    %mul3A_902 = arith.mulf %mul3A_900, %mul3A_901 : vector<128x1024xbf16>
    %add3A_903 = arith.addf %mul3A_898, %mul3A_902 : vector<128x1024xbf16>
    %slice3A_904 = vector.extract_strided_slice %convert_element_type3A_30 {offsets = [5, 0], sizes = [1, 1024], strides = [1, 1]} : vector<16x1024xbf16> to vector<1x1024xbf16>
    %mul3A_905 = vector.broadcast %slice3A_904 : vector<1x1024xbf16> to vector<128x1024xbf16>
    %mul3A_906 = vector.broadcast %convert_element_type3A_820 : vector<128x1xbf16> to vector<128x1024xbf16>
    %mul3A_907 = arith.mulf %mul3A_905, %mul3A_906 : vector<128x1024xbf16>
    %add3A_908 = arith.addf %add3A_903, %mul3A_907 : vector<128x1024xbf16>
    %max3A_909 = arith.maximumf %max3A_894, %add3A_908 : vector<128x1024xbf16>
    %slice3A_910 = vector.extract_strided_slice %convert_element_type3A_28 {offsets = [6, 0], sizes = [1, 1024], strides = [1, 1]} : vector<16x1024xbf16> to vector<1x1024xbf16>
    %mul3A_911 = vector.broadcast %slice3A_910 : vector<1x1024xbf16> to vector<128x1024xbf16>
    %mul3A_912 = vector.broadcast %convert_element_type3A_812 : vector<128x1xbf16> to vector<128x1024xbf16>
    %mul3A_913 = arith.mulf %mul3A_911, %mul3A_912 : vector<128x1024xbf16>
    %slice3A_914 = vector.extract_strided_slice %convert_element_type3A_29 {offsets = [6, 0], sizes = [1, 1024], strides = [1, 1]} : vector<16x1024xbf16> to vector<1x1024xbf16>
    %mul3A_915 = vector.broadcast %slice3A_914 : vector<1x1024xbf16> to vector<128x1024xbf16>
    %mul3A_916 = vector.broadcast %convert_element_type3A_816 : vector<128x1xbf16> to vector<128x1024xbf16>
    %mul3A_917 = arith.mulf %mul3A_915, %mul3A_916 : vector<128x1024xbf16>
    %add3A_918 = arith.addf %mul3A_913, %mul3A_917 : vector<128x1024xbf16>
    %slice3A_919 = vector.extract_strided_slice %convert_element_type3A_30 {offsets = [6, 0], sizes = [1, 1024], strides = [1, 1]} : vector<16x1024xbf16> to vector<1x1024xbf16>
    %mul3A_920 = vector.broadcast %slice3A_919 : vector<1x1024xbf16> to vector<128x1024xbf16>
    %mul3A_921 = vector.broadcast %convert_element_type3A_820 : vector<128x1xbf16> to vector<128x1024xbf16>
    %mul3A_922 = arith.mulf %mul3A_920, %mul3A_921 : vector<128x1024xbf16>
    %add3A_923 = arith.addf %add3A_918, %mul3A_922 : vector<128x1024xbf16>
    %max3A_924 = arith.maximumf %max3A_909, %add3A_923 : vector<128x1024xbf16>
    %slice3A_925 = vector.extract_strided_slice %convert_element_type3A_28 {offsets = [7, 0], sizes = [1, 1024], strides = [1, 1]} : vector<16x1024xbf16> to vector<1x1024xbf16>
    %mul3A_926 = vector.broadcast %slice3A_925 : vector<1x1024xbf16> to vector<128x1024xbf16>
    %mul3A_927 = vector.broadcast %convert_element_type3A_812 : vector<128x1xbf16> to vector<128x1024xbf16>
    %mul3A_928 = arith.mulf %mul3A_926, %mul3A_927 : vector<128x1024xbf16>
    %slice3A_929 = vector.extract_strided_slice %convert_element_type3A_29 {offsets = [7, 0], sizes = [1, 1024], strides = [1, 1]} : vector<16x1024xbf16> to vector<1x1024xbf16>
    %mul3A_930 = vector.broadcast %slice3A_929 : vector<1x1024xbf16> to vector<128x1024xbf16>
    %mul3A_931 = vector.broadcast %convert_element_type3A_816 : vector<128x1xbf16> to vector<128x1024xbf16>
    %mul3A_932 = arith.mulf %mul3A_930, %mul3A_931 : vector<128x1024xbf16>
    %add3A_933 = arith.addf %mul3A_928, %mul3A_932 : vector<128x1024xbf16>
    %slice3A_934 = vector.extract_strided_slice %convert_element_type3A_30 {offsets = [7, 0], sizes = [1, 1024], strides = [1, 1]} : vector<16x1024xbf16> to vector<1x1024xbf16>
    %mul3A_935 = vector.broadcast %slice3A_934 : vector<1x1024xbf16> to vector<128x1024xbf16>
    %mul3A_936 = vector.broadcast %convert_element_type3A_820 : vector<128x1xbf16> to vector<128x1024xbf16>
    %mul3A_937 = arith.mulf %mul3A_935, %mul3A_936 : vector<128x1024xbf16>
    %add3A_938 = arith.addf %add3A_933, %mul3A_937 : vector<128x1024xbf16>
    %max3A_939 = arith.maximumf %max3A_924, %add3A_938 : vector<128x1024xbf16>
    %slice3A_940 = vector.extract_strided_slice %convert_element_type3A_28 {offsets = [8, 0], sizes = [1, 1024], strides = [1, 1]} : vector<16x1024xbf16> to vector<1x1024xbf16>
    %mul3A_941 = vector.broadcast %slice3A_940 : vector<1x1024xbf16> to vector<128x1024xbf16>
    %mul3A_942 = vector.broadcast %convert_element_type3A_812 : vector<128x1xbf16> to vector<128x1024xbf16>
    %mul3A_943 = arith.mulf %mul3A_941, %mul3A_942 : vector<128x1024xbf16>
    %slice3A_944 = vector.extract_strided_slice %convert_element_type3A_29 {offsets = [8, 0], sizes = [1, 1024], strides = [1, 1]} : vector<16x1024xbf16> to vector<1x1024xbf16>
    %mul3A_945 = vector.broadcast %slice3A_944 : vector<1x1024xbf16> to vector<128x1024xbf16>
    %mul3A_946 = vector.broadcast %convert_element_type3A_816 : vector<128x1xbf16> to vector<128x1024xbf16>
    %mul3A_947 = arith.mulf %mul3A_945, %mul3A_946 : vector<128x1024xbf16>
    %add3A_948 = arith.addf %mul3A_943, %mul3A_947 : vector<128x1024xbf16>
    %slice3A_949 = vector.extract_strided_slice %convert_element_type3A_30 {offsets = [8, 0], sizes = [1, 1024], strides = [1, 1]} : vector<16x1024xbf16> to vector<1x1024xbf16>
    %mul3A_950 = vector.broadcast %slice3A_949 : vector<1x1024xbf16> to vector<128x1024xbf16>
    %mul3A_951 = vector.broadcast %convert_element_type3A_820 : vector<128x1xbf16> to vector<128x1024xbf16>
    %mul3A_952 = arith.mulf %mul3A_950, %mul3A_951 : vector<128x1024xbf16>
    %add3A_953 = arith.addf %add3A_948, %mul3A_952 : vector<128x1024xbf16>
    %max3A_954 = arith.maximumf %max3A_939, %add3A_953 : vector<128x1024xbf16>
    %slice3A_955 = vector.extract_strided_slice %convert_element_type3A_28 {offsets = [9, 0], sizes = [1, 1024], strides = [1, 1]} : vector<16x1024xbf16> to vector<1x1024xbf16>
    %mul3A_956 = vector.broadcast %slice3A_955 : vector<1x1024xbf16> to vector<128x1024xbf16>
    %mul3A_957 = vector.broadcast %convert_element_type3A_812 : vector<128x1xbf16> to vector<128x1024xbf16>
    %mul3A_958 = arith.mulf %mul3A_956, %mul3A_957 : vector<128x1024xbf16>
    %slice3A_959 = vector.extract_strided_slice %convert_element_type3A_29 {offsets = [9, 0], sizes = [1, 1024], strides = [1, 1]} : vector<16x1024xbf16> to vector<1x1024xbf16>
    %mul3A_960 = vector.broadcast %slice3A_959 : vector<1x1024xbf16> to vector<128x1024xbf16>
    %mul3A_961 = vector.broadcast %convert_element_type3A_816 : vector<128x1xbf16> to vector<128x1024xbf16>
    %mul3A_962 = arith.mulf %mul3A_960, %mul3A_961 : vector<128x1024xbf16>
    %add3A_963 = arith.addf %mul3A_958, %mul3A_962 : vector<128x1024xbf16>
    %slice3A_964 = vector.extract_strided_slice %convert_element_type3A_30 {offsets = [9, 0], sizes = [1, 1024], strides = [1, 1]} : vector<16x1024xbf16> to vector<1x1024xbf16>
    %mul3A_965 = vector.broadcast %slice3A_964 : vector<1x1024xbf16> to vector<128x1024xbf16>
    %mul3A_966 = vector.broadcast %convert_element_type3A_820 : vector<128x1xbf16> to vector<128x1024xbf16>
    %mul3A_967 = arith.mulf %mul3A_965, %mul3A_966 : vector<128x1024xbf16>
    %add3A_968 = arith.addf %add3A_963, %mul3A_967 : vector<128x1024xbf16>
    %max3A_969 = arith.maximumf %max3A_954, %add3A_968 : vector<128x1024xbf16>
    %slice3A_970 = vector.extract_strided_slice %convert_element_type3A_28 {offsets = [10, 0], sizes = [1, 1024], strides = [1, 1]} : vector<16x1024xbf16> to vector<1x1024xbf16>
    %mul3A_971 = vector.broadcast %slice3A_970 : vector<1x1024xbf16> to vector<128x1024xbf16>
    %mul3A_972 = vector.broadcast %convert_element_type3A_812 : vector<128x1xbf16> to vector<128x1024xbf16>
    %mul3A_973 = arith.mulf %mul3A_971, %mul3A_972 : vector<128x1024xbf16>
    %slice3A_974 = vector.extract_strided_slice %convert_element_type3A_29 {offsets = [10, 0], sizes = [1, 1024], strides = [1, 1]} : vector<16x1024xbf16> to vector<1x1024xbf16>
    %mul3A_975 = vector.broadcast %slice3A_974 : vector<1x1024xbf16> to vector<128x1024xbf16>
    %mul3A_976 = vector.broadcast %convert_element_type3A_816 : vector<128x1xbf16> to vector<128x1024xbf16>
    %mul3A_977 = arith.mulf %mul3A_975, %mul3A_976 : vector<128x1024xbf16>
    %add3A_978 = arith.addf %mul3A_973, %mul3A_977 : vector<128x1024xbf16>
    %slice3A_979 = vector.extract_strided_slice %convert_element_type3A_30 {offsets = [10, 0], sizes = [1, 1024], strides = [1, 1]} : vector<16x1024xbf16> to vector<1x1024xbf16>
    %mul3A_980 = vector.broadcast %slice3A_979 : vector<1x1024xbf16> to vector<128x1024xbf16>
    %mul3A_981 = vector.broadcast %convert_element_type3A_820 : vector<128x1xbf16> to vector<128x1024xbf16>
    %mul3A_982 = arith.mulf %mul3A_980, %mul3A_981 : vector<128x1024xbf16>
    %add3A_983 = arith.addf %add3A_978, %mul3A_982 : vector<128x1024xbf16>
    %max3A_984 = arith.maximumf %max3A_969, %add3A_983 : vector<128x1024xbf16>
    %slice3A_985 = vector.extract_strided_slice %convert_element_type3A_28 {offsets = [11, 0], sizes = [1, 1024], strides = [1, 1]} : vector<16x1024xbf16> to vector<1x1024xbf16>
    %mul3A_986 = vector.broadcast %slice3A_985 : vector<1x1024xbf16> to vector<128x1024xbf16>
    %mul3A_987 = vector.broadcast %convert_element_type3A_812 : vector<128x1xbf16> to vector<128x1024xbf16>
    %mul3A_988 = arith.mulf %mul3A_986, %mul3A_987 : vector<128x1024xbf16>
    %slice3A_989 = vector.extract_strided_slice %convert_element_type3A_29 {offsets = [11, 0], sizes = [1, 1024], strides = [1, 1]} : vector<16x1024xbf16> to vector<1x1024xbf16>
    %mul3A_990 = vector.broadcast %slice3A_989 : vector<1x1024xbf16> to vector<128x1024xbf16>
    %mul3A_991 = vector.broadcast %convert_element_type3A_816 : vector<128x1xbf16> to vector<128x1024xbf16>
    %mul3A_992 = arith.mulf %mul3A_990, %mul3A_991 : vector<128x1024xbf16>
    %add3A_993 = arith.addf %mul3A_988, %mul3A_992 : vector<128x1024xbf16>
    %slice3A_994 = vector.extract_strided_slice %convert_element_type3A_30 {offsets = [11, 0], sizes = [1, 1024], strides = [1, 1]} : vector<16x1024xbf16> to vector<1x1024xbf16>
    %mul3A_995 = vector.broadcast %slice3A_994 : vector<1x1024xbf16> to vector<128x1024xbf16>
    %mul3A_996 = vector.broadcast %convert_element_type3A_820 : vector<128x1xbf16> to vector<128x1024xbf16>
    %mul3A_997 = arith.mulf %mul3A_995, %mul3A_996 : vector<128x1024xbf16>
    %add3A_998 = arith.addf %add3A_993, %mul3A_997 : vector<128x1024xbf16>
    %max3A_999 = arith.maximumf %max3A_984, %add3A_998 : vector<128x1024xbf16>
    %slice3A_1000 = vector.extract_strided_slice %convert_element_type3A_28 {offsets = [12, 0], sizes = [1, 1024], strides = [1, 1]} : vector<16x1024xbf16> to vector<1x1024xbf16>
    %mul3A_1001 = vector.broadcast %slice3A_1000 : vector<1x1024xbf16> to vector<128x1024xbf16>
    %mul3A_1002 = vector.broadcast %convert_element_type3A_812 : vector<128x1xbf16> to vector<128x1024xbf16>
    %mul3A_1003 = arith.mulf %mul3A_1001, %mul3A_1002 : vector<128x1024xbf16>
    %slice3A_1004 = vector.extract_strided_slice %convert_element_type3A_29 {offsets = [12, 0], sizes = [1, 1024], strides = [1, 1]} : vector<16x1024xbf16> to vector<1x1024xbf16>
    %mul3A_1005 = vector.broadcast %slice3A_1004 : vector<1x1024xbf16> to vector<128x1024xbf16>
    %mul3A_1006 = vector.broadcast %convert_element_type3A_816 : vector<128x1xbf16> to vector<128x1024xbf16>
    %mul3A_1007 = arith.mulf %mul3A_1005, %mul3A_1006 : vector<128x1024xbf16>
    %add3A_1008 = arith.addf %mul3A_1003, %mul3A_1007 : vector<128x1024xbf16>
    %slice3A_1009 = vector.extract_strided_slice %convert_element_type3A_30 {offsets = [12, 0], sizes = [1, 1024], strides = [1, 1]} : vector<16x1024xbf16> to vector<1x1024xbf16>
    %mul3A_1010 = vector.broadcast %slice3A_1009 : vector<1x1024xbf16> to vector<128x1024xbf16>
    %mul3A_1011 = vector.broadcast %convert_element_type3A_820 : vector<128x1xbf16> to vector<128x1024xbf16>
    %mul3A_1012 = arith.mulf %mul3A_1010, %mul3A_1011 : vector<128x1024xbf16>
    %add3A_1013 = arith.addf %add3A_1008, %mul3A_1012 : vector<128x1024xbf16>
    %max3A_1014 = arith.maximumf %max3A_999, %add3A_1013 : vector<128x1024xbf16>
    %slice3A_1015 = vector.extract_strided_slice %convert_element_type3A_28 {offsets = [13, 0], sizes = [1, 1024], strides = [1, 1]} : vector<16x1024xbf16> to vector<1x1024xbf16>
    %mul3A_1016 = vector.broadcast %slice3A_1015 : vector<1x1024xbf16> to vector<128x1024xbf16>
    %mul3A_1017 = vector.broadcast %convert_element_type3A_812 : vector<128x1xbf16> to vector<128x1024xbf16>
    %mul3A_1018 = arith.mulf %mul3A_1016, %mul3A_1017 : vector<128x1024xbf16>
    %slice3A_1019 = vector.extract_strided_slice %convert_element_type3A_29 {offsets = [13, 0], sizes = [1, 1024], strides = [1, 1]} : vector<16x1024xbf16> to vector<1x1024xbf16>
    %mul3A_1020 = vector.broadcast %slice3A_1019 : vector<1x1024xbf16> to vector<128x1024xbf16>
    %mul3A_1021 = vector.broadcast %convert_element_type3A_816 : vector<128x1xbf16> to vector<128x1024xbf16>
    %mul3A_1022 = arith.mulf %mul3A_1020, %mul3A_1021 : vector<128x1024xbf16>
    %add3A_1023 = arith.addf %mul3A_1018, %mul3A_1022 : vector<128x1024xbf16>
    %slice3A_1024 = vector.extract_strided_slice %convert_element_type3A_30 {offsets = [13, 0], sizes = [1, 1024], strides = [1, 1]} : vector<16x1024xbf16> to vector<1x1024xbf16>
    %mul3A_1025 = vector.broadcast %slice3A_1024 : vector<1x1024xbf16> to vector<128x1024xbf16>
    %mul3A_1026 = vector.broadcast %convert_element_type3A_820 : vector<128x1xbf16> to vector<128x1024xbf16>
    %mul3A_1027 = arith.mulf %mul3A_1025, %mul3A_1026 : vector<128x1024xbf16>
    %add3A_1028 = arith.addf %add3A_1023, %mul3A_1027 : vector<128x1024xbf16>
    %max3A_1029 = arith.maximumf %max3A_1014, %add3A_1028 : vector<128x1024xbf16>
    %slice3A_1030 = vector.extract_strided_slice %convert_element_type3A_28 {offsets = [14, 0], sizes = [1, 1024], strides = [1, 1]} : vector<16x1024xbf16> to vector<1x1024xbf16>
    %mul3A_1031 = vector.broadcast %slice3A_1030 : vector<1x1024xbf16> to vector<128x1024xbf16>
    %mul3A_1032 = vector.broadcast %convert_element_type3A_812 : vector<128x1xbf16> to vector<128x1024xbf16>
    %mul3A_1033 = arith.mulf %mul3A_1031, %mul3A_1032 : vector<128x1024xbf16>
    %slice3A_1034 = vector.extract_strided_slice %convert_element_type3A_29 {offsets = [14, 0], sizes = [1, 1024], strides = [1, 1]} : vector<16x1024xbf16> to vector<1x1024xbf16>
    %mul3A_1035 = vector.broadcast %slice3A_1034 : vector<1x1024xbf16> to vector<128x1024xbf16>
    %mul3A_1036 = vector.broadcast %convert_element_type3A_816 : vector<128x1xbf16> to vector<128x1024xbf16>
    %mul3A_1037 = arith.mulf %mul3A_1035, %mul3A_1036 : vector<128x1024xbf16>
    %add3A_1038 = arith.addf %mul3A_1033, %mul3A_1037 : vector<128x1024xbf16>
    %slice3A_1039 = vector.extract_strided_slice %convert_element_type3A_30 {offsets = [14, 0], sizes = [1, 1024], strides = [1, 1]} : vector<16x1024xbf16> to vector<1x1024xbf16>
    %mul3A_1040 = vector.broadcast %slice3A_1039 : vector<1x1024xbf16> to vector<128x1024xbf16>
    %mul3A_1041 = vector.broadcast %convert_element_type3A_820 : vector<128x1xbf16> to vector<128x1024xbf16>
    %mul3A_1042 = arith.mulf %mul3A_1040, %mul3A_1041 : vector<128x1024xbf16>
    %add3A_1043 = arith.addf %add3A_1038, %mul3A_1042 : vector<128x1024xbf16>
    %max3A_1044 = arith.maximumf %max3A_1029, %add3A_1043 : vector<128x1024xbf16>
    %slice3A_1045 = vector.extract_strided_slice %convert_element_type3A_28 {offsets = [15, 0], sizes = [1, 1024], strides = [1, 1]} : vector<16x1024xbf16> to vector<1x1024xbf16>
    %mul3A_1046 = vector.broadcast %slice3A_1045 : vector<1x1024xbf16> to vector<128x1024xbf16>
    %mul3A_1047 = vector.broadcast %convert_element_type3A_812 : vector<128x1xbf16> to vector<128x1024xbf16>
    %mul3A_1048 = arith.mulf %mul3A_1046, %mul3A_1047 : vector<128x1024xbf16>
    %slice3A_1049 = vector.extract_strided_slice %convert_element_type3A_29 {offsets = [15, 0], sizes = [1, 1024], strides = [1, 1]} : vector<16x1024xbf16> to vector<1x1024xbf16>
    %mul3A_1050 = vector.broadcast %slice3A_1049 : vector<1x1024xbf16> to vector<128x1024xbf16>
    %mul3A_1051 = vector.broadcast %convert_element_type3A_816 : vector<128x1xbf16> to vector<128x1024xbf16>
    %mul3A_1052 = arith.mulf %mul3A_1050, %mul3A_1051 : vector<128x1024xbf16>
    %add3A_1053 = arith.addf %mul3A_1048, %mul3A_1052 : vector<128x1024xbf16>
    %slice3A_1054 = vector.extract_strided_slice %convert_element_type3A_30 {offsets = [15, 0], sizes = [1, 1024], strides = [1, 1]} : vector<16x1024xbf16> to vector<1x1024xbf16>
    %mul3A_1055 = vector.broadcast %slice3A_1054 : vector<1x1024xbf16> to vector<128x1024xbf16>
    %mul3A_1056 = vector.broadcast %convert_element_type3A_820 : vector<128x1xbf16> to vector<128x1024xbf16>
    %mul3A_1057 = arith.mulf %mul3A_1055, %mul3A_1056 : vector<128x1024xbf16>
    %add3A_1058 = arith.addf %add3A_1053, %mul3A_1057 : vector<128x1024xbf16>
    %max3A_1059 = arith.maximumf %max3A_1044, %add3A_1058 : vector<128x1024xbf16>
    %convert_element_type3A_1060 = arith.extf %max3A_1059 : vector<128x1024xbf16> to vector<128x1024xf32>
    %max3A_1061 = arith.constant 0.000000e+00 : f32
    %max3A_1062 = vector.broadcast %max3A_1061 : f32 to vector<128x1024xf32>
    %max3A_1063 = arith.maximumf %convert_element_type3A_1060, %max3A_1062 : vector<128x1024xf32>
    %mul3A_1064 = arith.mulf %transpose3A, %max3A_1063 : vector<128x1024xf32>
    %reduce_sum3A_1065 = arith.constant dense<0.000000e+00> : vector<1024xf32>
    %reduce_sum3A_1066 = vector.multi_reduction <add>, %mul3A_1064, %reduce_sum3A_1065 [0] : vector<128x1024xf32> to vector<1024xf32>
    %broadcast_in_dim3A_1067 = vector.shape_cast %reduce_sum3A_1066 : vector<1024xf32> to vector<1x1024xf32>
    %get3A_1068 = arith.constant 512 : index
    %get3A_1069 = arith.constant 0 : index
    %get3A_1070 = vector.load %arg8[%get3A_1068, %get3A_1069] : memref<1024x8xf32, #tpu.memory_space<vmem>>, vector<128x1xf32>
    %convert_element_type3A_1071 = arith.truncf %get3A_1070 : vector<128x1xf32> to vector<128x1xbf16>
    %get3A_1072 = arith.constant 512 : index
    %get3A_1073 = arith.constant 1 : index
    %get3A_1074 = vector.load %arg8[%get3A_1072, %get3A_1073] : memref<1024x8xf32, #tpu.memory_space<vmem>>, vector<128x1xf32>
    %convert_element_type3A_1075 = arith.truncf %get3A_1074 : vector<128x1xf32> to vector<128x1xbf16>
    %get3A_1076 = arith.constant 512 : index
    %get3A_1077 = arith.constant 2 : index
    %get3A_1078 = vector.load %arg8[%get3A_1076, %get3A_1077] : memref<1024x8xf32, #tpu.memory_space<vmem>>, vector<128x1xf32>
    %convert_element_type3A_1079 = arith.truncf %get3A_1078 : vector<128x1xf32> to vector<128x1xbf16>
    %slice3A_1080 = vector.extract_strided_slice %convert_element_type3A_28 {offsets = [0, 0], sizes = [1, 1024], strides = [1, 1]} : vector<16x1024xbf16> to vector<1x1024xbf16>
    %mul3A_1081 = vector.broadcast %slice3A_1080 : vector<1x1024xbf16> to vector<128x1024xbf16>
    %mul3A_1082 = vector.broadcast %convert_element_type3A_1071 : vector<128x1xbf16> to vector<128x1024xbf16>
    %mul3A_1083 = arith.mulf %mul3A_1081, %mul3A_1082 : vector<128x1024xbf16>
    %slice3A_1084 = vector.extract_strided_slice %convert_element_type3A_29 {offsets = [0, 0], sizes = [1, 1024], strides = [1, 1]} : vector<16x1024xbf16> to vector<1x1024xbf16>
    %mul3A_1085 = vector.broadcast %slice3A_1084 : vector<1x1024xbf16> to vector<128x1024xbf16>
    %mul3A_1086 = vector.broadcast %convert_element_type3A_1075 : vector<128x1xbf16> to vector<128x1024xbf16>
    %mul3A_1087 = arith.mulf %mul3A_1085, %mul3A_1086 : vector<128x1024xbf16>
    %add3A_1088 = arith.addf %mul3A_1083, %mul3A_1087 : vector<128x1024xbf16>
    %slice3A_1089 = vector.extract_strided_slice %convert_element_type3A_30 {offsets = [0, 0], sizes = [1, 1024], strides = [1, 1]} : vector<16x1024xbf16> to vector<1x1024xbf16>
    %mul3A_1090 = vector.broadcast %slice3A_1089 : vector<1x1024xbf16> to vector<128x1024xbf16>
    %mul3A_1091 = vector.broadcast %convert_element_type3A_1079 : vector<128x1xbf16> to vector<128x1024xbf16>
    %mul3A_1092 = arith.mulf %mul3A_1090, %mul3A_1091 : vector<128x1024xbf16>
    %add3A_1093 = arith.addf %add3A_1088, %mul3A_1092 : vector<128x1024xbf16>
    %slice3A_1094 = vector.extract_strided_slice %convert_element_type3A_28 {offsets = [1, 0], sizes = [1, 1024], strides = [1, 1]} : vector<16x1024xbf16> to vector<1x1024xbf16>
    %mul3A_1095 = vector.broadcast %slice3A_1094 : vector<1x1024xbf16> to vector<128x1024xbf16>
    %mul3A_1096 = vector.broadcast %convert_element_type3A_1071 : vector<128x1xbf16> to vector<128x1024xbf16>
    %mul3A_1097 = arith.mulf %mul3A_1095, %mul3A_1096 : vector<128x1024xbf16>
    %slice3A_1098 = vector.extract_strided_slice %convert_element_type3A_29 {offsets = [1, 0], sizes = [1, 1024], strides = [1, 1]} : vector<16x1024xbf16> to vector<1x1024xbf16>
    %mul3A_1099 = vector.broadcast %slice3A_1098 : vector<1x1024xbf16> to vector<128x1024xbf16>
    %mul3A_1100 = vector.broadcast %convert_element_type3A_1075 : vector<128x1xbf16> to vector<128x1024xbf16>
    %mul3A_1101 = arith.mulf %mul3A_1099, %mul3A_1100 : vector<128x1024xbf16>
    %add3A_1102 = arith.addf %mul3A_1097, %mul3A_1101 : vector<128x1024xbf16>
    %slice3A_1103 = vector.extract_strided_slice %convert_element_type3A_30 {offsets = [1, 0], sizes = [1, 1024], strides = [1, 1]} : vector<16x1024xbf16> to vector<1x1024xbf16>
    %mul3A_1104 = vector.broadcast %slice3A_1103 : vector<1x1024xbf16> to vector<128x1024xbf16>
    %mul3A_1105 = vector.broadcast %convert_element_type3A_1079 : vector<128x1xbf16> to vector<128x1024xbf16>
    %mul3A_1106 = arith.mulf %mul3A_1104, %mul3A_1105 : vector<128x1024xbf16>
    %add3A_1107 = arith.addf %add3A_1102, %mul3A_1106 : vector<128x1024xbf16>
    %max3A_1108 = arith.maximumf %add3A_1093, %add3A_1107 : vector<128x1024xbf16>
    %slice3A_1109 = vector.extract_strided_slice %convert_element_type3A_28 {offsets = [2, 0], sizes = [1, 1024], strides = [1, 1]} : vector<16x1024xbf16> to vector<1x1024xbf16>
    %mul3A_1110 = vector.broadcast %slice3A_1109 : vector<1x1024xbf16> to vector<128x1024xbf16>
    %mul3A_1111 = vector.broadcast %convert_element_type3A_1071 : vector<128x1xbf16> to vector<128x1024xbf16>
    %mul3A_1112 = arith.mulf %mul3A_1110, %mul3A_1111 : vector<128x1024xbf16>
    %slice3A_1113 = vector.extract_strided_slice %convert_element_type3A_29 {offsets = [2, 0], sizes = [1, 1024], strides = [1, 1]} : vector<16x1024xbf16> to vector<1x1024xbf16>
    %mul3A_1114 = vector.broadcast %slice3A_1113 : vector<1x1024xbf16> to vector<128x1024xbf16>
    %mul3A_1115 = vector.broadcast %convert_element_type3A_1075 : vector<128x1xbf16> to vector<128x1024xbf16>
    %mul3A_1116 = arith.mulf %mul3A_1114, %mul3A_1115 : vector<128x1024xbf16>
    %add3A_1117 = arith.addf %mul3A_1112, %mul3A_1116 : vector<128x1024xbf16>
    %slice3A_1118 = vector.extract_strided_slice %convert_element_type3A_30 {offsets = [2, 0], sizes = [1, 1024], strides = [1, 1]} : vector<16x1024xbf16> to vector<1x1024xbf16>
    %mul3A_1119 = vector.broadcast %slice3A_1118 : vector<1x1024xbf16> to vector<128x1024xbf16>
    %mul3A_1120 = vector.broadcast %convert_element_type3A_1079 : vector<128x1xbf16> to vector<128x1024xbf16>
    %mul3A_1121 = arith.mulf %mul3A_1119, %mul3A_1120 : vector<128x1024xbf16>
    %add3A_1122 = arith.addf %add3A_1117, %mul3A_1121 : vector<128x1024xbf16>
    %max3A_1123 = arith.maximumf %max3A_1108, %add3A_1122 : vector<128x1024xbf16>
    %slice3A_1124 = vector.extract_strided_slice %convert_element_type3A_28 {offsets = [3, 0], sizes = [1, 1024], strides = [1, 1]} : vector<16x1024xbf16> to vector<1x1024xbf16>
    %mul3A_1125 = vector.broadcast %slice3A_1124 : vector<1x1024xbf16> to vector<128x1024xbf16>
    %mul3A_1126 = vector.broadcast %convert_element_type3A_1071 : vector<128x1xbf16> to vector<128x1024xbf16>
    %mul3A_1127 = arith.mulf %mul3A_1125, %mul3A_1126 : vector<128x1024xbf16>
    %slice3A_1128 = vector.extract_strided_slice %convert_element_type3A_29 {offsets = [3, 0], sizes = [1, 1024], strides = [1, 1]} : vector<16x1024xbf16> to vector<1x1024xbf16>
    %mul3A_1129 = vector.broadcast %slice3A_1128 : vector<1x1024xbf16> to vector<128x1024xbf16>
    %mul3A_1130 = vector.broadcast %convert_element_type3A_1075 : vector<128x1xbf16> to vector<128x1024xbf16>
    %mul3A_1131 = arith.mulf %mul3A_1129, %mul3A_1130 : vector<128x1024xbf16>
    %add3A_1132 = arith.addf %mul3A_1127, %mul3A_1131 : vector<128x1024xbf16>
    %slice3A_1133 = vector.extract_strided_slice %convert_element_type3A_30 {offsets = [3, 0], sizes = [1, 1024], strides = [1, 1]} : vector<16x1024xbf16> to vector<1x1024xbf16>
    %mul3A_1134 = vector.broadcast %slice3A_1133 : vector<1x1024xbf16> to vector<128x1024xbf16>
    %mul3A_1135 = vector.broadcast %convert_element_type3A_1079 : vector<128x1xbf16> to vector<128x1024xbf16>
    %mul3A_1136 = arith.mulf %mul3A_1134, %mul3A_1135 : vector<128x1024xbf16>
    %add3A_1137 = arith.addf %add3A_1132, %mul3A_1136 : vector<128x1024xbf16>
    %max3A_1138 = arith.maximumf %max3A_1123, %add3A_1137 : vector<128x1024xbf16>
    %slice3A_1139 = vector.extract_strided_slice %convert_element_type3A_28 {offsets = [4, 0], sizes = [1, 1024], strides = [1, 1]} : vector<16x1024xbf16> to vector<1x1024xbf16>
    %mul3A_1140 = vector.broadcast %slice3A_1139 : vector<1x1024xbf16> to vector<128x1024xbf16>
    %mul3A_1141 = vector.broadcast %convert_element_type3A_1071 : vector<128x1xbf16> to vector<128x1024xbf16>
    %mul3A_1142 = arith.mulf %mul3A_1140, %mul3A_1141 : vector<128x1024xbf16>
    %slice3A_1143 = vector.extract_strided_slice %convert_element_type3A_29 {offsets = [4, 0], sizes = [1, 1024], strides = [1, 1]} : vector<16x1024xbf16> to vector<1x1024xbf16>
    %mul3A_1144 = vector.broadcast %slice3A_1143 : vector<1x1024xbf16> to vector<128x1024xbf16>
    %mul3A_1145 = vector.broadcast %convert_element_type3A_1075 : vector<128x1xbf16> to vector<128x1024xbf16>
    %mul3A_1146 = arith.mulf %mul3A_1144, %mul3A_1145 : vector<128x1024xbf16>
    %add3A_1147 = arith.addf %mul3A_1142, %mul3A_1146 : vector<128x1024xbf16>
    %slice3A_1148 = vector.extract_strided_slice %convert_element_type3A_30 {offsets = [4, 0], sizes = [1, 1024], strides = [1, 1]} : vector<16x1024xbf16> to vector<1x1024xbf16>
    %mul3A_1149 = vector.broadcast %slice3A_1148 : vector<1x1024xbf16> to vector<128x1024xbf16>
    %mul3A_1150 = vector.broadcast %convert_element_type3A_1079 : vector<128x1xbf16> to vector<128x1024xbf16>
    %mul3A_1151 = arith.mulf %mul3A_1149, %mul3A_1150 : vector<128x1024xbf16>
    %add3A_1152 = arith.addf %add3A_1147, %mul3A_1151 : vector<128x1024xbf16>
    %max3A_1153 = arith.maximumf %max3A_1138, %add3A_1152 : vector<128x1024xbf16>
    %slice3A_1154 = vector.extract_strided_slice %convert_element_type3A_28 {offsets = [5, 0], sizes = [1, 1024], strides = [1, 1]} : vector<16x1024xbf16> to vector<1x1024xbf16>
    %mul3A_1155 = vector.broadcast %slice3A_1154 : vector<1x1024xbf16> to vector<128x1024xbf16>
    %mul3A_1156 = vector.broadcast %convert_element_type3A_1071 : vector<128x1xbf16> to vector<128x1024xbf16>
    %mul3A_1157 = arith.mulf %mul3A_1155, %mul3A_1156 : vector<128x1024xbf16>
    %slice3A_1158 = vector.extract_strided_slice %convert_element_type3A_29 {offsets = [5, 0], sizes = [1, 1024], strides = [1, 1]} : vector<16x1024xbf16> to vector<1x1024xbf16>
    %mul3A_1159 = vector.broadcast %slice3A_1158 : vector<1x1024xbf16> to vector<128x1024xbf16>
    %mul3A_1160 = vector.broadcast %convert_element_type3A_1075 : vector<128x1xbf16> to vector<128x1024xbf16>
    %mul3A_1161 = arith.mulf %mul3A_1159, %mul3A_1160 : vector<128x1024xbf16>
    %add3A_1162 = arith.addf %mul3A_1157, %mul3A_1161 : vector<128x1024xbf16>
    %slice3A_1163 = vector.extract_strided_slice %convert_element_type3A_30 {offsets = [5, 0], sizes = [1, 1024], strides = [1, 1]} : vector<16x1024xbf16> to vector<1x1024xbf16>
    %mul3A_1164 = vector.broadcast %slice3A_1163 : vector<1x1024xbf16> to vector<128x1024xbf16>
    %mul3A_1165 = vector.broadcast %convert_element_type3A_1079 : vector<128x1xbf16> to vector<128x1024xbf16>
    %mul3A_1166 = arith.mulf %mul3A_1164, %mul3A_1165 : vector<128x1024xbf16>
    %add3A_1167 = arith.addf %add3A_1162, %mul3A_1166 : vector<128x1024xbf16>
    %max3A_1168 = arith.maximumf %max3A_1153, %add3A_1167 : vector<128x1024xbf16>
    %slice3A_1169 = vector.extract_strided_slice %convert_element_type3A_28 {offsets = [6, 0], sizes = [1, 1024], strides = [1, 1]} : vector<16x1024xbf16> to vector<1x1024xbf16>
    %mul3A_1170 = vector.broadcast %slice3A_1169 : vector<1x1024xbf16> to vector<128x1024xbf16>
    %mul3A_1171 = vector.broadcast %convert_element_type3A_1071 : vector<128x1xbf16> to vector<128x1024xbf16>
    %mul3A_1172 = arith.mulf %mul3A_1170, %mul3A_1171 : vector<128x1024xbf16>
    %slice3A_1173 = vector.extract_strided_slice %convert_element_type3A_29 {offsets = [6, 0], sizes = [1, 1024], strides = [1, 1]} : vector<16x1024xbf16> to vector<1x1024xbf16>
    %mul3A_1174 = vector.broadcast %slice3A_1173 : vector<1x1024xbf16> to vector<128x1024xbf16>
    %mul3A_1175 = vector.broadcast %convert_element_type3A_1075 : vector<128x1xbf16> to vector<128x1024xbf16>
    %mul3A_1176 = arith.mulf %mul3A_1174, %mul3A_1175 : vector<128x1024xbf16>
    %add3A_1177 = arith.addf %mul3A_1172, %mul3A_1176 : vector<128x1024xbf16>
    %slice3A_1178 = vector.extract_strided_slice %convert_element_type3A_30 {offsets = [6, 0], sizes = [1, 1024], strides = [1, 1]} : vector<16x1024xbf16> to vector<1x1024xbf16>
    %mul3A_1179 = vector.broadcast %slice3A_1178 : vector<1x1024xbf16> to vector<128x1024xbf16>
    %mul3A_1180 = vector.broadcast %convert_element_type3A_1079 : vector<128x1xbf16> to vector<128x1024xbf16>
    %mul3A_1181 = arith.mulf %mul3A_1179, %mul3A_1180 : vector<128x1024xbf16>
    %add3A_1182 = arith.addf %add3A_1177, %mul3A_1181 : vector<128x1024xbf16>
    %max3A_1183 = arith.maximumf %max3A_1168, %add3A_1182 : vector<128x1024xbf16>
    %slice3A_1184 = vector.extract_strided_slice %convert_element_type3A_28 {offsets = [7, 0], sizes = [1, 1024], strides = [1, 1]} : vector<16x1024xbf16> to vector<1x1024xbf16>
    %mul3A_1185 = vector.broadcast %slice3A_1184 : vector<1x1024xbf16> to vector<128x1024xbf16>
    %mul3A_1186 = vector.broadcast %convert_element_type3A_1071 : vector<128x1xbf16> to vector<128x1024xbf16>
    %mul3A_1187 = arith.mulf %mul3A_1185, %mul3A_1186 : vector<128x1024xbf16>
    %slice3A_1188 = vector.extract_strided_slice %convert_element_type3A_29 {offsets = [7, 0], sizes = [1, 1024], strides = [1, 1]} : vector<16x1024xbf16> to vector<1x1024xbf16>
    %mul3A_1189 = vector.broadcast %slice3A_1188 : vector<1x1024xbf16> to vector<128x1024xbf16>
    %mul3A_1190 = vector.broadcast %convert_element_type3A_1075 : vector<128x1xbf16> to vector<128x1024xbf16>
    %mul3A_1191 = arith.mulf %mul3A_1189, %mul3A_1190 : vector<128x1024xbf16>
    %add3A_1192 = arith.addf %mul3A_1187, %mul3A_1191 : vector<128x1024xbf16>
    %slice3A_1193 = vector.extract_strided_slice %convert_element_type3A_30 {offsets = [7, 0], sizes = [1, 1024], strides = [1, 1]} : vector<16x1024xbf16> to vector<1x1024xbf16>
    %mul3A_1194 = vector.broadcast %slice3A_1193 : vector<1x1024xbf16> to vector<128x1024xbf16>
    %mul3A_1195 = vector.broadcast %convert_element_type3A_1079 : vector<128x1xbf16> to vector<128x1024xbf16>
    %mul3A_1196 = arith.mulf %mul3A_1194, %mul3A_1195 : vector<128x1024xbf16>
    %add3A_1197 = arith.addf %add3A_1192, %mul3A_1196 : vector<128x1024xbf16>
    %max3A_1198 = arith.maximumf %max3A_1183, %add3A_1197 : vector<128x1024xbf16>
    %slice3A_1199 = vector.extract_strided_slice %convert_element_type3A_28 {offsets = [8, 0], sizes = [1, 1024], strides = [1, 1]} : vector<16x1024xbf16> to vector<1x1024xbf16>
    %mul3A_1200 = vector.broadcast %slice3A_1199 : vector<1x1024xbf16> to vector<128x1024xbf16>
    %mul3A_1201 = vector.broadcast %convert_element_type3A_1071 : vector<128x1xbf16> to vector<128x1024xbf16>
    %mul3A_1202 = arith.mulf %mul3A_1200, %mul3A_1201 : vector<128x1024xbf16>
    %slice3A_1203 = vector.extract_strided_slice %convert_element_type3A_29 {offsets = [8, 0], sizes = [1, 1024], strides = [1, 1]} : vector<16x1024xbf16> to vector<1x1024xbf16>
    %mul3A_1204 = vector.broadcast %slice3A_1203 : vector<1x1024xbf16> to vector<128x1024xbf16>
    %mul3A_1205 = vector.broadcast %convert_element_type3A_1075 : vector<128x1xbf16> to vector<128x1024xbf16>
    %mul3A_1206 = arith.mulf %mul3A_1204, %mul3A_1205 : vector<128x1024xbf16>
    %add3A_1207 = arith.addf %mul3A_1202, %mul3A_1206 : vector<128x1024xbf16>
    %slice3A_1208 = vector.extract_strided_slice %convert_element_type3A_30 {offsets = [8, 0], sizes = [1, 1024], strides = [1, 1]} : vector<16x1024xbf16> to vector<1x1024xbf16>
    %mul3A_1209 = vector.broadcast %slice3A_1208 : vector<1x1024xbf16> to vector<128x1024xbf16>
    %mul3A_1210 = vector.broadcast %convert_element_type3A_1079 : vector<128x1xbf16> to vector<128x1024xbf16>
    %mul3A_1211 = arith.mulf %mul3A_1209, %mul3A_1210 : vector<128x1024xbf16>
    %add3A_1212 = arith.addf %add3A_1207, %mul3A_1211 : vector<128x1024xbf16>
    %max3A_1213 = arith.maximumf %max3A_1198, %add3A_1212 : vector<128x1024xbf16>
    %slice3A_1214 = vector.extract_strided_slice %convert_element_type3A_28 {offsets = [9, 0], sizes = [1, 1024], strides = [1, 1]} : vector<16x1024xbf16> to vector<1x1024xbf16>
    %mul3A_1215 = vector.broadcast %slice3A_1214 : vector<1x1024xbf16> to vector<128x1024xbf16>
    %mul3A_1216 = vector.broadcast %convert_element_type3A_1071 : vector<128x1xbf16> to vector<128x1024xbf16>
    %mul3A_1217 = arith.mulf %mul3A_1215, %mul3A_1216 : vector<128x1024xbf16>
    %slice3A_1218 = vector.extract_strided_slice %convert_element_type3A_29 {offsets = [9, 0], sizes = [1, 1024], strides = [1, 1]} : vector<16x1024xbf16> to vector<1x1024xbf16>
    %mul3A_1219 = vector.broadcast %slice3A_1218 : vector<1x1024xbf16> to vector<128x1024xbf16>
    %mul3A_1220 = vector.broadcast %convert_element_type3A_1075 : vector<128x1xbf16> to vector<128x1024xbf16>
    %mul3A_1221 = arith.mulf %mul3A_1219, %mul3A_1220 : vector<128x1024xbf16>
    %add3A_1222 = arith.addf %mul3A_1217, %mul3A_1221 : vector<128x1024xbf16>
    %slice3A_1223 = vector.extract_strided_slice %convert_element_type3A_30 {offsets = [9, 0], sizes = [1, 1024], strides = [1, 1]} : vector<16x1024xbf16> to vector<1x1024xbf16>
    %mul3A_1224 = vector.broadcast %slice3A_1223 : vector<1x1024xbf16> to vector<128x1024xbf16>
    %mul3A_1225 = vector.broadcast %convert_element_type3A_1079 : vector<128x1xbf16> to vector<128x1024xbf16>
    %mul3A_1226 = arith.mulf %mul3A_1224, %mul3A_1225 : vector<128x1024xbf16>
    %add3A_1227 = arith.addf %add3A_1222, %mul3A_1226 : vector<128x1024xbf16>
    %max3A_1228 = arith.maximumf %max3A_1213, %add3A_1227 : vector<128x1024xbf16>
    %slice3A_1229 = vector.extract_strided_slice %convert_element_type3A_28 {offsets = [10, 0], sizes = [1, 1024], strides = [1, 1]} : vector<16x1024xbf16> to vector<1x1024xbf16>
    %mul3A_1230 = vector.broadcast %slice3A_1229 : vector<1x1024xbf16> to vector<128x1024xbf16>
    %mul3A_1231 = vector.broadcast %convert_element_type3A_1071 : vector<128x1xbf16> to vector<128x1024xbf16>
    %mul3A_1232 = arith.mulf %mul3A_1230, %mul3A_1231 : vector<128x1024xbf16>
    %slice3A_1233 = vector.extract_strided_slice %convert_element_type3A_29 {offsets = [10, 0], sizes = [1, 1024], strides = [1, 1]} : vector<16x1024xbf16> to vector<1x1024xbf16>
    %mul3A_1234 = vector.broadcast %slice3A_1233 : vector<1x1024xbf16> to vector<128x1024xbf16>
    %mul3A_1235 = vector.broadcast %convert_element_type3A_1075 : vector<128x1xbf16> to vector<128x1024xbf16>
    %mul3A_1236 = arith.mulf %mul3A_1234, %mul3A_1235 : vector<128x1024xbf16>
    %add3A_1237 = arith.addf %mul3A_1232, %mul3A_1236 : vector<128x1024xbf16>
    %slice3A_1238 = vector.extract_strided_slice %convert_element_type3A_30 {offsets = [10, 0], sizes = [1, 1024], strides = [1, 1]} : vector<16x1024xbf16> to vector<1x1024xbf16>
    %mul3A_1239 = vector.broadcast %slice3A_1238 : vector<1x1024xbf16> to vector<128x1024xbf16>
    %mul3A_1240 = vector.broadcast %convert_element_type3A_1079 : vector<128x1xbf16> to vector<128x1024xbf16>
    %mul3A_1241 = arith.mulf %mul3A_1239, %mul3A_1240 : vector<128x1024xbf16>
    %add3A_1242 = arith.addf %add3A_1237, %mul3A_1241 : vector<128x1024xbf16>
    %max3A_1243 = arith.maximumf %max3A_1228, %add3A_1242 : vector<128x1024xbf16>
    %slice3A_1244 = vector.extract_strided_slice %convert_element_type3A_28 {offsets = [11, 0], sizes = [1, 1024], strides = [1, 1]} : vector<16x1024xbf16> to vector<1x1024xbf16>
    %mul3A_1245 = vector.broadcast %slice3A_1244 : vector<1x1024xbf16> to vector<128x1024xbf16>
    %mul3A_1246 = vector.broadcast %convert_element_type3A_1071 : vector<128x1xbf16> to vector<128x1024xbf16>
    %mul3A_1247 = arith.mulf %mul3A_1245, %mul3A_1246 : vector<128x1024xbf16>
    %slice3A_1248 = vector.extract_strided_slice %convert_element_type3A_29 {offsets = [11, 0], sizes = [1, 1024], strides = [1, 1]} : vector<16x1024xbf16> to vector<1x1024xbf16>
    %mul3A_1249 = vector.broadcast %slice3A_1248 : vector<1x1024xbf16> to vector<128x1024xbf16>
    %mul3A_1250 = vector.broadcast %convert_element_type3A_1075 : vector<128x1xbf16> to vector<128x1024xbf16>
    %mul3A_1251 = arith.mulf %mul3A_1249, %mul3A_1250 : vector<128x1024xbf16>
    %add3A_1252 = arith.addf %mul3A_1247, %mul3A_1251 : vector<128x1024xbf16>
    %slice3A_1253 = vector.extract_strided_slice %convert_element_type3A_30 {offsets = [11, 0], sizes = [1, 1024], strides = [1, 1]} : vector<16x1024xbf16> to vector<1x1024xbf16>
    %mul3A_1254 = vector.broadcast %slice3A_1253 : vector<1x1024xbf16> to vector<128x1024xbf16>
    %mul3A_1255 = vector.broadcast %convert_element_type3A_1079 : vector<128x1xbf16> to vector<128x1024xbf16>
    %mul3A_1256 = arith.mulf %mul3A_1254, %mul3A_1255 : vector<128x1024xbf16>
    %add3A_1257 = arith.addf %add3A_1252, %mul3A_1256 : vector<128x1024xbf16>
    %max3A_1258 = arith.maximumf %max3A_1243, %add3A_1257 : vector<128x1024xbf16>
    %slice3A_1259 = vector.extract_strided_slice %convert_element_type3A_28 {offsets = [12, 0], sizes = [1, 1024], strides = [1, 1]} : vector<16x1024xbf16> to vector<1x1024xbf16>
    %mul3A_1260 = vector.broadcast %slice3A_1259 : vector<1x1024xbf16> to vector<128x1024xbf16>
    %mul3A_1261 = vector.broadcast %convert_element_type3A_1071 : vector<128x1xbf16> to vector<128x1024xbf16>
    %mul3A_1262 = arith.mulf %mul3A_1260, %mul3A_1261 : vector<128x1024xbf16>
    %slice3A_1263 = vector.extract_strided_slice %convert_element_type3A_29 {offsets = [12, 0], sizes = [1, 1024], strides = [1, 1]} : vector<16x1024xbf16> to vector<1x1024xbf16>
    %mul3A_1264 = vector.broadcast %slice3A_1263 : vector<1x1024xbf16> to vector<128x1024xbf16>
    %mul3A_1265 = vector.broadcast %convert_element_type3A_1075 : vector<128x1xbf16> to vector<128x1024xbf16>
    %mul3A_1266 = arith.mulf %mul3A_1264, %mul3A_1265 : vector<128x1024xbf16>
    %add3A_1267 = arith.addf %mul3A_1262, %mul3A_1266 : vector<128x1024xbf16>
    %slice3A_1268 = vector.extract_strided_slice %convert_element_type3A_30 {offsets = [12, 0], sizes = [1, 1024], strides = [1, 1]} : vector<16x1024xbf16> to vector<1x1024xbf16>
    %mul3A_1269 = vector.broadcast %slice3A_1268 : vector<1x1024xbf16> to vector<128x1024xbf16>
    %mul3A_1270 = vector.broadcast %convert_element_type3A_1079 : vector<128x1xbf16> to vector<128x1024xbf16>
    %mul3A_1271 = arith.mulf %mul3A_1269, %mul3A_1270 : vector<128x1024xbf16>
    %add3A_1272 = arith.addf %add3A_1267, %mul3A_1271 : vector<128x1024xbf16>
    %max3A_1273 = arith.maximumf %max3A_1258, %add3A_1272 : vector<128x1024xbf16>
    %slice3A_1274 = vector.extract_strided_slice %convert_element_type3A_28 {offsets = [13, 0], sizes = [1, 1024], strides = [1, 1]} : vector<16x1024xbf16> to vector<1x1024xbf16>
    %mul3A_1275 = vector.broadcast %slice3A_1274 : vector<1x1024xbf16> to vector<128x1024xbf16>
    %mul3A_1276 = vector.broadcast %convert_element_type3A_1071 : vector<128x1xbf16> to vector<128x1024xbf16>
    %mul3A_1277 = arith.mulf %mul3A_1275, %mul3A_1276 : vector<128x1024xbf16>
    %slice3A_1278 = vector.extract_strided_slice %convert_element_type3A_29 {offsets = [13, 0], sizes = [1, 1024], strides = [1, 1]} : vector<16x1024xbf16> to vector<1x1024xbf16>
    %mul3A_1279 = vector.broadcast %slice3A_1278 : vector<1x1024xbf16> to vector<128x1024xbf16>
    %mul3A_1280 = vector.broadcast %convert_element_type3A_1075 : vector<128x1xbf16> to vector<128x1024xbf16>
    %mul3A_1281 = arith.mulf %mul3A_1279, %mul3A_1280 : vector<128x1024xbf16>
    %add3A_1282 = arith.addf %mul3A_1277, %mul3A_1281 : vector<128x1024xbf16>
    %slice3A_1283 = vector.extract_strided_slice %convert_element_type3A_30 {offsets = [13, 0], sizes = [1, 1024], strides = [1, 1]} : vector<16x1024xbf16> to vector<1x1024xbf16>
    %mul3A_1284 = vector.broadcast %slice3A_1283 : vector<1x1024xbf16> to vector<128x1024xbf16>
    %mul3A_1285 = vector.broadcast %convert_element_type3A_1079 : vector<128x1xbf16> to vector<128x1024xbf16>
    %mul3A_1286 = arith.mulf %mul3A_1284, %mul3A_1285 : vector<128x1024xbf16>
    %add3A_1287 = arith.addf %add3A_1282, %mul3A_1286 : vector<128x1024xbf16>
    %max3A_1288 = arith.maximumf %max3A_1273, %add3A_1287 : vector<128x1024xbf16>
    %slice3A_1289 = vector.extract_strided_slice %convert_element_type3A_28 {offsets = [14, 0], sizes = [1, 1024], strides = [1, 1]} : vector<16x1024xbf16> to vector<1x1024xbf16>
    %mul3A_1290 = vector.broadcast %slice3A_1289 : vector<1x1024xbf16> to vector<128x1024xbf16>
    %mul3A_1291 = vector.broadcast %convert_element_type3A_1071 : vector<128x1xbf16> to vector<128x1024xbf16>
    %mul3A_1292 = arith.mulf %mul3A_1290, %mul3A_1291 : vector<128x1024xbf16>
    %slice3A_1293 = vector.extract_strided_slice %convert_element_type3A_29 {offsets = [14, 0], sizes = [1, 1024], strides = [1, 1]} : vector<16x1024xbf16> to vector<1x1024xbf16>
    %mul3A_1294 = vector.broadcast %slice3A_1293 : vector<1x1024xbf16> to vector<128x1024xbf16>
    %mul3A_1295 = vector.broadcast %convert_element_type3A_1075 : vector<128x1xbf16> to vector<128x1024xbf16>
    %mul3A_1296 = arith.mulf %mul3A_1294, %mul3A_1295 : vector<128x1024xbf16>
    %add3A_1297 = arith.addf %mul3A_1292, %mul3A_1296 : vector<128x1024xbf16>
    %slice3A_1298 = vector.extract_strided_slice %convert_element_type3A_30 {offsets = [14, 0], sizes = [1, 1024], strides = [1, 1]} : vector<16x1024xbf16> to vector<1x1024xbf16>
    %mul3A_1299 = vector.broadcast %slice3A_1298 : vector<1x1024xbf16> to vector<128x1024xbf16>
    %mul3A_1300 = vector.broadcast %convert_element_type3A_1079 : vector<128x1xbf16> to vector<128x1024xbf16>
    %mul3A_1301 = arith.mulf %mul3A_1299, %mul3A_1300 : vector<128x1024xbf16>
    %add3A_1302 = arith.addf %add3A_1297, %mul3A_1301 : vector<128x1024xbf16>
    %max3A_1303 = arith.maximumf %max3A_1288, %add3A_1302 : vector<128x1024xbf16>
    %slice3A_1304 = vector.extract_strided_slice %convert_element_type3A_28 {offsets = [15, 0], sizes = [1, 1024], strides = [1, 1]} : vector<16x1024xbf16> to vector<1x1024xbf16>
    %mul3A_1305 = vector.broadcast %slice3A_1304 : vector<1x1024xbf16> to vector<128x1024xbf16>
    %mul3A_1306 = vector.broadcast %convert_element_type3A_1071 : vector<128x1xbf16> to vector<128x1024xbf16>
    %mul3A_1307 = arith.mulf %mul3A_1305, %mul3A_1306 : vector<128x1024xbf16>
    %slice3A_1308 = vector.extract_strided_slice %convert_element_type3A_29 {offsets = [15, 0], sizes = [1, 1024], strides = [1, 1]} : vector<16x1024xbf16> to vector<1x1024xbf16>
    %mul3A_1309 = vector.broadcast %slice3A_1308 : vector<1x1024xbf16> to vector<128x1024xbf16>
    %mul3A_1310 = vector.broadcast %convert_element_type3A_1075 : vector<128x1xbf16> to vector<128x1024xbf16>
    %mul3A_1311 = arith.mulf %mul3A_1309, %mul3A_1310 : vector<128x1024xbf16>
    %add3A_1312 = arith.addf %mul3A_1307, %mul3A_1311 : vector<128x1024xbf16>
    %slice3A_1313 = vector.extract_strided_slice %convert_element_type3A_30 {offsets = [15, 0], sizes = [1, 1024], strides = [1, 1]} : vector<16x1024xbf16> to vector<1x1024xbf16>
    %mul3A_1314 = vector.broadcast %slice3A_1313 : vector<1x1024xbf16> to vector<128x1024xbf16>
    %mul3A_1315 = vector.broadcast %convert_element_type3A_1079 : vector<128x1xbf16> to vector<128x1024xbf16>
    %mul3A_1316 = arith.mulf %mul3A_1314, %mul3A_1315 : vector<128x1024xbf16>
    %add3A_1317 = arith.addf %add3A_1312, %mul3A_1316 : vector<128x1024xbf16>
    %max3A_1318 = arith.maximumf %max3A_1303, %add3A_1317 : vector<128x1024xbf16>
    %convert_element_type3A_1319 = arith.extf %max3A_1318 : vector<128x1024xbf16> to vector<128x1024xf32>
    %max3A_1320 = arith.constant 0.000000e+00 : f32
    %max3A_1321 = vector.broadcast %max3A_1320 : f32 to vector<128x1024xf32>
    %max3A_1322 = arith.maximumf %convert_element_type3A_1319, %max3A_1321 : vector<128x1024xf32>
    %mul3A_1323 = arith.mulf %transpose3A, %max3A_1322 : vector<128x1024xf32>
    %reduce_sum3A_1324 = arith.constant dense<0.000000e+00> : vector<1024xf32>
    %reduce_sum3A_1325 = vector.multi_reduction <add>, %mul3A_1323, %reduce_sum3A_1324 [0] : vector<128x1024xf32> to vector<1024xf32>
    %broadcast_in_dim3A_1326 = vector.shape_cast %reduce_sum3A_1325 : vector<1024xf32> to vector<1x1024xf32>
    %get3A_1327 = arith.constant 640 : index
    %get3A_1328 = arith.constant 0 : index
    %get3A_1329 = vector.load %arg8[%get3A_1327, %get3A_1328] : memref<1024x8xf32, #tpu.memory_space<vmem>>, vector<128x1xf32>
    %convert_element_type3A_1330 = arith.truncf %get3A_1329 : vector<128x1xf32> to vector<128x1xbf16>
    %get3A_1331 = arith.constant 640 : index
    %get3A_1332 = arith.constant 1 : index
    %get3A_1333 = vector.load %arg8[%get3A_1331, %get3A_1332] : memref<1024x8xf32, #tpu.memory_space<vmem>>, vector<128x1xf32>
    %convert_element_type3A_1334 = arith.truncf %get3A_1333 : vector<128x1xf32> to vector<128x1xbf16>
    %get3A_1335 = arith.constant 640 : index
    %get3A_1336 = arith.constant 2 : index
    %get3A_1337 = vector.load %arg8[%get3A_1335, %get3A_1336] : memref<1024x8xf32, #tpu.memory_space<vmem>>, vector<128x1xf32>
    %convert_element_type3A_1338 = arith.truncf %get3A_1337 : vector<128x1xf32> to vector<128x1xbf16>
    %slice3A_1339 = vector.extract_strided_slice %convert_element_type3A_28 {offsets = [0, 0], sizes = [1, 1024], strides = [1, 1]} : vector<16x1024xbf16> to vector<1x1024xbf16>
    %mul3A_1340 = vector.broadcast %slice3A_1339 : vector<1x1024xbf16> to vector<128x1024xbf16>
    %mul3A_1341 = vector.broadcast %convert_element_type3A_1330 : vector<128x1xbf16> to vector<128x1024xbf16>
    %mul3A_1342 = arith.mulf %mul3A_1340, %mul3A_1341 : vector<128x1024xbf16>
    %slice3A_1343 = vector.extract_strided_slice %convert_element_type3A_29 {offsets = [0, 0], sizes = [1, 1024], strides = [1, 1]} : vector<16x1024xbf16> to vector<1x1024xbf16>
    %mul3A_1344 = vector.broadcast %slice3A_1343 : vector<1x1024xbf16> to vector<128x1024xbf16>
    %mul3A_1345 = vector.broadcast %convert_element_type3A_1334 : vector<128x1xbf16> to vector<128x1024xbf16>
    %mul3A_1346 = arith.mulf %mul3A_1344, %mul3A_1345 : vector<128x1024xbf16>
    %add3A_1347 = arith.addf %mul3A_1342, %mul3A_1346 : vector<128x1024xbf16>
    %slice3A_1348 = vector.extract_strided_slice %convert_element_type3A_30 {offsets = [0, 0], sizes = [1, 1024], strides = [1, 1]} : vector<16x1024xbf16> to vector<1x1024xbf16>
    %mul3A_1349 = vector.broadcast %slice3A_1348 : vector<1x1024xbf16> to vector<128x1024xbf16>
    %mul3A_1350 = vector.broadcast %convert_element_type3A_1338 : vector<128x1xbf16> to vector<128x1024xbf16>
    %mul3A_1351 = arith.mulf %mul3A_1349, %mul3A_1350 : vector<128x1024xbf16>
    %add3A_1352 = arith.addf %add3A_1347, %mul3A_1351 : vector<128x1024xbf16>
    %slice3A_1353 = vector.extract_strided_slice %convert_element_type3A_28 {offsets = [1, 0], sizes = [1, 1024], strides = [1, 1]} : vector<16x1024xbf16> to vector<1x1024xbf16>
    %mul3A_1354 = vector.broadcast %slice3A_1353 : vector<1x1024xbf16> to vector<128x1024xbf16>
    %mul3A_1355 = vector.broadcast %convert_element_type3A_1330 : vector<128x1xbf16> to vector<128x1024xbf16>
    %mul3A_1356 = arith.mulf %mul3A_1354, %mul3A_1355 : vector<128x1024xbf16>
    %slice3A_1357 = vector.extract_strided_slice %convert_element_type3A_29 {offsets = [1, 0], sizes = [1, 1024], strides = [1, 1]} : vector<16x1024xbf16> to vector<1x1024xbf16>
    %mul3A_1358 = vector.broadcast %slice3A_1357 : vector<1x1024xbf16> to vector<128x1024xbf16>
    %mul3A_1359 = vector.broadcast %convert_element_type3A_1334 : vector<128x1xbf16> to vector<128x1024xbf16>
    %mul3A_1360 = arith.mulf %mul3A_1358, %mul3A_1359 : vector<128x1024xbf16>
    %add3A_1361 = arith.addf %mul3A_1356, %mul3A_1360 : vector<128x1024xbf16>
    %slice3A_1362 = vector.extract_strided_slice %convert_element_type3A_30 {offsets = [1, 0], sizes = [1, 1024], strides = [1, 1]} : vector<16x1024xbf16> to vector<1x1024xbf16>
    %mul3A_1363 = vector.broadcast %slice3A_1362 : vector<1x1024xbf16> to vector<128x1024xbf16>
    %mul3A_1364 = vector.broadcast %convert_element_type3A_1338 : vector<128x1xbf16> to vector<128x1024xbf16>
    %mul3A_1365 = arith.mulf %mul3A_1363, %mul3A_1364 : vector<128x1024xbf16>
    %add3A_1366 = arith.addf %add3A_1361, %mul3A_1365 : vector<128x1024xbf16>
    %max3A_1367 = arith.maximumf %add3A_1352, %add3A_1366 : vector<128x1024xbf16>
    %slice3A_1368 = vector.extract_strided_slice %convert_element_type3A_28 {offsets = [2, 0], sizes = [1, 1024], strides = [1, 1]} : vector<16x1024xbf16> to vector<1x1024xbf16>
    %mul3A_1369 = vector.broadcast %slice3A_1368 : vector<1x1024xbf16> to vector<128x1024xbf16>
    %mul3A_1370 = vector.broadcast %convert_element_type3A_1330 : vector<128x1xbf16> to vector<128x1024xbf16>
    %mul3A_1371 = arith.mulf %mul3A_1369, %mul3A_1370 : vector<128x1024xbf16>
    %slice3A_1372 = vector.extract_strided_slice %convert_element_type3A_29 {offsets = [2, 0], sizes = [1, 1024], strides = [1, 1]} : vector<16x1024xbf16> to vector<1x1024xbf16>
    %mul3A_1373 = vector.broadcast %slice3A_1372 : vector<1x1024xbf16> to vector<128x1024xbf16>
    %mul3A_1374 = vector.broadcast %convert_element_type3A_1334 : vector<128x1xbf16> to vector<128x1024xbf16>
    %mul3A_1375 = arith.mulf %mul3A_1373, %mul3A_1374 : vector<128x1024xbf16>
    %add3A_1376 = arith.addf %mul3A_1371, %mul3A_1375 : vector<128x1024xbf16>
    %slice3A_1377 = vector.extract_strided_slice %convert_element_type3A_30 {offsets = [2, 0], sizes = [1, 1024], strides = [1, 1]} : vector<16x1024xbf16> to vector<1x1024xbf16>
    %mul3A_1378 = vector.broadcast %slice3A_1377 : vector<1x1024xbf16> to vector<128x1024xbf16>
    %mul3A_1379 = vector.broadcast %convert_element_type3A_1338 : vector<128x1xbf16> to vector<128x1024xbf16>
    %mul3A_1380 = arith.mulf %mul3A_1378, %mul3A_1379 : vector<128x1024xbf16>
    %add3A_1381 = arith.addf %add3A_1376, %mul3A_1380 : vector<128x1024xbf16>
    %max3A_1382 = arith.maximumf %max3A_1367, %add3A_1381 : vector<128x1024xbf16>
    %slice3A_1383 = vector.extract_strided_slice %convert_element_type3A_28 {offsets = [3, 0], sizes = [1, 1024], strides = [1, 1]} : vector<16x1024xbf16> to vector<1x1024xbf16>
    %mul3A_1384 = vector.broadcast %slice3A_1383 : vector<1x1024xbf16> to vector<128x1024xbf16>
    %mul3A_1385 = vector.broadcast %convert_element_type3A_1330 : vector<128x1xbf16> to vector<128x1024xbf16>
    %mul3A_1386 = arith.mulf %mul3A_1384, %mul3A_1385 : vector<128x1024xbf16>
    %slice3A_1387 = vector.extract_strided_slice %convert_element_type3A_29 {offsets = [3, 0], sizes = [1, 1024], strides = [1, 1]} : vector<16x1024xbf16> to vector<1x1024xbf16>
    %mul3A_1388 = vector.broadcast %slice3A_1387 : vector<1x1024xbf16> to vector<128x1024xbf16>
    %mul3A_1389 = vector.broadcast %convert_element_type3A_1334 : vector<128x1xbf16> to vector<128x1024xbf16>
    %mul3A_1390 = arith.mulf %mul3A_1388, %mul3A_1389 : vector<128x1024xbf16>
    %add3A_1391 = arith.addf %mul3A_1386, %mul3A_1390 : vector<128x1024xbf16>
    %slice3A_1392 = vector.extract_strided_slice %convert_element_type3A_30 {offsets = [3, 0], sizes = [1, 1024], strides = [1, 1]} : vector<16x1024xbf16> to vector<1x1024xbf16>
    %mul3A_1393 = vector.broadcast %slice3A_1392 : vector<1x1024xbf16> to vector<128x1024xbf16>
    %mul3A_1394 = vector.broadcast %convert_element_type3A_1338 : vector<128x1xbf16> to vector<128x1024xbf16>
    %mul3A_1395 = arith.mulf %mul3A_1393, %mul3A_1394 : vector<128x1024xbf16>
    %add3A_1396 = arith.addf %add3A_1391, %mul3A_1395 : vector<128x1024xbf16>
    %max3A_1397 = arith.maximumf %max3A_1382, %add3A_1396 : vector<128x1024xbf16>
    %slice3A_1398 = vector.extract_strided_slice %convert_element_type3A_28 {offsets = [4, 0], sizes = [1, 1024], strides = [1, 1]} : vector<16x1024xbf16> to vector<1x1024xbf16>
    %mul3A_1399 = vector.broadcast %slice3A_1398 : vector<1x1024xbf16> to vector<128x1024xbf16>
    %mul3A_1400 = vector.broadcast %convert_element_type3A_1330 : vector<128x1xbf16> to vector<128x1024xbf16>
    %mul3A_1401 = arith.mulf %mul3A_1399, %mul3A_1400 : vector<128x1024xbf16>
    %slice3A_1402 = vector.extract_strided_slice %convert_element_type3A_29 {offsets = [4, 0], sizes = [1, 1024], strides = [1, 1]} : vector<16x1024xbf16> to vector<1x1024xbf16>
    %mul3A_1403 = vector.broadcast %slice3A_1402 : vector<1x1024xbf16> to vector<128x1024xbf16>
    %mul3A_1404 = vector.broadcast %convert_element_type3A_1334 : vector<128x1xbf16> to vector<128x1024xbf16>
    %mul3A_1405 = arith.mulf %mul3A_1403, %mul3A_1404 : vector<128x1024xbf16>
    %add3A_1406 = arith.addf %mul3A_1401, %mul3A_1405 : vector<128x1024xbf16>
    %slice3A_1407 = vector.extract_strided_slice %convert_element_type3A_30 {offsets = [4, 0], sizes = [1, 1024], strides = [1, 1]} : vector<16x1024xbf16> to vector<1x1024xbf16>
    %mul3A_1408 = vector.broadcast %slice3A_1407 : vector<1x1024xbf16> to vector<128x1024xbf16>
    %mul3A_1409 = vector.broadcast %convert_element_type3A_1338 : vector<128x1xbf16> to vector<128x1024xbf16>
    %mul3A_1410 = arith.mulf %mul3A_1408, %mul3A_1409 : vector<128x1024xbf16>
    %add3A_1411 = arith.addf %add3A_1406, %mul3A_1410 : vector<128x1024xbf16>
    %max3A_1412 = arith.maximumf %max3A_1397, %add3A_1411 : vector<128x1024xbf16>
    %slice3A_1413 = vector.extract_strided_slice %convert_element_type3A_28 {offsets = [5, 0], sizes = [1, 1024], strides = [1, 1]} : vector<16x1024xbf16> to vector<1x1024xbf16>
    %mul3A_1414 = vector.broadcast %slice3A_1413 : vector<1x1024xbf16> to vector<128x1024xbf16>
    %mul3A_1415 = vector.broadcast %convert_element_type3A_1330 : vector<128x1xbf16> to vector<128x1024xbf16>
    %mul3A_1416 = arith.mulf %mul3A_1414, %mul3A_1415 : vector<128x1024xbf16>
    %slice3A_1417 = vector.extract_strided_slice %convert_element_type3A_29 {offsets = [5, 0], sizes = [1, 1024], strides = [1, 1]} : vector<16x1024xbf16> to vector<1x1024xbf16>
    %mul3A_1418 = vector.broadcast %slice3A_1417 : vector<1x1024xbf16> to vector<128x1024xbf16>
    %mul3A_1419 = vector.broadcast %convert_element_type3A_1334 : vector<128x1xbf16> to vector<128x1024xbf16>
    %mul3A_1420 = arith.mulf %mul3A_1418, %mul3A_1419 : vector<128x1024xbf16>
    %add3A_1421 = arith.addf %mul3A_1416, %mul3A_1420 : vector<128x1024xbf16>
    %slice3A_1422 = vector.extract_strided_slice %convert_element_type3A_30 {offsets = [5, 0], sizes = [1, 1024], strides = [1, 1]} : vector<16x1024xbf16> to vector<1x1024xbf16>
    %mul3A_1423 = vector.broadcast %slice3A_1422 : vector<1x1024xbf16> to vector<128x1024xbf16>
    %mul3A_1424 = vector.broadcast %convert_element_type3A_1338 : vector<128x1xbf16> to vector<128x1024xbf16>
    %mul3A_1425 = arith.mulf %mul3A_1423, %mul3A_1424 : vector<128x1024xbf16>
    %add3A_1426 = arith.addf %add3A_1421, %mul3A_1425 : vector<128x1024xbf16>
    %max3A_1427 = arith.maximumf %max3A_1412, %add3A_1426 : vector<128x1024xbf16>
    %slice3A_1428 = vector.extract_strided_slice %convert_element_type3A_28 {offsets = [6, 0], sizes = [1, 1024], strides = [1, 1]} : vector<16x1024xbf16> to vector<1x1024xbf16>
    %mul3A_1429 = vector.broadcast %slice3A_1428 : vector<1x1024xbf16> to vector<128x1024xbf16>
    %mul3A_1430 = vector.broadcast %convert_element_type3A_1330 : vector<128x1xbf16> to vector<128x1024xbf16>
    %mul3A_1431 = arith.mulf %mul3A_1429, %mul3A_1430 : vector<128x1024xbf16>
    %slice3A_1432 = vector.extract_strided_slice %convert_element_type3A_29 {offsets = [6, 0], sizes = [1, 1024], strides = [1, 1]} : vector<16x1024xbf16> to vector<1x1024xbf16>
    %mul3A_1433 = vector.broadcast %slice3A_1432 : vector<1x1024xbf16> to vector<128x1024xbf16>
    %mul3A_1434 = vector.broadcast %convert_element_type3A_1334 : vector<128x1xbf16> to vector<128x1024xbf16>
    %mul3A_1435 = arith.mulf %mul3A_1433, %mul3A_1434 : vector<128x1024xbf16>
    %add3A_1436 = arith.addf %mul3A_1431, %mul3A_1435 : vector<128x1024xbf16>
    %slice3A_1437 = vector.extract_strided_slice %convert_element_type3A_30 {offsets = [6, 0], sizes = [1, 1024], strides = [1, 1]} : vector<16x1024xbf16> to vector<1x1024xbf16>
    %mul3A_1438 = vector.broadcast %slice3A_1437 : vector<1x1024xbf16> to vector<128x1024xbf16>
    %mul3A_1439 = vector.broadcast %convert_element_type3A_1338 : vector<128x1xbf16> to vector<128x1024xbf16>
    %mul3A_1440 = arith.mulf %mul3A_1438, %mul3A_1439 : vector<128x1024xbf16>
    %add3A_1441 = arith.addf %add3A_1436, %mul3A_1440 : vector<128x1024xbf16>
    %max3A_1442 = arith.maximumf %max3A_1427, %add3A_1441 : vector<128x1024xbf16>
    %slice3A_1443 = vector.extract_strided_slice %convert_element_type3A_28 {offsets = [7, 0], sizes = [1, 1024], strides = [1, 1]} : vector<16x1024xbf16> to vector<1x1024xbf16>
    %mul3A_1444 = vector.broadcast %slice3A_1443 : vector<1x1024xbf16> to vector<128x1024xbf16>
    %mul3A_1445 = vector.broadcast %convert_element_type3A_1330 : vector<128x1xbf16> to vector<128x1024xbf16>
    %mul3A_1446 = arith.mulf %mul3A_1444, %mul3A_1445 : vector<128x1024xbf16>
    %slice3A_1447 = vector.extract_strided_slice %convert_element_type3A_29 {offsets = [7, 0], sizes = [1, 1024], strides = [1, 1]} : vector<16x1024xbf16> to vector<1x1024xbf16>
    %mul3A_1448 = vector.broadcast %slice3A_1447 : vector<1x1024xbf16> to vector<128x1024xbf16>
    %mul3A_1449 = vector.broadcast %convert_element_type3A_1334 : vector<128x1xbf16> to vector<128x1024xbf16>
    %mul3A_1450 = arith.mulf %mul3A_1448, %mul3A_1449 : vector<128x1024xbf16>
    %add3A_1451 = arith.addf %mul3A_1446, %mul3A_1450 : vector<128x1024xbf16>
    %slice3A_1452 = vector.extract_strided_slice %convert_element_type3A_30 {offsets = [7, 0], sizes = [1, 1024], strides = [1, 1]} : vector<16x1024xbf16> to vector<1x1024xbf16>
    %mul3A_1453 = vector.broadcast %slice3A_1452 : vector<1x1024xbf16> to vector<128x1024xbf16>
    %mul3A_1454 = vector.broadcast %convert_element_type3A_1338 : vector<128x1xbf16> to vector<128x1024xbf16>
    %mul3A_1455 = arith.mulf %mul3A_1453, %mul3A_1454 : vector<128x1024xbf16>
    %add3A_1456 = arith.addf %add3A_1451, %mul3A_1455 : vector<128x1024xbf16>
    %max3A_1457 = arith.maximumf %max3A_1442, %add3A_1456 : vector<128x1024xbf16>
    %slice3A_1458 = vector.extract_strided_slice %convert_element_type3A_28 {offsets = [8, 0], sizes = [1, 1024], strides = [1, 1]} : vector<16x1024xbf16> to vector<1x1024xbf16>
    %mul3A_1459 = vector.broadcast %slice3A_1458 : vector<1x1024xbf16> to vector<128x1024xbf16>
    %mul3A_1460 = vector.broadcast %convert_element_type3A_1330 : vector<128x1xbf16> to vector<128x1024xbf16>
    %mul3A_1461 = arith.mulf %mul3A_1459, %mul3A_1460 : vector<128x1024xbf16>
    %slice3A_1462 = vector.extract_strided_slice %convert_element_type3A_29 {offsets = [8, 0], sizes = [1, 1024], strides = [1, 1]} : vector<16x1024xbf16> to vector<1x1024xbf16>
    %mul3A_1463 = vector.broadcast %slice3A_1462 : vector<1x1024xbf16> to vector<128x1024xbf16>
    %mul3A_1464 = vector.broadcast %convert_element_type3A_1334 : vector<128x1xbf16> to vector<128x1024xbf16>
    %mul3A_1465 = arith.mulf %mul3A_1463, %mul3A_1464 : vector<128x1024xbf16>
    %add3A_1466 = arith.addf %mul3A_1461, %mul3A_1465 : vector<128x1024xbf16>
    %slice3A_1467 = vector.extract_strided_slice %convert_element_type3A_30 {offsets = [8, 0], sizes = [1, 1024], strides = [1, 1]} : vector<16x1024xbf16> to vector<1x1024xbf16>
    %mul3A_1468 = vector.broadcast %slice3A_1467 : vector<1x1024xbf16> to vector<128x1024xbf16>
    %mul3A_1469 = vector.broadcast %convert_element_type3A_1338 : vector<128x1xbf16> to vector<128x1024xbf16>
    %mul3A_1470 = arith.mulf %mul3A_1468, %mul3A_1469 : vector<128x1024xbf16>
    %add3A_1471 = arith.addf %add3A_1466, %mul3A_1470 : vector<128x1024xbf16>
    %max3A_1472 = arith.maximumf %max3A_1457, %add3A_1471 : vector<128x1024xbf16>
    %slice3A_1473 = vector.extract_strided_slice %convert_element_type3A_28 {offsets = [9, 0], sizes = [1, 1024], strides = [1, 1]} : vector<16x1024xbf16> to vector<1x1024xbf16>
    %mul3A_1474 = vector.broadcast %slice3A_1473 : vector<1x1024xbf16> to vector<128x1024xbf16>
    %mul3A_1475 = vector.broadcast %convert_element_type3A_1330 : vector<128x1xbf16> to vector<128x1024xbf16>
    %mul3A_1476 = arith.mulf %mul3A_1474, %mul3A_1475 : vector<128x1024xbf16>
    %slice3A_1477 = vector.extract_strided_slice %convert_element_type3A_29 {offsets = [9, 0], sizes = [1, 1024], strides = [1, 1]} : vector<16x1024xbf16> to vector<1x1024xbf16>
    %mul3A_1478 = vector.broadcast %slice3A_1477 : vector<1x1024xbf16> to vector<128x1024xbf16>
    %mul3A_1479 = vector.broadcast %convert_element_type3A_1334 : vector<128x1xbf16> to vector<128x1024xbf16>
    %mul3A_1480 = arith.mulf %mul3A_1478, %mul3A_1479 : vector<128x1024xbf16>
    %add3A_1481 = arith.addf %mul3A_1476, %mul3A_1480 : vector<128x1024xbf16>
    %slice3A_1482 = vector.extract_strided_slice %convert_element_type3A_30 {offsets = [9, 0], sizes = [1, 1024], strides = [1, 1]} : vector<16x1024xbf16> to vector<1x1024xbf16>
    %mul3A_1483 = vector.broadcast %slice3A_1482 : vector<1x1024xbf16> to vector<128x1024xbf16>
    %mul3A_1484 = vector.broadcast %convert_element_type3A_1338 : vector<128x1xbf16> to vector<128x1024xbf16>
    %mul3A_1485 = arith.mulf %mul3A_1483, %mul3A_1484 : vector<128x1024xbf16>
    %add3A_1486 = arith.addf %add3A_1481, %mul3A_1485 : vector<128x1024xbf16>
    %max3A_1487 = arith.maximumf %max3A_1472, %add3A_1486 : vector<128x1024xbf16>
    %slice3A_1488 = vector.extract_strided_slice %convert_element_type3A_28 {offsets = [10, 0], sizes = [1, 1024], strides = [1, 1]} : vector<16x1024xbf16> to vector<1x1024xbf16>
    %mul3A_1489 = vector.broadcast %slice3A_1488 : vector<1x1024xbf16> to vector<128x1024xbf16>
    %mul3A_1490 = vector.broadcast %convert_element_type3A_1330 : vector<128x1xbf16> to vector<128x1024xbf16>
    %mul3A_1491 = arith.mulf %mul3A_1489, %mul3A_1490 : vector<128x1024xbf16>
    %slice3A_1492 = vector.extract_strided_slice %convert_element_type3A_29 {offsets = [10, 0], sizes = [1, 1024], strides = [1, 1]} : vector<16x1024xbf16> to vector<1x1024xbf16>
    %mul3A_1493 = vector.broadcast %slice3A_1492 : vector<1x1024xbf16> to vector<128x1024xbf16>
    %mul3A_1494 = vector.broadcast %convert_element_type3A_1334 : vector<128x1xbf16> to vector<128x1024xbf16>
    %mul3A_1495 = arith.mulf %mul3A_1493, %mul3A_1494 : vector<128x1024xbf16>
    %add3A_1496 = arith.addf %mul3A_1491, %mul3A_1495 : vector<128x1024xbf16>
    %slice3A_1497 = vector.extract_strided_slice %convert_element_type3A_30 {offsets = [10, 0], sizes = [1, 1024], strides = [1, 1]} : vector<16x1024xbf16> to vector<1x1024xbf16>
    %mul3A_1498 = vector.broadcast %slice3A_1497 : vector<1x1024xbf16> to vector<128x1024xbf16>
    %mul3A_1499 = vector.broadcast %convert_element_type3A_1338 : vector<128x1xbf16> to vector<128x1024xbf16>
    %mul3A_1500 = arith.mulf %mul3A_1498, %mul3A_1499 : vector<128x1024xbf16>
    %add3A_1501 = arith.addf %add3A_1496, %mul3A_1500 : vector<128x1024xbf16>
    %max3A_1502 = arith.maximumf %max3A_1487, %add3A_1501 : vector<128x1024xbf16>
    %slice3A_1503 = vector.extract_strided_slice %convert_element_type3A_28 {offsets = [11, 0], sizes = [1, 1024], strides = [1, 1]} : vector<16x1024xbf16> to vector<1x1024xbf16>
    %mul3A_1504 = vector.broadcast %slice3A_1503 : vector<1x1024xbf16> to vector<128x1024xbf16>
    %mul3A_1505 = vector.broadcast %convert_element_type3A_1330 : vector<128x1xbf16> to vector<128x1024xbf16>
    %mul3A_1506 = arith.mulf %mul3A_1504, %mul3A_1505 : vector<128x1024xbf16>
    %slice3A_1507 = vector.extract_strided_slice %convert_element_type3A_29 {offsets = [11, 0], sizes = [1, 1024], strides = [1, 1]} : vector<16x1024xbf16> to vector<1x1024xbf16>
    %mul3A_1508 = vector.broadcast %slice3A_1507 : vector<1x1024xbf16> to vector<128x1024xbf16>
    %mul3A_1509 = vector.broadcast %convert_element_type3A_1334 : vector<128x1xbf16> to vector<128x1024xbf16>
    %mul3A_1510 = arith.mulf %mul3A_1508, %mul3A_1509 : vector<128x1024xbf16>
    %add3A_1511 = arith.addf %mul3A_1506, %mul3A_1510 : vector<128x1024xbf16>
    %slice3A_1512 = vector.extract_strided_slice %convert_element_type3A_30 {offsets = [11, 0], sizes = [1, 1024], strides = [1, 1]} : vector<16x1024xbf16> to vector<1x1024xbf16>
    %mul3A_1513 = vector.broadcast %slice3A_1512 : vector<1x1024xbf16> to vector<128x1024xbf16>
    %mul3A_1514 = vector.broadcast %convert_element_type3A_1338 : vector<128x1xbf16> to vector<128x1024xbf16>
    %mul3A_1515 = arith.mulf %mul3A_1513, %mul3A_1514 : vector<128x1024xbf16>
    %add3A_1516 = arith.addf %add3A_1511, %mul3A_1515 : vector<128x1024xbf16>
    %max3A_1517 = arith.maximumf %max3A_1502, %add3A_1516 : vector<128x1024xbf16>
    %slice3A_1518 = vector.extract_strided_slice %convert_element_type3A_28 {offsets = [12, 0], sizes = [1, 1024], strides = [1, 1]} : vector<16x1024xbf16> to vector<1x1024xbf16>
    %mul3A_1519 = vector.broadcast %slice3A_1518 : vector<1x1024xbf16> to vector<128x1024xbf16>
    %mul3A_1520 = vector.broadcast %convert_element_type3A_1330 : vector<128x1xbf16> to vector<128x1024xbf16>
    %mul3A_1521 = arith.mulf %mul3A_1519, %mul3A_1520 : vector<128x1024xbf16>
    %slice3A_1522 = vector.extract_strided_slice %convert_element_type3A_29 {offsets = [12, 0], sizes = [1, 1024], strides = [1, 1]} : vector<16x1024xbf16> to vector<1x1024xbf16>
    %mul3A_1523 = vector.broadcast %slice3A_1522 : vector<1x1024xbf16> to vector<128x1024xbf16>
    %mul3A_1524 = vector.broadcast %convert_element_type3A_1334 : vector<128x1xbf16> to vector<128x1024xbf16>
    %mul3A_1525 = arith.mulf %mul3A_1523, %mul3A_1524 : vector<128x1024xbf16>
    %add3A_1526 = arith.addf %mul3A_1521, %mul3A_1525 : vector<128x1024xbf16>
    %slice3A_1527 = vector.extract_strided_slice %convert_element_type3A_30 {offsets = [12, 0], sizes = [1, 1024], strides = [1, 1]} : vector<16x1024xbf16> to vector<1x1024xbf16>
    %mul3A_1528 = vector.broadcast %slice3A_1527 : vector<1x1024xbf16> to vector<128x1024xbf16>
    %mul3A_1529 = vector.broadcast %convert_element_type3A_1338 : vector<128x1xbf16> to vector<128x1024xbf16>
    %mul3A_1530 = arith.mulf %mul3A_1528, %mul3A_1529 : vector<128x1024xbf16>
    %add3A_1531 = arith.addf %add3A_1526, %mul3A_1530 : vector<128x1024xbf16>
    %max3A_1532 = arith.maximumf %max3A_1517, %add3A_1531 : vector<128x1024xbf16>
    %slice3A_1533 = vector.extract_strided_slice %convert_element_type3A_28 {offsets = [13, 0], sizes = [1, 1024], strides = [1, 1]} : vector<16x1024xbf16> to vector<1x1024xbf16>
    %mul3A_1534 = vector.broadcast %slice3A_1533 : vector<1x1024xbf16> to vector<128x1024xbf16>
    %mul3A_1535 = vector.broadcast %convert_element_type3A_1330 : vector<128x1xbf16> to vector<128x1024xbf16>
    %mul3A_1536 = arith.mulf %mul3A_1534, %mul3A_1535 : vector<128x1024xbf16>
    %slice3A_1537 = vector.extract_strided_slice %convert_element_type3A_29 {offsets = [13, 0], sizes = [1, 1024], strides = [1, 1]} : vector<16x1024xbf16> to vector<1x1024xbf16>
    %mul3A_1538 = vector.broadcast %slice3A_1537 : vector<1x1024xbf16> to vector<128x1024xbf16>
    %mul3A_1539 = vector.broadcast %convert_element_type3A_1334 : vector<128x1xbf16> to vector<128x1024xbf16>
    %mul3A_1540 = arith.mulf %mul3A_1538, %mul3A_1539 : vector<128x1024xbf16>
    %add3A_1541 = arith.addf %mul3A_1536, %mul3A_1540 : vector<128x1024xbf16>
    %slice3A_1542 = vector.extract_strided_slice %convert_element_type3A_30 {offsets = [13, 0], sizes = [1, 1024], strides = [1, 1]} : vector<16x1024xbf16> to vector<1x1024xbf16>
    %mul3A_1543 = vector.broadcast %slice3A_1542 : vector<1x1024xbf16> to vector<128x1024xbf16>
    %mul3A_1544 = vector.broadcast %convert_element_type3A_1338 : vector<128x1xbf16> to vector<128x1024xbf16>
    %mul3A_1545 = arith.mulf %mul3A_1543, %mul3A_1544 : vector<128x1024xbf16>
    %add3A_1546 = arith.addf %add3A_1541, %mul3A_1545 : vector<128x1024xbf16>
    %max3A_1547 = arith.maximumf %max3A_1532, %add3A_1546 : vector<128x1024xbf16>
    %slice3A_1548 = vector.extract_strided_slice %convert_element_type3A_28 {offsets = [14, 0], sizes = [1, 1024], strides = [1, 1]} : vector<16x1024xbf16> to vector<1x1024xbf16>
    %mul3A_1549 = vector.broadcast %slice3A_1548 : vector<1x1024xbf16> to vector<128x1024xbf16>
    %mul3A_1550 = vector.broadcast %convert_element_type3A_1330 : vector<128x1xbf16> to vector<128x1024xbf16>
    %mul3A_1551 = arith.mulf %mul3A_1549, %mul3A_1550 : vector<128x1024xbf16>
    %slice3A_1552 = vector.extract_strided_slice %convert_element_type3A_29 {offsets = [14, 0], sizes = [1, 1024], strides = [1, 1]} : vector<16x1024xbf16> to vector<1x1024xbf16>
    %mul3A_1553 = vector.broadcast %slice3A_1552 : vector<1x1024xbf16> to vector<128x1024xbf16>
    %mul3A_1554 = vector.broadcast %convert_element_type3A_1334 : vector<128x1xbf16> to vector<128x1024xbf16>
    %mul3A_1555 = arith.mulf %mul3A_1553, %mul3A_1554 : vector<128x1024xbf16>
    %add3A_1556 = arith.addf %mul3A_1551, %mul3A_1555 : vector<128x1024xbf16>
    %slice3A_1557 = vector.extract_strided_slice %convert_element_type3A_30 {offsets = [14, 0], sizes = [1, 1024], strides = [1, 1]} : vector<16x1024xbf16> to vector<1x1024xbf16>
    %mul3A_1558 = vector.broadcast %slice3A_1557 : vector<1x1024xbf16> to vector<128x1024xbf16>
    %mul3A_1559 = vector.broadcast %convert_element_type3A_1338 : vector<128x1xbf16> to vector<128x1024xbf16>
    %mul3A_1560 = arith.mulf %mul3A_1558, %mul3A_1559 : vector<128x1024xbf16>
    %add3A_1561 = arith.addf %add3A_1556, %mul3A_1560 : vector<128x1024xbf16>
    %max3A_1562 = arith.maximumf %max3A_1547, %add3A_1561 : vector<128x1024xbf16>
    %slice3A_1563 = vector.extract_strided_slice %convert_element_type3A_28 {offsets = [15, 0], sizes = [1, 1024], strides = [1, 1]} : vector<16x1024xbf16> to vector<1x1024xbf16>
    %mul3A_1564 = vector.broadcast %slice3A_1563 : vector<1x1024xbf16> to vector<128x1024xbf16>
    %mul3A_1565 = vector.broadcast %convert_element_type3A_1330 : vector<128x1xbf16> to vector<128x1024xbf16>
    %mul3A_1566 = arith.mulf %mul3A_1564, %mul3A_1565 : vector<128x1024xbf16>
    %slice3A_1567 = vector.extract_strided_slice %convert_element_type3A_29 {offsets = [15, 0], sizes = [1, 1024], strides = [1, 1]} : vector<16x1024xbf16> to vector<1x1024xbf16>
    %mul3A_1568 = vector.broadcast %slice3A_1567 : vector<1x1024xbf16> to vector<128x1024xbf16>
    %mul3A_1569 = vector.broadcast %convert_element_type3A_1334 : vector<128x1xbf16> to vector<128x1024xbf16>
    %mul3A_1570 = arith.mulf %mul3A_1568, %mul3A_1569 : vector<128x1024xbf16>
    %add3A_1571 = arith.addf %mul3A_1566, %mul3A_1570 : vector<128x1024xbf16>
    %slice3A_1572 = vector.extract_strided_slice %convert_element_type3A_30 {offsets = [15, 0], sizes = [1, 1024], strides = [1, 1]} : vector<16x1024xbf16> to vector<1x1024xbf16>
    %mul3A_1573 = vector.broadcast %slice3A_1572 : vector<1x1024xbf16> to vector<128x1024xbf16>
    %mul3A_1574 = vector.broadcast %convert_element_type3A_1338 : vector<128x1xbf16> to vector<128x1024xbf16>
    %mul3A_1575 = arith.mulf %mul3A_1573, %mul3A_1574 : vector<128x1024xbf16>
    %add3A_1576 = arith.addf %add3A_1571, %mul3A_1575 : vector<128x1024xbf16>
    %max3A_1577 = arith.maximumf %max3A_1562, %add3A_1576 : vector<128x1024xbf16>
    %convert_element_type3A_1578 = arith.extf %max3A_1577 : vector<128x1024xbf16> to vector<128x1024xf32>
    %max3A_1579 = arith.constant 0.000000e+00 : f32
    %max3A_1580 = vector.broadcast %max3A_1579 : f32 to vector<128x1024xf32>
    %max3A_1581 = arith.maximumf %convert_element_type3A_1578, %max3A_1580 : vector<128x1024xf32>
    %mul3A_1582 = arith.mulf %transpose3A, %max3A_1581 : vector<128x1024xf32>
    %reduce_sum3A_1583 = arith.constant dense<0.000000e+00> : vector<1024xf32>
    %reduce_sum3A_1584 = vector.multi_reduction <add>, %mul3A_1582, %reduce_sum3A_1583 [0] : vector<128x1024xf32> to vector<1024xf32>
    %broadcast_in_dim3A_1585 = vector.shape_cast %reduce_sum3A_1584 : vector<1024xf32> to vector<1x1024xf32>
    %get3A_1586 = arith.constant 768 : index
    %get3A_1587 = arith.constant 0 : index
    %get3A_1588 = vector.load %arg8[%get3A_1586, %get3A_1587] : memref<1024x8xf32, #tpu.memory_space<vmem>>, vector<128x1xf32>
    %convert_element_type3A_1589 = arith.truncf %get3A_1588 : vector<128x1xf32> to vector<128x1xbf16>
    %get3A_1590 = arith.constant 768 : index
    %get3A_1591 = arith.constant 1 : index
    %get3A_1592 = vector.load %arg8[%get3A_1590, %get3A_1591] : memref<1024x8xf32, #tpu.memory_space<vmem>>, vector<128x1xf32>
    %convert_element_type3A_1593 = arith.truncf %get3A_1592 : vector<128x1xf32> to vector<128x1xbf16>
    %get3A_1594 = arith.constant 768 : index
    %get3A_1595 = arith.constant 2 : index
    %get3A_1596 = vector.load %arg8[%get3A_1594, %get3A_1595] : memref<1024x8xf32, #tpu.memory_space<vmem>>, vector<128x1xf32>
    %convert_element_type3A_1597 = arith.truncf %get3A_1596 : vector<128x1xf32> to vector<128x1xbf16>
    %slice3A_1598 = vector.extract_strided_slice %convert_element_type3A_28 {offsets = [0, 0], sizes = [1, 1024], strides = [1, 1]} : vector<16x1024xbf16> to vector<1x1024xbf16>
    %mul3A_1599 = vector.broadcast %slice3A_1598 : vector<1x1024xbf16> to vector<128x1024xbf16>
    %mul3A_1600 = vector.broadcast %convert_element_type3A_1589 : vector<128x1xbf16> to vector<128x1024xbf16>
    %mul3A_1601 = arith.mulf %mul3A_1599, %mul3A_1600 : vector<128x1024xbf16>
    %slice3A_1602 = vector.extract_strided_slice %convert_element_type3A_29 {offsets = [0, 0], sizes = [1, 1024], strides = [1, 1]} : vector<16x1024xbf16> to vector<1x1024xbf16>
    %mul3A_1603 = vector.broadcast %slice3A_1602 : vector<1x1024xbf16> to vector<128x1024xbf16>
    %mul3A_1604 = vector.broadcast %convert_element_type3A_1593 : vector<128x1xbf16> to vector<128x1024xbf16>
    %mul3A_1605 = arith.mulf %mul3A_1603, %mul3A_1604 : vector<128x1024xbf16>
    %add3A_1606 = arith.addf %mul3A_1601, %mul3A_1605 : vector<128x1024xbf16>
    %slice3A_1607 = vector.extract_strided_slice %convert_element_type3A_30 {offsets = [0, 0], sizes = [1, 1024], strides = [1, 1]} : vector<16x1024xbf16> to vector<1x1024xbf16>
    %mul3A_1608 = vector.broadcast %slice3A_1607 : vector<1x1024xbf16> to vector<128x1024xbf16>
    %mul3A_1609 = vector.broadcast %convert_element_type3A_1597 : vector<128x1xbf16> to vector<128x1024xbf16>
    %mul3A_1610 = arith.mulf %mul3A_1608, %mul3A_1609 : vector<128x1024xbf16>
    %add3A_1611 = arith.addf %add3A_1606, %mul3A_1610 : vector<128x1024xbf16>
    %slice3A_1612 = vector.extract_strided_slice %convert_element_type3A_28 {offsets = [1, 0], sizes = [1, 1024], strides = [1, 1]} : vector<16x1024xbf16> to vector<1x1024xbf16>
    %mul3A_1613 = vector.broadcast %slice3A_1612 : vector<1x1024xbf16> to vector<128x1024xbf16>
    %mul3A_1614 = vector.broadcast %convert_element_type3A_1589 : vector<128x1xbf16> to vector<128x1024xbf16>
    %mul3A_1615 = arith.mulf %mul3A_1613, %mul3A_1614 : vector<128x1024xbf16>
    %slice3A_1616 = vector.extract_strided_slice %convert_element_type3A_29 {offsets = [1, 0], sizes = [1, 1024], strides = [1, 1]} : vector<16x1024xbf16> to vector<1x1024xbf16>
    %mul3A_1617 = vector.broadcast %slice3A_1616 : vector<1x1024xbf16> to vector<128x1024xbf16>
    %mul3A_1618 = vector.broadcast %convert_element_type3A_1593 : vector<128x1xbf16> to vector<128x1024xbf16>
    %mul3A_1619 = arith.mulf %mul3A_1617, %mul3A_1618 : vector<128x1024xbf16>
    %add3A_1620 = arith.addf %mul3A_1615, %mul3A_1619 : vector<128x1024xbf16>
    %slice3A_1621 = vector.extract_strided_slice %convert_element_type3A_30 {offsets = [1, 0], sizes = [1, 1024], strides = [1, 1]} : vector<16x1024xbf16> to vector<1x1024xbf16>
    %mul3A_1622 = vector.broadcast %slice3A_1621 : vector<1x1024xbf16> to vector<128x1024xbf16>
    %mul3A_1623 = vector.broadcast %convert_element_type3A_1597 : vector<128x1xbf16> to vector<128x1024xbf16>
    %mul3A_1624 = arith.mulf %mul3A_1622, %mul3A_1623 : vector<128x1024xbf16>
    %add3A_1625 = arith.addf %add3A_1620, %mul3A_1624 : vector<128x1024xbf16>
    %max3A_1626 = arith.maximumf %add3A_1611, %add3A_1625 : vector<128x1024xbf16>
    %slice3A_1627 = vector.extract_strided_slice %convert_element_type3A_28 {offsets = [2, 0], sizes = [1, 1024], strides = [1, 1]} : vector<16x1024xbf16> to vector<1x1024xbf16>
    %mul3A_1628 = vector.broadcast %slice3A_1627 : vector<1x1024xbf16> to vector<128x1024xbf16>
    %mul3A_1629 = vector.broadcast %convert_element_type3A_1589 : vector<128x1xbf16> to vector<128x1024xbf16>
    %mul3A_1630 = arith.mulf %mul3A_1628, %mul3A_1629 : vector<128x1024xbf16>
    %slice3A_1631 = vector.extract_strided_slice %convert_element_type3A_29 {offsets = [2, 0], sizes = [1, 1024], strides = [1, 1]} : vector<16x1024xbf16> to vector<1x1024xbf16>
    %mul3A_1632 = vector.broadcast %slice3A_1631 : vector<1x1024xbf16> to vector<128x1024xbf16>
    %mul3A_1633 = vector.broadcast %convert_element_type3A_1593 : vector<128x1xbf16> to vector<128x1024xbf16>
    %mul3A_1634 = arith.mulf %mul3A_1632, %mul3A_1633 : vector<128x1024xbf16>
    %add3A_1635 = arith.addf %mul3A_1630, %mul3A_1634 : vector<128x1024xbf16>
    %slice3A_1636 = vector.extract_strided_slice %convert_element_type3A_30 {offsets = [2, 0], sizes = [1, 1024], strides = [1, 1]} : vector<16x1024xbf16> to vector<1x1024xbf16>
    %mul3A_1637 = vector.broadcast %slice3A_1636 : vector<1x1024xbf16> to vector<128x1024xbf16>
    %mul3A_1638 = vector.broadcast %convert_element_type3A_1597 : vector<128x1xbf16> to vector<128x1024xbf16>
    %mul3A_1639 = arith.mulf %mul3A_1637, %mul3A_1638 : vector<128x1024xbf16>
    %add3A_1640 = arith.addf %add3A_1635, %mul3A_1639 : vector<128x1024xbf16>
    %max3A_1641 = arith.maximumf %max3A_1626, %add3A_1640 : vector<128x1024xbf16>
    %slice3A_1642 = vector.extract_strided_slice %convert_element_type3A_28 {offsets = [3, 0], sizes = [1, 1024], strides = [1, 1]} : vector<16x1024xbf16> to vector<1x1024xbf16>
    %mul3A_1643 = vector.broadcast %slice3A_1642 : vector<1x1024xbf16> to vector<128x1024xbf16>
    %mul3A_1644 = vector.broadcast %convert_element_type3A_1589 : vector<128x1xbf16> to vector<128x1024xbf16>
    %mul3A_1645 = arith.mulf %mul3A_1643, %mul3A_1644 : vector<128x1024xbf16>
    %slice3A_1646 = vector.extract_strided_slice %convert_element_type3A_29 {offsets = [3, 0], sizes = [1, 1024], strides = [1, 1]} : vector<16x1024xbf16> to vector<1x1024xbf16>
    %mul3A_1647 = vector.broadcast %slice3A_1646 : vector<1x1024xbf16> to vector<128x1024xbf16>
    %mul3A_1648 = vector.broadcast %convert_element_type3A_1593 : vector<128x1xbf16> to vector<128x1024xbf16>
    %mul3A_1649 = arith.mulf %mul3A_1647, %mul3A_1648 : vector<128x1024xbf16>
    %add3A_1650 = arith.addf %mul3A_1645, %mul3A_1649 : vector<128x1024xbf16>
    %slice3A_1651 = vector.extract_strided_slice %convert_element_type3A_30 {offsets = [3, 0], sizes = [1, 1024], strides = [1, 1]} : vector<16x1024xbf16> to vector<1x1024xbf16>
    %mul3A_1652 = vector.broadcast %slice3A_1651 : vector<1x1024xbf16> to vector<128x1024xbf16>
    %mul3A_1653 = vector.broadcast %convert_element_type3A_1597 : vector<128x1xbf16> to vector<128x1024xbf16>
    %mul3A_1654 = arith.mulf %mul3A_1652, %mul3A_1653 : vector<128x1024xbf16>
    %add3A_1655 = arith.addf %add3A_1650, %mul3A_1654 : vector<128x1024xbf16>
    %max3A_1656 = arith.maximumf %max3A_1641, %add3A_1655 : vector<128x1024xbf16>
    %slice3A_1657 = vector.extract_strided_slice %convert_element_type3A_28 {offsets = [4, 0], sizes = [1, 1024], strides = [1, 1]} : vector<16x1024xbf16> to vector<1x1024xbf16>
    %mul3A_1658 = vector.broadcast %slice3A_1657 : vector<1x1024xbf16> to vector<128x1024xbf16>
    %mul3A_1659 = vector.broadcast %convert_element_type3A_1589 : vector<128x1xbf16> to vector<128x1024xbf16>
    %mul3A_1660 = arith.mulf %mul3A_1658, %mul3A_1659 : vector<128x1024xbf16>
    %slice3A_1661 = vector.extract_strided_slice %convert_element_type3A_29 {offsets = [4, 0], sizes = [1, 1024], strides = [1, 1]} : vector<16x1024xbf16> to vector<1x1024xbf16>
    %mul3A_1662 = vector.broadcast %slice3A_1661 : vector<1x1024xbf16> to vector<128x1024xbf16>
    %mul3A_1663 = vector.broadcast %convert_element_type3A_1593 : vector<128x1xbf16> to vector<128x1024xbf16>
    %mul3A_1664 = arith.mulf %mul3A_1662, %mul3A_1663 : vector<128x1024xbf16>
    %add3A_1665 = arith.addf %mul3A_1660, %mul3A_1664 : vector<128x1024xbf16>
    %slice3A_1666 = vector.extract_strided_slice %convert_element_type3A_30 {offsets = [4, 0], sizes = [1, 1024], strides = [1, 1]} : vector<16x1024xbf16> to vector<1x1024xbf16>
    %mul3A_1667 = vector.broadcast %slice3A_1666 : vector<1x1024xbf16> to vector<128x1024xbf16>
    %mul3A_1668 = vector.broadcast %convert_element_type3A_1597 : vector<128x1xbf16> to vector<128x1024xbf16>
    %mul3A_1669 = arith.mulf %mul3A_1667, %mul3A_1668 : vector<128x1024xbf16>
    %add3A_1670 = arith.addf %add3A_1665, %mul3A_1669 : vector<128x1024xbf16>
    %max3A_1671 = arith.maximumf %max3A_1656, %add3A_1670 : vector<128x1024xbf16>
    %slice3A_1672 = vector.extract_strided_slice %convert_element_type3A_28 {offsets = [5, 0], sizes = [1, 1024], strides = [1, 1]} : vector<16x1024xbf16> to vector<1x1024xbf16>
    %mul3A_1673 = vector.broadcast %slice3A_1672 : vector<1x1024xbf16> to vector<128x1024xbf16>
    %mul3A_1674 = vector.broadcast %convert_element_type3A_1589 : vector<128x1xbf16> to vector<128x1024xbf16>
    %mul3A_1675 = arith.mulf %mul3A_1673, %mul3A_1674 : vector<128x1024xbf16>
    %slice3A_1676 = vector.extract_strided_slice %convert_element_type3A_29 {offsets = [5, 0], sizes = [1, 1024], strides = [1, 1]} : vector<16x1024xbf16> to vector<1x1024xbf16>
    %mul3A_1677 = vector.broadcast %slice3A_1676 : vector<1x1024xbf16> to vector<128x1024xbf16>
    %mul3A_1678 = vector.broadcast %convert_element_type3A_1593 : vector<128x1xbf16> to vector<128x1024xbf16>
    %mul3A_1679 = arith.mulf %mul3A_1677, %mul3A_1678 : vector<128x1024xbf16>
    %add3A_1680 = arith.addf %mul3A_1675, %mul3A_1679 : vector<128x1024xbf16>
    %slice3A_1681 = vector.extract_strided_slice %convert_element_type3A_30 {offsets = [5, 0], sizes = [1, 1024], strides = [1, 1]} : vector<16x1024xbf16> to vector<1x1024xbf16>
    %mul3A_1682 = vector.broadcast %slice3A_1681 : vector<1x1024xbf16> to vector<128x1024xbf16>
    %mul3A_1683 = vector.broadcast %convert_element_type3A_1597 : vector<128x1xbf16> to vector<128x1024xbf16>
    %mul3A_1684 = arith.mulf %mul3A_1682, %mul3A_1683 : vector<128x1024xbf16>
    %add3A_1685 = arith.addf %add3A_1680, %mul3A_1684 : vector<128x1024xbf16>
    %max3A_1686 = arith.maximumf %max3A_1671, %add3A_1685 : vector<128x1024xbf16>
    %slice3A_1687 = vector.extract_strided_slice %convert_element_type3A_28 {offsets = [6, 0], sizes = [1, 1024], strides = [1, 1]} : vector<16x1024xbf16> to vector<1x1024xbf16>
    %mul3A_1688 = vector.broadcast %slice3A_1687 : vector<1x1024xbf16> to vector<128x1024xbf16>
    %mul3A_1689 = vector.broadcast %convert_element_type3A_1589 : vector<128x1xbf16> to vector<128x1024xbf16>
    %mul3A_1690 = arith.mulf %mul3A_1688, %mul3A_1689 : vector<128x1024xbf16>
    %slice3A_1691 = vector.extract_strided_slice %convert_element_type3A_29 {offsets = [6, 0], sizes = [1, 1024], strides = [1, 1]} : vector<16x1024xbf16> to vector<1x1024xbf16>
    %mul3A_1692 = vector.broadcast %slice3A_1691 : vector<1x1024xbf16> to vector<128x1024xbf16>
    %mul3A_1693 = vector.broadcast %convert_element_type3A_1593 : vector<128x1xbf16> to vector<128x1024xbf16>
    %mul3A_1694 = arith.mulf %mul3A_1692, %mul3A_1693 : vector<128x1024xbf16>
    %add3A_1695 = arith.addf %mul3A_1690, %mul3A_1694 : vector<128x1024xbf16>
    %slice3A_1696 = vector.extract_strided_slice %convert_element_type3A_30 {offsets = [6, 0], sizes = [1, 1024], strides = [1, 1]} : vector<16x1024xbf16> to vector<1x1024xbf16>
    %mul3A_1697 = vector.broadcast %slice3A_1696 : vector<1x1024xbf16> to vector<128x1024xbf16>
    %mul3A_1698 = vector.broadcast %convert_element_type3A_1597 : vector<128x1xbf16> to vector<128x1024xbf16>
    %mul3A_1699 = arith.mulf %mul3A_1697, %mul3A_1698 : vector<128x1024xbf16>
    %add3A_1700 = arith.addf %add3A_1695, %mul3A_1699 : vector<128x1024xbf16>
    %max3A_1701 = arith.maximumf %max3A_1686, %add3A_1700 : vector<128x1024xbf16>
    %slice3A_1702 = vector.extract_strided_slice %convert_element_type3A_28 {offsets = [7, 0], sizes = [1, 1024], strides = [1, 1]} : vector<16x1024xbf16> to vector<1x1024xbf16>
    %mul3A_1703 = vector.broadcast %slice3A_1702 : vector<1x1024xbf16> to vector<128x1024xbf16>
    %mul3A_1704 = vector.broadcast %convert_element_type3A_1589 : vector<128x1xbf16> to vector<128x1024xbf16>
    %mul3A_1705 = arith.mulf %mul3A_1703, %mul3A_1704 : vector<128x1024xbf16>
    %slice3A_1706 = vector.extract_strided_slice %convert_element_type3A_29 {offsets = [7, 0], sizes = [1, 1024], strides = [1, 1]} : vector<16x1024xbf16> to vector<1x1024xbf16>
    %mul3A_1707 = vector.broadcast %slice3A_1706 : vector<1x1024xbf16> to vector<128x1024xbf16>
    %mul3A_1708 = vector.broadcast %convert_element_type3A_1593 : vector<128x1xbf16> to vector<128x1024xbf16>
    %mul3A_1709 = arith.mulf %mul3A_1707, %mul3A_1708 : vector<128x1024xbf16>
    %add3A_1710 = arith.addf %mul3A_1705, %mul3A_1709 : vector<128x1024xbf16>
    %slice3A_1711 = vector.extract_strided_slice %convert_element_type3A_30 {offsets = [7, 0], sizes = [1, 1024], strides = [1, 1]} : vector<16x1024xbf16> to vector<1x1024xbf16>
    %mul3A_1712 = vector.broadcast %slice3A_1711 : vector<1x1024xbf16> to vector<128x1024xbf16>
    %mul3A_1713 = vector.broadcast %convert_element_type3A_1597 : vector<128x1xbf16> to vector<128x1024xbf16>
    %mul3A_1714 = arith.mulf %mul3A_1712, %mul3A_1713 : vector<128x1024xbf16>
    %add3A_1715 = arith.addf %add3A_1710, %mul3A_1714 : vector<128x1024xbf16>
    %max3A_1716 = arith.maximumf %max3A_1701, %add3A_1715 : vector<128x1024xbf16>
    %slice3A_1717 = vector.extract_strided_slice %convert_element_type3A_28 {offsets = [8, 0], sizes = [1, 1024], strides = [1, 1]} : vector<16x1024xbf16> to vector<1x1024xbf16>
    %mul3A_1718 = vector.broadcast %slice3A_1717 : vector<1x1024xbf16> to vector<128x1024xbf16>
    %mul3A_1719 = vector.broadcast %convert_element_type3A_1589 : vector<128x1xbf16> to vector<128x1024xbf16>
    %mul3A_1720 = arith.mulf %mul3A_1718, %mul3A_1719 : vector<128x1024xbf16>
    %slice3A_1721 = vector.extract_strided_slice %convert_element_type3A_29 {offsets = [8, 0], sizes = [1, 1024], strides = [1, 1]} : vector<16x1024xbf16> to vector<1x1024xbf16>
    %mul3A_1722 = vector.broadcast %slice3A_1721 : vector<1x1024xbf16> to vector<128x1024xbf16>
    %mul3A_1723 = vector.broadcast %convert_element_type3A_1593 : vector<128x1xbf16> to vector<128x1024xbf16>
    %mul3A_1724 = arith.mulf %mul3A_1722, %mul3A_1723 : vector<128x1024xbf16>
    %add3A_1725 = arith.addf %mul3A_1720, %mul3A_1724 : vector<128x1024xbf16>
    %slice3A_1726 = vector.extract_strided_slice %convert_element_type3A_30 {offsets = [8, 0], sizes = [1, 1024], strides = [1, 1]} : vector<16x1024xbf16> to vector<1x1024xbf16>
    %mul3A_1727 = vector.broadcast %slice3A_1726 : vector<1x1024xbf16> to vector<128x1024xbf16>
    %mul3A_1728 = vector.broadcast %convert_element_type3A_1597 : vector<128x1xbf16> to vector<128x1024xbf16>
    %mul3A_1729 = arith.mulf %mul3A_1727, %mul3A_1728 : vector<128x1024xbf16>
    %add3A_1730 = arith.addf %add3A_1725, %mul3A_1729 : vector<128x1024xbf16>
    %max3A_1731 = arith.maximumf %max3A_1716, %add3A_1730 : vector<128x1024xbf16>
    %slice3A_1732 = vector.extract_strided_slice %convert_element_type3A_28 {offsets = [9, 0], sizes = [1, 1024], strides = [1, 1]} : vector<16x1024xbf16> to vector<1x1024xbf16>
    %mul3A_1733 = vector.broadcast %slice3A_1732 : vector<1x1024xbf16> to vector<128x1024xbf16>
    %mul3A_1734 = vector.broadcast %convert_element_type3A_1589 : vector<128x1xbf16> to vector<128x1024xbf16>
    %mul3A_1735 = arith.mulf %mul3A_1733, %mul3A_1734 : vector<128x1024xbf16>
    %slice3A_1736 = vector.extract_strided_slice %convert_element_type3A_29 {offsets = [9, 0], sizes = [1, 1024], strides = [1, 1]} : vector<16x1024xbf16> to vector<1x1024xbf16>
    %mul3A_1737 = vector.broadcast %slice3A_1736 : vector<1x1024xbf16> to vector<128x1024xbf16>
    %mul3A_1738 = vector.broadcast %convert_element_type3A_1593 : vector<128x1xbf16> to vector<128x1024xbf16>
    %mul3A_1739 = arith.mulf %mul3A_1737, %mul3A_1738 : vector<128x1024xbf16>
    %add3A_1740 = arith.addf %mul3A_1735, %mul3A_1739 : vector<128x1024xbf16>
    %slice3A_1741 = vector.extract_strided_slice %convert_element_type3A_30 {offsets = [9, 0], sizes = [1, 1024], strides = [1, 1]} : vector<16x1024xbf16> to vector<1x1024xbf16>
    %mul3A_1742 = vector.broadcast %slice3A_1741 : vector<1x1024xbf16> to vector<128x1024xbf16>
    %mul3A_1743 = vector.broadcast %convert_element_type3A_1597 : vector<128x1xbf16> to vector<128x1024xbf16>
    %mul3A_1744 = arith.mulf %mul3A_1742, %mul3A_1743 : vector<128x1024xbf16>
    %add3A_1745 = arith.addf %add3A_1740, %mul3A_1744 : vector<128x1024xbf16>
    %max3A_1746 = arith.maximumf %max3A_1731, %add3A_1745 : vector<128x1024xbf16>
    %slice3A_1747 = vector.extract_strided_slice %convert_element_type3A_28 {offsets = [10, 0], sizes = [1, 1024], strides = [1, 1]} : vector<16x1024xbf16> to vector<1x1024xbf16>
    %mul3A_1748 = vector.broadcast %slice3A_1747 : vector<1x1024xbf16> to vector<128x1024xbf16>
    %mul3A_1749 = vector.broadcast %convert_element_type3A_1589 : vector<128x1xbf16> to vector<128x1024xbf16>
    %mul3A_1750 = arith.mulf %mul3A_1748, %mul3A_1749 : vector<128x1024xbf16>
    %slice3A_1751 = vector.extract_strided_slice %convert_element_type3A_29 {offsets = [10, 0], sizes = [1, 1024], strides = [1, 1]} : vector<16x1024xbf16> to vector<1x1024xbf16>
    %mul3A_1752 = vector.broadcast %slice3A_1751 : vector<1x1024xbf16> to vector<128x1024xbf16>
    %mul3A_1753 = vector.broadcast %convert_element_type3A_1593 : vector<128x1xbf16> to vector<128x1024xbf16>
    %mul3A_1754 = arith.mulf %mul3A_1752, %mul3A_1753 : vector<128x1024xbf16>
    %add3A_1755 = arith.addf %mul3A_1750, %mul3A_1754 : vector<128x1024xbf16>
    %slice3A_1756 = vector.extract_strided_slice %convert_element_type3A_30 {offsets = [10, 0], sizes = [1, 1024], strides = [1, 1]} : vector<16x1024xbf16> to vector<1x1024xbf16>
    %mul3A_1757 = vector.broadcast %slice3A_1756 : vector<1x1024xbf16> to vector<128x1024xbf16>
    %mul3A_1758 = vector.broadcast %convert_element_type3A_1597 : vector<128x1xbf16> to vector<128x1024xbf16>
    %mul3A_1759 = arith.mulf %mul3A_1757, %mul3A_1758 : vector<128x1024xbf16>
    %add3A_1760 = arith.addf %add3A_1755, %mul3A_1759 : vector<128x1024xbf16>
    %max3A_1761 = arith.maximumf %max3A_1746, %add3A_1760 : vector<128x1024xbf16>
    %slice3A_1762 = vector.extract_strided_slice %convert_element_type3A_28 {offsets = [11, 0], sizes = [1, 1024], strides = [1, 1]} : vector<16x1024xbf16> to vector<1x1024xbf16>
    %mul3A_1763 = vector.broadcast %slice3A_1762 : vector<1x1024xbf16> to vector<128x1024xbf16>
    %mul3A_1764 = vector.broadcast %convert_element_type3A_1589 : vector<128x1xbf16> to vector<128x1024xbf16>
    %mul3A_1765 = arith.mulf %mul3A_1763, %mul3A_1764 : vector<128x1024xbf16>
    %slice3A_1766 = vector.extract_strided_slice %convert_element_type3A_29 {offsets = [11, 0], sizes = [1, 1024], strides = [1, 1]} : vector<16x1024xbf16> to vector<1x1024xbf16>
    %mul3A_1767 = vector.broadcast %slice3A_1766 : vector<1x1024xbf16> to vector<128x1024xbf16>
    %mul3A_1768 = vector.broadcast %convert_element_type3A_1593 : vector<128x1xbf16> to vector<128x1024xbf16>
    %mul3A_1769 = arith.mulf %mul3A_1767, %mul3A_1768 : vector<128x1024xbf16>
    %add3A_1770 = arith.addf %mul3A_1765, %mul3A_1769 : vector<128x1024xbf16>
    %slice3A_1771 = vector.extract_strided_slice %convert_element_type3A_30 {offsets = [11, 0], sizes = [1, 1024], strides = [1, 1]} : vector<16x1024xbf16> to vector<1x1024xbf16>
    %mul3A_1772 = vector.broadcast %slice3A_1771 : vector<1x1024xbf16> to vector<128x1024xbf16>
    %mul3A_1773 = vector.broadcast %convert_element_type3A_1597 : vector<128x1xbf16> to vector<128x1024xbf16>
    %mul3A_1774 = arith.mulf %mul3A_1772, %mul3A_1773 : vector<128x1024xbf16>
    %add3A_1775 = arith.addf %add3A_1770, %mul3A_1774 : vector<128x1024xbf16>
    %max3A_1776 = arith.maximumf %max3A_1761, %add3A_1775 : vector<128x1024xbf16>
    %slice3A_1777 = vector.extract_strided_slice %convert_element_type3A_28 {offsets = [12, 0], sizes = [1, 1024], strides = [1, 1]} : vector<16x1024xbf16> to vector<1x1024xbf16>
    %mul3A_1778 = vector.broadcast %slice3A_1777 : vector<1x1024xbf16> to vector<128x1024xbf16>
    %mul3A_1779 = vector.broadcast %convert_element_type3A_1589 : vector<128x1xbf16> to vector<128x1024xbf16>
    %mul3A_1780 = arith.mulf %mul3A_1778, %mul3A_1779 : vector<128x1024xbf16>
    %slice3A_1781 = vector.extract_strided_slice %convert_element_type3A_29 {offsets = [12, 0], sizes = [1, 1024], strides = [1, 1]} : vector<16x1024xbf16> to vector<1x1024xbf16>
    %mul3A_1782 = vector.broadcast %slice3A_1781 : vector<1x1024xbf16> to vector<128x1024xbf16>
    %mul3A_1783 = vector.broadcast %convert_element_type3A_1593 : vector<128x1xbf16> to vector<128x1024xbf16>
    %mul3A_1784 = arith.mulf %mul3A_1782, %mul3A_1783 : vector<128x1024xbf16>
    %add3A_1785 = arith.addf %mul3A_1780, %mul3A_1784 : vector<128x1024xbf16>
    %slice3A_1786 = vector.extract_strided_slice %convert_element_type3A_30 {offsets = [12, 0], sizes = [1, 1024], strides = [1, 1]} : vector<16x1024xbf16> to vector<1x1024xbf16>
    %mul3A_1787 = vector.broadcast %slice3A_1786 : vector<1x1024xbf16> to vector<128x1024xbf16>
    %mul3A_1788 = vector.broadcast %convert_element_type3A_1597 : vector<128x1xbf16> to vector<128x1024xbf16>
    %mul3A_1789 = arith.mulf %mul3A_1787, %mul3A_1788 : vector<128x1024xbf16>
    %add3A_1790 = arith.addf %add3A_1785, %mul3A_1789 : vector<128x1024xbf16>
    %max3A_1791 = arith.maximumf %max3A_1776, %add3A_1790 : vector<128x1024xbf16>
    %slice3A_1792 = vector.extract_strided_slice %convert_element_type3A_28 {offsets = [13, 0], sizes = [1, 1024], strides = [1, 1]} : vector<16x1024xbf16> to vector<1x1024xbf16>
    %mul3A_1793 = vector.broadcast %slice3A_1792 : vector<1x1024xbf16> to vector<128x1024xbf16>
    %mul3A_1794 = vector.broadcast %convert_element_type3A_1589 : vector<128x1xbf16> to vector<128x1024xbf16>
    %mul3A_1795 = arith.mulf %mul3A_1793, %mul3A_1794 : vector<128x1024xbf16>
    %slice3A_1796 = vector.extract_strided_slice %convert_element_type3A_29 {offsets = [13, 0], sizes = [1, 1024], strides = [1, 1]} : vector<16x1024xbf16> to vector<1x1024xbf16>
    %mul3A_1797 = vector.broadcast %slice3A_1796 : vector<1x1024xbf16> to vector<128x1024xbf16>
    %mul3A_1798 = vector.broadcast %convert_element_type3A_1593 : vector<128x1xbf16> to vector<128x1024xbf16>
    %mul3A_1799 = arith.mulf %mul3A_1797, %mul3A_1798 : vector<128x1024xbf16>
    %add3A_1800 = arith.addf %mul3A_1795, %mul3A_1799 : vector<128x1024xbf16>
    %slice3A_1801 = vector.extract_strided_slice %convert_element_type3A_30 {offsets = [13, 0], sizes = [1, 1024], strides = [1, 1]} : vector<16x1024xbf16> to vector<1x1024xbf16>
    %mul3A_1802 = vector.broadcast %slice3A_1801 : vector<1x1024xbf16> to vector<128x1024xbf16>
    %mul3A_1803 = vector.broadcast %convert_element_type3A_1597 : vector<128x1xbf16> to vector<128x1024xbf16>
    %mul3A_1804 = arith.mulf %mul3A_1802, %mul3A_1803 : vector<128x1024xbf16>
    %add3A_1805 = arith.addf %add3A_1800, %mul3A_1804 : vector<128x1024xbf16>
    %max3A_1806 = arith.maximumf %max3A_1791, %add3A_1805 : vector<128x1024xbf16>
    %slice3A_1807 = vector.extract_strided_slice %convert_element_type3A_28 {offsets = [14, 0], sizes = [1, 1024], strides = [1, 1]} : vector<16x1024xbf16> to vector<1x1024xbf16>
    %mul3A_1808 = vector.broadcast %slice3A_1807 : vector<1x1024xbf16> to vector<128x1024xbf16>
    %mul3A_1809 = vector.broadcast %convert_element_type3A_1589 : vector<128x1xbf16> to vector<128x1024xbf16>
    %mul3A_1810 = arith.mulf %mul3A_1808, %mul3A_1809 : vector<128x1024xbf16>
    %slice3A_1811 = vector.extract_strided_slice %convert_element_type3A_29 {offsets = [14, 0], sizes = [1, 1024], strides = [1, 1]} : vector<16x1024xbf16> to vector<1x1024xbf16>
    %mul3A_1812 = vector.broadcast %slice3A_1811 : vector<1x1024xbf16> to vector<128x1024xbf16>
    %mul3A_1813 = vector.broadcast %convert_element_type3A_1593 : vector<128x1xbf16> to vector<128x1024xbf16>
    %mul3A_1814 = arith.mulf %mul3A_1812, %mul3A_1813 : vector<128x1024xbf16>
    %add3A_1815 = arith.addf %mul3A_1810, %mul3A_1814 : vector<128x1024xbf16>
    %slice3A_1816 = vector.extract_strided_slice %convert_element_type3A_30 {offsets = [14, 0], sizes = [1, 1024], strides = [1, 1]} : vector<16x1024xbf16> to vector<1x1024xbf16>
    %mul3A_1817 = vector.broadcast %slice3A_1816 : vector<1x1024xbf16> to vector<128x1024xbf16>
    %mul3A_1818 = vector.broadcast %convert_element_type3A_1597 : vector<128x1xbf16> to vector<128x1024xbf16>
    %mul3A_1819 = arith.mulf %mul3A_1817, %mul3A_1818 : vector<128x1024xbf16>
    %add3A_1820 = arith.addf %add3A_1815, %mul3A_1819 : vector<128x1024xbf16>
    %max3A_1821 = arith.maximumf %max3A_1806, %add3A_1820 : vector<128x1024xbf16>
    %slice3A_1822 = vector.extract_strided_slice %convert_element_type3A_28 {offsets = [15, 0], sizes = [1, 1024], strides = [1, 1]} : vector<16x1024xbf16> to vector<1x1024xbf16>
    %mul3A_1823 = vector.broadcast %slice3A_1822 : vector<1x1024xbf16> to vector<128x1024xbf16>
    %mul3A_1824 = vector.broadcast %convert_element_type3A_1589 : vector<128x1xbf16> to vector<128x1024xbf16>
    %mul3A_1825 = arith.mulf %mul3A_1823, %mul3A_1824 : vector<128x1024xbf16>
    %slice3A_1826 = vector.extract_strided_slice %convert_element_type3A_29 {offsets = [15, 0], sizes = [1, 1024], strides = [1, 1]} : vector<16x1024xbf16> to vector<1x1024xbf16>
    %mul3A_1827 = vector.broadcast %slice3A_1826 : vector<1x1024xbf16> to vector<128x1024xbf16>
    %mul3A_1828 = vector.broadcast %convert_element_type3A_1593 : vector<128x1xbf16> to vector<128x1024xbf16>
    %mul3A_1829 = arith.mulf %mul3A_1827, %mul3A_1828 : vector<128x1024xbf16>
    %add3A_1830 = arith.addf %mul3A_1825, %mul3A_1829 : vector<128x1024xbf16>
    %slice3A_1831 = vector.extract_strided_slice %convert_element_type3A_30 {offsets = [15, 0], sizes = [1, 1024], strides = [1, 1]} : vector<16x1024xbf16> to vector<1x1024xbf16>
    %mul3A_1832 = vector.broadcast %slice3A_1831 : vector<1x1024xbf16> to vector<128x1024xbf16>
    %mul3A_1833 = vector.broadcast %convert_element_type3A_1597 : vector<128x1xbf16> to vector<128x1024xbf16>
    %mul3A_1834 = arith.mulf %mul3A_1832, %mul3A_1833 : vector<128x1024xbf16>
    %add3A_1835 = arith.addf %add3A_1830, %mul3A_1834 : vector<128x1024xbf16>
    %max3A_1836 = arith.maximumf %max3A_1821, %add3A_1835 : vector<128x1024xbf16>
    %convert_element_type3A_1837 = arith.extf %max3A_1836 : vector<128x1024xbf16> to vector<128x1024xf32>
    %max3A_1838 = arith.constant 0.000000e+00 : f32
    %max3A_1839 = vector.broadcast %max3A_1838 : f32 to vector<128x1024xf32>
    %max3A_1840 = arith.maximumf %convert_element_type3A_1837, %max3A_1839 : vector<128x1024xf32>
    %mul3A_1841 = arith.mulf %transpose3A, %max3A_1840 : vector<128x1024xf32>
    %reduce_sum3A_1842 = arith.constant dense<0.000000e+00> : vector<1024xf32>
    %reduce_sum3A_1843 = vector.multi_reduction <add>, %mul3A_1841, %reduce_sum3A_1842 [0] : vector<128x1024xf32> to vector<1024xf32>
    %broadcast_in_dim3A_1844 = vector.shape_cast %reduce_sum3A_1843 : vector<1024xf32> to vector<1x1024xf32>
    %get3A_1845 = arith.constant 896 : index
    %get3A_1846 = arith.constant 0 : index
    %get3A_1847 = vector.load %arg8[%get3A_1845, %get3A_1846] : memref<1024x8xf32, #tpu.memory_space<vmem>>, vector<128x1xf32>
    %convert_element_type3A_1848 = arith.truncf %get3A_1847 : vector<128x1xf32> to vector<128x1xbf16>
    %get3A_1849 = arith.constant 896 : index
    %get3A_1850 = arith.constant 1 : index
    %get3A_1851 = vector.load %arg8[%get3A_1849, %get3A_1850] : memref<1024x8xf32, #tpu.memory_space<vmem>>, vector<128x1xf32>
    %convert_element_type3A_1852 = arith.truncf %get3A_1851 : vector<128x1xf32> to vector<128x1xbf16>
    %get3A_1853 = arith.constant 896 : index
    %get3A_1854 = arith.constant 2 : index
    %get3A_1855 = vector.load %arg8[%get3A_1853, %get3A_1854] : memref<1024x8xf32, #tpu.memory_space<vmem>>, vector<128x1xf32>
    %convert_element_type3A_1856 = arith.truncf %get3A_1855 : vector<128x1xf32> to vector<128x1xbf16>
    %slice3A_1857 = vector.extract_strided_slice %convert_element_type3A_28 {offsets = [0, 0], sizes = [1, 1024], strides = [1, 1]} : vector<16x1024xbf16> to vector<1x1024xbf16>
    %mul3A_1858 = vector.broadcast %slice3A_1857 : vector<1x1024xbf16> to vector<128x1024xbf16>
    %mul3A_1859 = vector.broadcast %convert_element_type3A_1848 : vector<128x1xbf16> to vector<128x1024xbf16>
    %mul3A_1860 = arith.mulf %mul3A_1858, %mul3A_1859 : vector<128x1024xbf16>
    %slice3A_1861 = vector.extract_strided_slice %convert_element_type3A_29 {offsets = [0, 0], sizes = [1, 1024], strides = [1, 1]} : vector<16x1024xbf16> to vector<1x1024xbf16>
    %mul3A_1862 = vector.broadcast %slice3A_1861 : vector<1x1024xbf16> to vector<128x1024xbf16>
    %mul3A_1863 = vector.broadcast %convert_element_type3A_1852 : vector<128x1xbf16> to vector<128x1024xbf16>
    %mul3A_1864 = arith.mulf %mul3A_1862, %mul3A_1863 : vector<128x1024xbf16>
    %add3A_1865 = arith.addf %mul3A_1860, %mul3A_1864 : vector<128x1024xbf16>
    %slice3A_1866 = vector.extract_strided_slice %convert_element_type3A_30 {offsets = [0, 0], sizes = [1, 1024], strides = [1, 1]} : vector<16x1024xbf16> to vector<1x1024xbf16>
    %mul3A_1867 = vector.broadcast %slice3A_1866 : vector<1x1024xbf16> to vector<128x1024xbf16>
    %mul3A_1868 = vector.broadcast %convert_element_type3A_1856 : vector<128x1xbf16> to vector<128x1024xbf16>
    %mul3A_1869 = arith.mulf %mul3A_1867, %mul3A_1868 : vector<128x1024xbf16>
    %add3A_1870 = arith.addf %add3A_1865, %mul3A_1869 : vector<128x1024xbf16>
    %slice3A_1871 = vector.extract_strided_slice %convert_element_type3A_28 {offsets = [1, 0], sizes = [1, 1024], strides = [1, 1]} : vector<16x1024xbf16> to vector<1x1024xbf16>
    %mul3A_1872 = vector.broadcast %slice3A_1871 : vector<1x1024xbf16> to vector<128x1024xbf16>
    %mul3A_1873 = vector.broadcast %convert_element_type3A_1848 : vector<128x1xbf16> to vector<128x1024xbf16>
    %mul3A_1874 = arith.mulf %mul3A_1872, %mul3A_1873 : vector<128x1024xbf16>
    %slice3A_1875 = vector.extract_strided_slice %convert_element_type3A_29 {offsets = [1, 0], sizes = [1, 1024], strides = [1, 1]} : vector<16x1024xbf16> to vector<1x1024xbf16>
    %mul3A_1876 = vector.broadcast %slice3A_1875 : vector<1x1024xbf16> to vector<128x1024xbf16>
    %mul3A_1877 = vector.broadcast %convert_element_type3A_1852 : vector<128x1xbf16> to vector<128x1024xbf16>
    %mul3A_1878 = arith.mulf %mul3A_1876, %mul3A_1877 : vector<128x1024xbf16>
    %add3A_1879 = arith.addf %mul3A_1874, %mul3A_1878 : vector<128x1024xbf16>
    %slice3A_1880 = vector.extract_strided_slice %convert_element_type3A_30 {offsets = [1, 0], sizes = [1, 1024], strides = [1, 1]} : vector<16x1024xbf16> to vector<1x1024xbf16>
    %mul3A_1881 = vector.broadcast %slice3A_1880 : vector<1x1024xbf16> to vector<128x1024xbf16>
    %mul3A_1882 = vector.broadcast %convert_element_type3A_1856 : vector<128x1xbf16> to vector<128x1024xbf16>
    %mul3A_1883 = arith.mulf %mul3A_1881, %mul3A_1882 : vector<128x1024xbf16>
    %add3A_1884 = arith.addf %add3A_1879, %mul3A_1883 : vector<128x1024xbf16>
    %max3A_1885 = arith.maximumf %add3A_1870, %add3A_1884 : vector<128x1024xbf16>
    %slice3A_1886 = vector.extract_strided_slice %convert_element_type3A_28 {offsets = [2, 0], sizes = [1, 1024], strides = [1, 1]} : vector<16x1024xbf16> to vector<1x1024xbf16>
    %mul3A_1887 = vector.broadcast %slice3A_1886 : vector<1x1024xbf16> to vector<128x1024xbf16>
    %mul3A_1888 = vector.broadcast %convert_element_type3A_1848 : vector<128x1xbf16> to vector<128x1024xbf16>
    %mul3A_1889 = arith.mulf %mul3A_1887, %mul3A_1888 : vector<128x1024xbf16>
    %slice3A_1890 = vector.extract_strided_slice %convert_element_type3A_29 {offsets = [2, 0], sizes = [1, 1024], strides = [1, 1]} : vector<16x1024xbf16> to vector<1x1024xbf16>
    %mul3A_1891 = vector.broadcast %slice3A_1890 : vector<1x1024xbf16> to vector<128x1024xbf16>
    %mul3A_1892 = vector.broadcast %convert_element_type3A_1852 : vector<128x1xbf16> to vector<128x1024xbf16>
    %mul3A_1893 = arith.mulf %mul3A_1891, %mul3A_1892 : vector<128x1024xbf16>
    %add3A_1894 = arith.addf %mul3A_1889, %mul3A_1893 : vector<128x1024xbf16>
    %slice3A_1895 = vector.extract_strided_slice %convert_element_type3A_30 {offsets = [2, 0], sizes = [1, 1024], strides = [1, 1]} : vector<16x1024xbf16> to vector<1x1024xbf16>
    %mul3A_1896 = vector.broadcast %slice3A_1895 : vector<1x1024xbf16> to vector<128x1024xbf16>
    %mul3A_1897 = vector.broadcast %convert_element_type3A_1856 : vector<128x1xbf16> to vector<128x1024xbf16>
    %mul3A_1898 = arith.mulf %mul3A_1896, %mul3A_1897 : vector<128x1024xbf16>
    %add3A_1899 = arith.addf %add3A_1894, %mul3A_1898 : vector<128x1024xbf16>
    %max3A_1900 = arith.maximumf %max3A_1885, %add3A_1899 : vector<128x1024xbf16>
    %slice3A_1901 = vector.extract_strided_slice %convert_element_type3A_28 {offsets = [3, 0], sizes = [1, 1024], strides = [1, 1]} : vector<16x1024xbf16> to vector<1x1024xbf16>
    %mul3A_1902 = vector.broadcast %slice3A_1901 : vector<1x1024xbf16> to vector<128x1024xbf16>
    %mul3A_1903 = vector.broadcast %convert_element_type3A_1848 : vector<128x1xbf16> to vector<128x1024xbf16>
    %mul3A_1904 = arith.mulf %mul3A_1902, %mul3A_1903 : vector<128x1024xbf16>
    %slice3A_1905 = vector.extract_strided_slice %convert_element_type3A_29 {offsets = [3, 0], sizes = [1, 1024], strides = [1, 1]} : vector<16x1024xbf16> to vector<1x1024xbf16>
    %mul3A_1906 = vector.broadcast %slice3A_1905 : vector<1x1024xbf16> to vector<128x1024xbf16>
    %mul3A_1907 = vector.broadcast %convert_element_type3A_1852 : vector<128x1xbf16> to vector<128x1024xbf16>
    %mul3A_1908 = arith.mulf %mul3A_1906, %mul3A_1907 : vector<128x1024xbf16>
    %add3A_1909 = arith.addf %mul3A_1904, %mul3A_1908 : vector<128x1024xbf16>
    %slice3A_1910 = vector.extract_strided_slice %convert_element_type3A_30 {offsets = [3, 0], sizes = [1, 1024], strides = [1, 1]} : vector<16x1024xbf16> to vector<1x1024xbf16>
    %mul3A_1911 = vector.broadcast %slice3A_1910 : vector<1x1024xbf16> to vector<128x1024xbf16>
    %mul3A_1912 = vector.broadcast %convert_element_type3A_1856 : vector<128x1xbf16> to vector<128x1024xbf16>
    %mul3A_1913 = arith.mulf %mul3A_1911, %mul3A_1912 : vector<128x1024xbf16>
    %add3A_1914 = arith.addf %add3A_1909, %mul3A_1913 : vector<128x1024xbf16>
    %max3A_1915 = arith.maximumf %max3A_1900, %add3A_1914 : vector<128x1024xbf16>
    %slice3A_1916 = vector.extract_strided_slice %convert_element_type3A_28 {offsets = [4, 0], sizes = [1, 1024], strides = [1, 1]} : vector<16x1024xbf16> to vector<1x1024xbf16>
    %mul3A_1917 = vector.broadcast %slice3A_1916 : vector<1x1024xbf16> to vector<128x1024xbf16>
    %mul3A_1918 = vector.broadcast %convert_element_type3A_1848 : vector<128x1xbf16> to vector<128x1024xbf16>
    %mul3A_1919 = arith.mulf %mul3A_1917, %mul3A_1918 : vector<128x1024xbf16>
    %slice3A_1920 = vector.extract_strided_slice %convert_element_type3A_29 {offsets = [4, 0], sizes = [1, 1024], strides = [1, 1]} : vector<16x1024xbf16> to vector<1x1024xbf16>
    %mul3A_1921 = vector.broadcast %slice3A_1920 : vector<1x1024xbf16> to vector<128x1024xbf16>
    %mul3A_1922 = vector.broadcast %convert_element_type3A_1852 : vector<128x1xbf16> to vector<128x1024xbf16>
    %mul3A_1923 = arith.mulf %mul3A_1921, %mul3A_1922 : vector<128x1024xbf16>
    %add3A_1924 = arith.addf %mul3A_1919, %mul3A_1923 : vector<128x1024xbf16>
    %slice3A_1925 = vector.extract_strided_slice %convert_element_type3A_30 {offsets = [4, 0], sizes = [1, 1024], strides = [1, 1]} : vector<16x1024xbf16> to vector<1x1024xbf16>
    %mul3A_1926 = vector.broadcast %slice3A_1925 : vector<1x1024xbf16> to vector<128x1024xbf16>
    %mul3A_1927 = vector.broadcast %convert_element_type3A_1856 : vector<128x1xbf16> to vector<128x1024xbf16>
    %mul3A_1928 = arith.mulf %mul3A_1926, %mul3A_1927 : vector<128x1024xbf16>
    %add3A_1929 = arith.addf %add3A_1924, %mul3A_1928 : vector<128x1024xbf16>
    %max3A_1930 = arith.maximumf %max3A_1915, %add3A_1929 : vector<128x1024xbf16>
    %slice3A_1931 = vector.extract_strided_slice %convert_element_type3A_28 {offsets = [5, 0], sizes = [1, 1024], strides = [1, 1]} : vector<16x1024xbf16> to vector<1x1024xbf16>
    %mul3A_1932 = vector.broadcast %slice3A_1931 : vector<1x1024xbf16> to vector<128x1024xbf16>
    %mul3A_1933 = vector.broadcast %convert_element_type3A_1848 : vector<128x1xbf16> to vector<128x1024xbf16>
    %mul3A_1934 = arith.mulf %mul3A_1932, %mul3A_1933 : vector<128x1024xbf16>
    %slice3A_1935 = vector.extract_strided_slice %convert_element_type3A_29 {offsets = [5, 0], sizes = [1, 1024], strides = [1, 1]} : vector<16x1024xbf16> to vector<1x1024xbf16>
    %mul3A_1936 = vector.broadcast %slice3A_1935 : vector<1x1024xbf16> to vector<128x1024xbf16>
    %mul3A_1937 = vector.broadcast %convert_element_type3A_1852 : vector<128x1xbf16> to vector<128x1024xbf16>
    %mul3A_1938 = arith.mulf %mul3A_1936, %mul3A_1937 : vector<128x1024xbf16>
    %add3A_1939 = arith.addf %mul3A_1934, %mul3A_1938 : vector<128x1024xbf16>
    %slice3A_1940 = vector.extract_strided_slice %convert_element_type3A_30 {offsets = [5, 0], sizes = [1, 1024], strides = [1, 1]} : vector<16x1024xbf16> to vector<1x1024xbf16>
    %mul3A_1941 = vector.broadcast %slice3A_1940 : vector<1x1024xbf16> to vector<128x1024xbf16>
    %mul3A_1942 = vector.broadcast %convert_element_type3A_1856 : vector<128x1xbf16> to vector<128x1024xbf16>
    %mul3A_1943 = arith.mulf %mul3A_1941, %mul3A_1942 : vector<128x1024xbf16>
    %add3A_1944 = arith.addf %add3A_1939, %mul3A_1943 : vector<128x1024xbf16>
    %max3A_1945 = arith.maximumf %max3A_1930, %add3A_1944 : vector<128x1024xbf16>
    %slice3A_1946 = vector.extract_strided_slice %convert_element_type3A_28 {offsets = [6, 0], sizes = [1, 1024], strides = [1, 1]} : vector<16x1024xbf16> to vector<1x1024xbf16>
    %mul3A_1947 = vector.broadcast %slice3A_1946 : vector<1x1024xbf16> to vector<128x1024xbf16>
    %mul3A_1948 = vector.broadcast %convert_element_type3A_1848 : vector<128x1xbf16> to vector<128x1024xbf16>
    %mul3A_1949 = arith.mulf %mul3A_1947, %mul3A_1948 : vector<128x1024xbf16>
    %slice3A_1950 = vector.extract_strided_slice %convert_element_type3A_29 {offsets = [6, 0], sizes = [1, 1024], strides = [1, 1]} : vector<16x1024xbf16> to vector<1x1024xbf16>
    %mul3A_1951 = vector.broadcast %slice3A_1950 : vector<1x1024xbf16> to vector<128x1024xbf16>
    %mul3A_1952 = vector.broadcast %convert_element_type3A_1852 : vector<128x1xbf16> to vector<128x1024xbf16>
    %mul3A_1953 = arith.mulf %mul3A_1951, %mul3A_1952 : vector<128x1024xbf16>
    %add3A_1954 = arith.addf %mul3A_1949, %mul3A_1953 : vector<128x1024xbf16>
    %slice3A_1955 = vector.extract_strided_slice %convert_element_type3A_30 {offsets = [6, 0], sizes = [1, 1024], strides = [1, 1]} : vector<16x1024xbf16> to vector<1x1024xbf16>
    %mul3A_1956 = vector.broadcast %slice3A_1955 : vector<1x1024xbf16> to vector<128x1024xbf16>
    %mul3A_1957 = vector.broadcast %convert_element_type3A_1856 : vector<128x1xbf16> to vector<128x1024xbf16>
    %mul3A_1958 = arith.mulf %mul3A_1956, %mul3A_1957 : vector<128x1024xbf16>
    %add3A_1959 = arith.addf %add3A_1954, %mul3A_1958 : vector<128x1024xbf16>
    %max3A_1960 = arith.maximumf %max3A_1945, %add3A_1959 : vector<128x1024xbf16>
    %slice3A_1961 = vector.extract_strided_slice %convert_element_type3A_28 {offsets = [7, 0], sizes = [1, 1024], strides = [1, 1]} : vector<16x1024xbf16> to vector<1x1024xbf16>
    %mul3A_1962 = vector.broadcast %slice3A_1961 : vector<1x1024xbf16> to vector<128x1024xbf16>
    %mul3A_1963 = vector.broadcast %convert_element_type3A_1848 : vector<128x1xbf16> to vector<128x1024xbf16>
    %mul3A_1964 = arith.mulf %mul3A_1962, %mul3A_1963 : vector<128x1024xbf16>
    %slice3A_1965 = vector.extract_strided_slice %convert_element_type3A_29 {offsets = [7, 0], sizes = [1, 1024], strides = [1, 1]} : vector<16x1024xbf16> to vector<1x1024xbf16>
    %mul3A_1966 = vector.broadcast %slice3A_1965 : vector<1x1024xbf16> to vector<128x1024xbf16>
    %mul3A_1967 = vector.broadcast %convert_element_type3A_1852 : vector<128x1xbf16> to vector<128x1024xbf16>
    %mul3A_1968 = arith.mulf %mul3A_1966, %mul3A_1967 : vector<128x1024xbf16>
    %add3A_1969 = arith.addf %mul3A_1964, %mul3A_1968 : vector<128x1024xbf16>
    %slice3A_1970 = vector.extract_strided_slice %convert_element_type3A_30 {offsets = [7, 0], sizes = [1, 1024], strides = [1, 1]} : vector<16x1024xbf16> to vector<1x1024xbf16>
    %mul3A_1971 = vector.broadcast %slice3A_1970 : vector<1x1024xbf16> to vector<128x1024xbf16>
    %mul3A_1972 = vector.broadcast %convert_element_type3A_1856 : vector<128x1xbf16> to vector<128x1024xbf16>
    %mul3A_1973 = arith.mulf %mul3A_1971, %mul3A_1972 : vector<128x1024xbf16>
    %add3A_1974 = arith.addf %add3A_1969, %mul3A_1973 : vector<128x1024xbf16>
    %max3A_1975 = arith.maximumf %max3A_1960, %add3A_1974 : vector<128x1024xbf16>
    %slice3A_1976 = vector.extract_strided_slice %convert_element_type3A_28 {offsets = [8, 0], sizes = [1, 1024], strides = [1, 1]} : vector<16x1024xbf16> to vector<1x1024xbf16>
    %mul3A_1977 = vector.broadcast %slice3A_1976 : vector<1x1024xbf16> to vector<128x1024xbf16>
    %mul3A_1978 = vector.broadcast %convert_element_type3A_1848 : vector<128x1xbf16> to vector<128x1024xbf16>
    %mul3A_1979 = arith.mulf %mul3A_1977, %mul3A_1978 : vector<128x1024xbf16>
    %slice3A_1980 = vector.extract_strided_slice %convert_element_type3A_29 {offsets = [8, 0], sizes = [1, 1024], strides = [1, 1]} : vector<16x1024xbf16> to vector<1x1024xbf16>
    %mul3A_1981 = vector.broadcast %slice3A_1980 : vector<1x1024xbf16> to vector<128x1024xbf16>
    %mul3A_1982 = vector.broadcast %convert_element_type3A_1852 : vector<128x1xbf16> to vector<128x1024xbf16>
    %mul3A_1983 = arith.mulf %mul3A_1981, %mul3A_1982 : vector<128x1024xbf16>
    %add3A_1984 = arith.addf %mul3A_1979, %mul3A_1983 : vector<128x1024xbf16>
    %slice3A_1985 = vector.extract_strided_slice %convert_element_type3A_30 {offsets = [8, 0], sizes = [1, 1024], strides = [1, 1]} : vector<16x1024xbf16> to vector<1x1024xbf16>
    %mul3A_1986 = vector.broadcast %slice3A_1985 : vector<1x1024xbf16> to vector<128x1024xbf16>
    %mul3A_1987 = vector.broadcast %convert_element_type3A_1856 : vector<128x1xbf16> to vector<128x1024xbf16>
    %mul3A_1988 = arith.mulf %mul3A_1986, %mul3A_1987 : vector<128x1024xbf16>
    %add3A_1989 = arith.addf %add3A_1984, %mul3A_1988 : vector<128x1024xbf16>
    %max3A_1990 = arith.maximumf %max3A_1975, %add3A_1989 : vector<128x1024xbf16>
    %slice3A_1991 = vector.extract_strided_slice %convert_element_type3A_28 {offsets = [9, 0], sizes = [1, 1024], strides = [1, 1]} : vector<16x1024xbf16> to vector<1x1024xbf16>
    %mul3A_1992 = vector.broadcast %slice3A_1991 : vector<1x1024xbf16> to vector<128x1024xbf16>
    %mul3A_1993 = vector.broadcast %convert_element_type3A_1848 : vector<128x1xbf16> to vector<128x1024xbf16>
    %mul3A_1994 = arith.mulf %mul3A_1992, %mul3A_1993 : vector<128x1024xbf16>
    %slice3A_1995 = vector.extract_strided_slice %convert_element_type3A_29 {offsets = [9, 0], sizes = [1, 1024], strides = [1, 1]} : vector<16x1024xbf16> to vector<1x1024xbf16>
    %mul3A_1996 = vector.broadcast %slice3A_1995 : vector<1x1024xbf16> to vector<128x1024xbf16>
    %mul3A_1997 = vector.broadcast %convert_element_type3A_1852 : vector<128x1xbf16> to vector<128x1024xbf16>
    %mul3A_1998 = arith.mulf %mul3A_1996, %mul3A_1997 : vector<128x1024xbf16>
    %add3A_1999 = arith.addf %mul3A_1994, %mul3A_1998 : vector<128x1024xbf16>
    %slice3A_2000 = vector.extract_strided_slice %convert_element_type3A_30 {offsets = [9, 0], sizes = [1, 1024], strides = [1, 1]} : vector<16x1024xbf16> to vector<1x1024xbf16>
    %mul3A_2001 = vector.broadcast %slice3A_2000 : vector<1x1024xbf16> to vector<128x1024xbf16>
    %mul3A_2002 = vector.broadcast %convert_element_type3A_1856 : vector<128x1xbf16> to vector<128x1024xbf16>
    %mul3A_2003 = arith.mulf %mul3A_2001, %mul3A_2002 : vector<128x1024xbf16>
    %add3A_2004 = arith.addf %add3A_1999, %mul3A_2003 : vector<128x1024xbf16>
    %max3A_2005 = arith.maximumf %max3A_1990, %add3A_2004 : vector<128x1024xbf16>
    %slice3A_2006 = vector.extract_strided_slice %convert_element_type3A_28 {offsets = [10, 0], sizes = [1, 1024], strides = [1, 1]} : vector<16x1024xbf16> to vector<1x1024xbf16>
    %mul3A_2007 = vector.broadcast %slice3A_2006 : vector<1x1024xbf16> to vector<128x1024xbf16>
    %mul3A_2008 = vector.broadcast %convert_element_type3A_1848 : vector<128x1xbf16> to vector<128x1024xbf16>
    %mul3A_2009 = arith.mulf %mul3A_2007, %mul3A_2008 : vector<128x1024xbf16>
    %slice3A_2010 = vector.extract_strided_slice %convert_element_type3A_29 {offsets = [10, 0], sizes = [1, 1024], strides = [1, 1]} : vector<16x1024xbf16> to vector<1x1024xbf16>
    %mul3A_2011 = vector.broadcast %slice3A_2010 : vector<1x1024xbf16> to vector<128x1024xbf16>
    %mul3A_2012 = vector.broadcast %convert_element_type3A_1852 : vector<128x1xbf16> to vector<128x1024xbf16>
    %mul3A_2013 = arith.mulf %mul3A_2011, %mul3A_2012 : vector<128x1024xbf16>
    %add3A_2014 = arith.addf %mul3A_2009, %mul3A_2013 : vector<128x1024xbf16>
    %slice3A_2015 = vector.extract_strided_slice %convert_element_type3A_30 {offsets = [10, 0], sizes = [1, 1024], strides = [1, 1]} : vector<16x1024xbf16> to vector<1x1024xbf16>
    %mul3A_2016 = vector.broadcast %slice3A_2015 : vector<1x1024xbf16> to vector<128x1024xbf16>
    %mul3A_2017 = vector.broadcast %convert_element_type3A_1856 : vector<128x1xbf16> to vector<128x1024xbf16>
    %mul3A_2018 = arith.mulf %mul3A_2016, %mul3A_2017 : vector<128x1024xbf16>
    %add3A_2019 = arith.addf %add3A_2014, %mul3A_2018 : vector<128x1024xbf16>
    %max3A_2020 = arith.maximumf %max3A_2005, %add3A_2019 : vector<128x1024xbf16>
    %slice3A_2021 = vector.extract_strided_slice %convert_element_type3A_28 {offsets = [11, 0], sizes = [1, 1024], strides = [1, 1]} : vector<16x1024xbf16> to vector<1x1024xbf16>
    %mul3A_2022 = vector.broadcast %slice3A_2021 : vector<1x1024xbf16> to vector<128x1024xbf16>
    %mul3A_2023 = vector.broadcast %convert_element_type3A_1848 : vector<128x1xbf16> to vector<128x1024xbf16>
    %mul3A_2024 = arith.mulf %mul3A_2022, %mul3A_2023 : vector<128x1024xbf16>
    %slice3A_2025 = vector.extract_strided_slice %convert_element_type3A_29 {offsets = [11, 0], sizes = [1, 1024], strides = [1, 1]} : vector<16x1024xbf16> to vector<1x1024xbf16>
    %mul3A_2026 = vector.broadcast %slice3A_2025 : vector<1x1024xbf16> to vector<128x1024xbf16>
    %mul3A_2027 = vector.broadcast %convert_element_type3A_1852 : vector<128x1xbf16> to vector<128x1024xbf16>
    %mul3A_2028 = arith.mulf %mul3A_2026, %mul3A_2027 : vector<128x1024xbf16>
    %add3A_2029 = arith.addf %mul3A_2024, %mul3A_2028 : vector<128x1024xbf16>
    %slice3A_2030 = vector.extract_strided_slice %convert_element_type3A_30 {offsets = [11, 0], sizes = [1, 1024], strides = [1, 1]} : vector<16x1024xbf16> to vector<1x1024xbf16>
    %mul3A_2031 = vector.broadcast %slice3A_2030 : vector<1x1024xbf16> to vector<128x1024xbf16>
    %mul3A_2032 = vector.broadcast %convert_element_type3A_1856 : vector<128x1xbf16> to vector<128x1024xbf16>
    %mul3A_2033 = arith.mulf %mul3A_2031, %mul3A_2032 : vector<128x1024xbf16>
    %add3A_2034 = arith.addf %add3A_2029, %mul3A_2033 : vector<128x1024xbf16>
    %max3A_2035 = arith.maximumf %max3A_2020, %add3A_2034 : vector<128x1024xbf16>
    %slice3A_2036 = vector.extract_strided_slice %convert_element_type3A_28 {offsets = [12, 0], sizes = [1, 1024], strides = [1, 1]} : vector<16x1024xbf16> to vector<1x1024xbf16>
    %mul3A_2037 = vector.broadcast %slice3A_2036 : vector<1x1024xbf16> to vector<128x1024xbf16>
    %mul3A_2038 = vector.broadcast %convert_element_type3A_1848 : vector<128x1xbf16> to vector<128x1024xbf16>
    %mul3A_2039 = arith.mulf %mul3A_2037, %mul3A_2038 : vector<128x1024xbf16>
    %slice3A_2040 = vector.extract_strided_slice %convert_element_type3A_29 {offsets = [12, 0], sizes = [1, 1024], strides = [1, 1]} : vector<16x1024xbf16> to vector<1x1024xbf16>
    %mul3A_2041 = vector.broadcast %slice3A_2040 : vector<1x1024xbf16> to vector<128x1024xbf16>
    %mul3A_2042 = vector.broadcast %convert_element_type3A_1852 : vector<128x1xbf16> to vector<128x1024xbf16>
    %mul3A_2043 = arith.mulf %mul3A_2041, %mul3A_2042 : vector<128x1024xbf16>
    %add3A_2044 = arith.addf %mul3A_2039, %mul3A_2043 : vector<128x1024xbf16>
    %slice3A_2045 = vector.extract_strided_slice %convert_element_type3A_30 {offsets = [12, 0], sizes = [1, 1024], strides = [1, 1]} : vector<16x1024xbf16> to vector<1x1024xbf16>
    %mul3A_2046 = vector.broadcast %slice3A_2045 : vector<1x1024xbf16> to vector<128x1024xbf16>
    %mul3A_2047 = vector.broadcast %convert_element_type3A_1856 : vector<128x1xbf16> to vector<128x1024xbf16>
    %mul3A_2048 = arith.mulf %mul3A_2046, %mul3A_2047 : vector<128x1024xbf16>
    %add3A_2049 = arith.addf %add3A_2044, %mul3A_2048 : vector<128x1024xbf16>
    %max3A_2050 = arith.maximumf %max3A_2035, %add3A_2049 : vector<128x1024xbf16>
    %slice3A_2051 = vector.extract_strided_slice %convert_element_type3A_28 {offsets = [13, 0], sizes = [1, 1024], strides = [1, 1]} : vector<16x1024xbf16> to vector<1x1024xbf16>
    %mul3A_2052 = vector.broadcast %slice3A_2051 : vector<1x1024xbf16> to vector<128x1024xbf16>
    %mul3A_2053 = vector.broadcast %convert_element_type3A_1848 : vector<128x1xbf16> to vector<128x1024xbf16>
    %mul3A_2054 = arith.mulf %mul3A_2052, %mul3A_2053 : vector<128x1024xbf16>
    %slice3A_2055 = vector.extract_strided_slice %convert_element_type3A_29 {offsets = [13, 0], sizes = [1, 1024], strides = [1, 1]} : vector<16x1024xbf16> to vector<1x1024xbf16>
    %mul3A_2056 = vector.broadcast %slice3A_2055 : vector<1x1024xbf16> to vector<128x1024xbf16>
    %mul3A_2057 = vector.broadcast %convert_element_type3A_1852 : vector<128x1xbf16> to vector<128x1024xbf16>
    %mul3A_2058 = arith.mulf %mul3A_2056, %mul3A_2057 : vector<128x1024xbf16>
    %add3A_2059 = arith.addf %mul3A_2054, %mul3A_2058 : vector<128x1024xbf16>
    %slice3A_2060 = vector.extract_strided_slice %convert_element_type3A_30 {offsets = [13, 0], sizes = [1, 1024], strides = [1, 1]} : vector<16x1024xbf16> to vector<1x1024xbf16>
    %mul3A_2061 = vector.broadcast %slice3A_2060 : vector<1x1024xbf16> to vector<128x1024xbf16>
    %mul3A_2062 = vector.broadcast %convert_element_type3A_1856 : vector<128x1xbf16> to vector<128x1024xbf16>
    %mul3A_2063 = arith.mulf %mul3A_2061, %mul3A_2062 : vector<128x1024xbf16>
    %add3A_2064 = arith.addf %add3A_2059, %mul3A_2063 : vector<128x1024xbf16>
    %max3A_2065 = arith.maximumf %max3A_2050, %add3A_2064 : vector<128x1024xbf16>
    %slice3A_2066 = vector.extract_strided_slice %convert_element_type3A_28 {offsets = [14, 0], sizes = [1, 1024], strides = [1, 1]} : vector<16x1024xbf16> to vector<1x1024xbf16>
    %mul3A_2067 = vector.broadcast %slice3A_2066 : vector<1x1024xbf16> to vector<128x1024xbf16>
    %mul3A_2068 = vector.broadcast %convert_element_type3A_1848 : vector<128x1xbf16> to vector<128x1024xbf16>
    %mul3A_2069 = arith.mulf %mul3A_2067, %mul3A_2068 : vector<128x1024xbf16>
    %slice3A_2070 = vector.extract_strided_slice %convert_element_type3A_29 {offsets = [14, 0], sizes = [1, 1024], strides = [1, 1]} : vector<16x1024xbf16> to vector<1x1024xbf16>
    %mul3A_2071 = vector.broadcast %slice3A_2070 : vector<1x1024xbf16> to vector<128x1024xbf16>
    %mul3A_2072 = vector.broadcast %convert_element_type3A_1852 : vector<128x1xbf16> to vector<128x1024xbf16>
    %mul3A_2073 = arith.mulf %mul3A_2071, %mul3A_2072 : vector<128x1024xbf16>
    %add3A_2074 = arith.addf %mul3A_2069, %mul3A_2073 : vector<128x1024xbf16>
    %slice3A_2075 = vector.extract_strided_slice %convert_element_type3A_30 {offsets = [14, 0], sizes = [1, 1024], strides = [1, 1]} : vector<16x1024xbf16> to vector<1x1024xbf16>
    %mul3A_2076 = vector.broadcast %slice3A_2075 : vector<1x1024xbf16> to vector<128x1024xbf16>
    %mul3A_2077 = vector.broadcast %convert_element_type3A_1856 : vector<128x1xbf16> to vector<128x1024xbf16>
    %mul3A_2078 = arith.mulf %mul3A_2076, %mul3A_2077 : vector<128x1024xbf16>
    %add3A_2079 = arith.addf %add3A_2074, %mul3A_2078 : vector<128x1024xbf16>
    %max3A_2080 = arith.maximumf %max3A_2065, %add3A_2079 : vector<128x1024xbf16>
    %slice3A_2081 = vector.extract_strided_slice %convert_element_type3A_28 {offsets = [15, 0], sizes = [1, 1024], strides = [1, 1]} : vector<16x1024xbf16> to vector<1x1024xbf16>
    %mul3A_2082 = vector.broadcast %slice3A_2081 : vector<1x1024xbf16> to vector<128x1024xbf16>
    %mul3A_2083 = vector.broadcast %convert_element_type3A_1848 : vector<128x1xbf16> to vector<128x1024xbf16>
    %mul3A_2084 = arith.mulf %mul3A_2082, %mul3A_2083 : vector<128x1024xbf16>
    %slice3A_2085 = vector.extract_strided_slice %convert_element_type3A_29 {offsets = [15, 0], sizes = [1, 1024], strides = [1, 1]} : vector<16x1024xbf16> to vector<1x1024xbf16>
    %mul3A_2086 = vector.broadcast %slice3A_2085 : vector<1x1024xbf16> to vector<128x1024xbf16>
    %mul3A_2087 = vector.broadcast %convert_element_type3A_1852 : vector<128x1xbf16> to vector<128x1024xbf16>
    %mul3A_2088 = arith.mulf %mul3A_2086, %mul3A_2087 : vector<128x1024xbf16>
    %add3A_2089 = arith.addf %mul3A_2084, %mul3A_2088 : vector<128x1024xbf16>
    %slice3A_2090 = vector.extract_strided_slice %convert_element_type3A_30 {offsets = [15, 0], sizes = [1, 1024], strides = [1, 1]} : vector<16x1024xbf16> to vector<1x1024xbf16>
    %mul3A_2091 = vector.broadcast %slice3A_2090 : vector<1x1024xbf16> to vector<128x1024xbf16>
    %mul3A_2092 = vector.broadcast %convert_element_type3A_1856 : vector<128x1xbf16> to vector<128x1024xbf16>
    %mul3A_2093 = arith.mulf %mul3A_2091, %mul3A_2092 : vector<128x1024xbf16>
    %add3A_2094 = arith.addf %add3A_2089, %mul3A_2093 : vector<128x1024xbf16>
    %max3A_2095 = arith.maximumf %max3A_2080, %add3A_2094 : vector<128x1024xbf16>
    %convert_element_type3A_2096 = arith.extf %max3A_2095 : vector<128x1024xbf16> to vector<128x1024xf32>
    %max3A_2097 = arith.constant 0.000000e+00 : f32
    %max3A_2098 = vector.broadcast %max3A_2097 : f32 to vector<128x1024xf32>
    %max3A_2099 = arith.maximumf %convert_element_type3A_2096, %max3A_2098 : vector<128x1024xf32>
    %mul3A_2100 = arith.mulf %transpose3A, %max3A_2099 : vector<128x1024xf32>
    %reduce_sum3A_2101 = arith.constant dense<0.000000e+00> : vector<1024xf32>
    %reduce_sum3A_2102 = vector.multi_reduction <add>, %mul3A_2100, %reduce_sum3A_2101 [0] : vector<128x1024xf32> to vector<1024xf32>
    %broadcast_in_dim3A_2103 = vector.shape_cast %reduce_sum3A_2102 : vector<1024xf32> to vector<1x1024xf32>
    %concatenate3A = tpu.concatenate %broadcast_in_dim3A_290, %broadcast_in_dim3A_549, %broadcast_in_dim3A_808, %broadcast_in_dim3A_1067, %broadcast_in_dim3A_1326, %broadcast_in_dim3A_1585, %broadcast_in_dim3A_1844, %broadcast_in_dim3A_2103 in 0 : vector<1x1024xf32>, vector<1x1024xf32>, vector<1x1024xf32>, vector<1x1024xf32>, vector<1x1024xf32>, vector<1x1024xf32>, vector<1x1024xf32>, vector<1x1024xf32> -> vector<8x1024xf32>
    %transpose3A_2104 = tpu.transpose %concatenate3A, [1, 0] : vector<8x1024xf32> -> vector<1024x8xf32>
    %get3A_2105 = arith.constant 0 : index
    %get3A_2106 = arith.constant 0 : index
    %get3A_2107 = vector.load %arg6[%get3A_2105, %get3A_2106] : memref<1x8xf32, #tpu.memory_space<vmem>>, vector<1x8xf32>
    %add3A_2108 = vector.broadcast %get3A_2107 : vector<1x8xf32> to vector<1024x8xf32>
    %add3A_2109 = arith.addf %transpose3A_2104, %add3A_2108 : vector<1024x8xf32>
    %swap3A = arith.constant 0 : index
    %swap3A_2110 = arith.constant 0 : index
    %swap3A_2111 = vector.load %arg7[%swap3A, %swap3A_2110] : memref<1024x8xf32, #tpu.memory_space<vmem>>, vector<1024x8xf32>
    tpu.vector_store %arg7[%swap3A, %swap3A_2110], %add3A_2109 {strides = array<i32>} : memref<1024x8xf32, #tpu.memory_space<vmem>>, vector<1024x8xf32>,
    return
  }
  func.func @transform_0(%arg0: i32) -> (i32, i32) {
    %c0_i32 = arith.constant 0 : i32
    %c0_i32_0 = arith.constant 0 : i32
    return %c0_i32, %arg0 : i32, i32
  }
  func.func @transform_1(%arg0: i32) -> (i32, i32) {
    %c0_i32 = arith.constant 0 : i32
    %c0_i32_0 = arith.constant 0 : i32
    return %c0_i32, %arg0 : i32, i32
  }
  func.func @transform_2(%arg0: i32) -> (i32, i32) {
    %c0_i32 = arith.constant 0 : i32
    %c0_i32_0 = arith.constant 0 : i32
    return %c0_i32, %arg0 : i32, i32
  }
  func.func @transform_3(%arg0: i32) -> (i32, i32) {
    %c0_i32 = arith.constant 0 : i32
    %c0_i32_0 = arith.constant 0 : i32
    return %arg0, %c0_i32 : i32, i32
  }
  func.func @transform_4(%arg0: i32) -> (i32, i32) {
    %c0_i32 = arith.constant 0 : i32
    %c0_i32_0 = arith.constant 0 : i32
    %c0_i32_1 = arith.constant 0 : i32
    return %c0_i32, %c0_i32_0 : i32, i32
  }
  func.func @transform_5(%arg0: i32) -> (i32, i32) {
    %c0_i32 = arith.constant 0 : i32
    %c0_i32_0 = arith.constant 0 : i32
    %c0_i32_1 = arith.constant 0 : i32
    return %c0_i32, %c0_i32_0 : i32, i32
  }
  func.func @transform_6(%arg0: i32) -> (i32, i32) {
    %c0_i32 = arith.constant 0 : i32
    %c0_i32_0 = arith.constant 0 : i32
    return %arg0, %c0_i32 : i32, i32
  }
}

</mosaic_0001>

<sc_bundles>
// kernel: kernel.4.cloned.1.call-start
scs
__scs_entry_jumppad:
0x0: {  	(pc) =	sbr.rel $0x88, $3  }
0x1: {  	(tag) =	ssettag $0x0;
	lr =	simm.s32 $0x1  }
0x2: {  	[smem:$0x3F9C] =	sst lr;
	_ =	strace $0xD0000000  }
0x3: {  	_ = 	snop  }
0x4: {  	_ = 	snop  }
0x5: {  	_ = 	snop  }
0x6: {  	_ = 	snop  }
0x7: {  	_ = 	snop  }
__scs_overlays_trampoline_lowered:
0x8: {  	[smem:$0x3FAB] =	sst s0  }
0x9: {  	[smem:$0x3FAC] =	sst s1  }
0xa: {  	[smem:$0x3FAD] =	sst s2  }
0xb: {  	[smem:$0x3FAE] =	sst s3  }
0xc: {  	[smem:$0x3FAF] =	sst s4  }
0xd: {  	[smem:$0x3FB0] =	sst s5  }
0xe: {  	[smem:$0x3FB1] =	sst s6  }
0xf: {  	[smem:$0x3FB2] =	sst s7  }
0x10: {  	[smem:$0x3FB3] =	sst s8  }
0x11: {  	[smem:$0x3FB4] =	sst s9;
	s0 =	simm.s32 @!p0 $0x0  }
0x12: {  	s1 =	sld [smem:$0x3F9A];
	s0 =	simm.s32 @p0 $0x1  }
0x13: {  	[smem:$0x3FB5] =	sst s0;
	s0 =	simm.s32 @!p1 $0x0  }
0x14: {  	s2 =	sld [smem:$0x3F99];
	s0 =	simm.s32 @p1 $0x1  }
0x15: {  	[smem:$0x3FB6] =	sst s0;
	s0 =	simm.s32 @!p2 $0x0  }
0x16: {  	s3 =	sld [smem:$0x3FDB];
	s0 =	simm.s32 @p2 $0x1  }
0x17: {  	s4 =	simm.s32 $0x1BF5;
	[smem:$0x3FB8] =	sst s0  }
0x18: {  	s0 =	sld [smem:$0x3F9B];
	_ =	swait.ge [sflag:s4], $0x0  }
0x19: {  	s7 =	sld [smem:$0x3F9C]  }
0x1a: {  	s8 =	sadd.s32 $0xFFFFE003, lr  }
0x1b: {  	s9 =	sadd.s32 $0xFFFFFEF7, lr;
	s5 =	simm.s32 $0xFFFFFFFF;
	p2 =	slt.u32 s8, $0xFFFFF086  }
0x1c: {  	p1 =	slt.u32 s9, $0xF7A;
	s5 =	simm.s32 @!p2 $0x0  }
0x1d: {  	s5 =	simm.s32 @p1 $0x1;
	p0 =	seq.s32 s7, s2  }
0x1e: {  	s7 =	smul.u32 @!p0 $0xF7A, s2;
	p2 =	seq.s32 @!p0 s5, $0x0  }
0x1f: {  	s9 =	smul.u32 $0xF7A, s1;
	s8 =	simm.s32 @!p0 $0x1BF5;
	p2 =	por !p2, p0  }
0x20: {  	[sflag:s8] =	ssyncset.s32 @!p0 $0xFFFFF086;
	s6 =	sadd.s32 @!p0 s3, s7;
	s7 =	simm.s32 @!p0 $0x108  }
0x21: {  	s3 =	sadd.s32 s3, s9;
	s6 =	sadd.s32 @!p0 $0x88, s6;
	s7 =	simm.s32 @p2 $0x1082  }
0x22: {  	[simem:s7], [sflag:s8] =	dma.local @!p0 [hbm:s6], $0xF7A  }
0x23: {  	s9 =	sor.u32 $0xD0000000, s2;
	s6 =	simm.s32 $0x108;
	_ =	swait.ge @!p0 [sflag:s8], $0x0  }
0x24: {  	s3 =	sadd.s32 $0x88, s3;
	s6 =	simm.s32 @!p1 $0x1082;
	[sflag:s4] =	ssyncset.s32 $0xFFFFF086  }
0x25: {  	[simem:s6], [sflag:s4] =	dma.local [hbm:s3], $0xF7A  }
0x26: {  	[smem:$0x3F9C] =	sst s1;
	(tag) =	ssettag s2;
	_ =	strace s9  }
0x27: {  	s1 =	sld [smem:$0x3FAC]  }
0x28: {  	s2 =	sld [smem:$0x3FAD]  }
0x29: {  	s4 =	sld [smem:$0x3FAF]  }
0x2a: {  	p0 =	seq.s32 s5, $0x0;
	s5 =	sld [smem:$0x3FB0]  }
0x2b: {  	s6 =	sld [smem:$0x3FB1]  }
0x2c: {  	s7 =	sld [smem:$0x3FB2]  }
0x2d: {  	s3 =	simm.s32 $0x108;
	s8 =	sld [smem:$0x3FB3]  }
0x2e: {  	s3 =	simm.s32 @!p0 $0x1082;
	s9 =	sld [smem:$0x3FB4]  }
0x2f: {  	lr =	sadd.s32 s0, s3;
	s0 =	sld [smem:$0x3FAB]  }
0x30: {  	s3 =	sld [smem:$0x3FAE]  }
0x31: {  	[smem:$0x3FB7] =	sst s10  }
0x32: {  	s10 =	sld [smem:$0x3FB5];
	_ =	sdelay $0x3  }
0x33: {  	p0 =	seq.s32 s10, $0x1;
	s10 =	sld [smem:$0x3FB7];
	_ =	sdelay $0x3  }
0x34: {  	[smem:$0x3FB7] =	sst s10  }
0x35: {  	s10 =	sld [smem:$0x3FB6];
	_ =	sdelay $0x3  }
0x36: {  	p1 =	seq.s32 s10, $0x1;
	s10 =	sld [smem:$0x3FB7];
	_ =	sdelay $0x3  }
0x37: {  	[smem:$0x3FB7] =	sst s10  }
0x38: {  	s10 =	sld [smem:$0x3FB8]  }
0x39: {  	_ = 	snop;
	(pc) =	sbr.ind lr, $3  }
0x3a: {  	_ = 	snop  }
0x3b: {  	_ = 	snop  }
0x3c: {  	p2 =	seq.s32 s10, $0x1;
	s10 =	sld [smem:$0x3FB7]  }
0x3d: {  	_ =	shalt  }
0x3e: {  	_ =	shalt  }
0x3f: {  	_ =	shalt  }
0x40: {  	_ =	shalt  }
0x41: {  	_ =	shalt  }
0x42: {  	_ =	shalt  }
0x43: {  	_ =	shalt  }
0x44: {  	_ =	shalt  }
0x45: {  	_ =	shalt  }
0x46: {  	_ =	shalt  }
0x47: {  	_ =	shalt  }
0x48: {  	_ =	shalt  }
0x49: {  	_ =	shalt  }
0x4a: {  	_ =	shalt  }
0x4b: {  	_ =	shalt  }
0x4c: {  	_ =	shalt  }
0x4d: {  	_ =	shalt  }
0x4e: {  	_ =	shalt  }
0x4f: {  	_ =	shalt  }
0x50: {  	_ =	shalt  }
0x51: {  	_ =	shalt  }
0x52: {  	_ =	shalt  }
0x53: {  	_ =	shalt  }
0x54: {  	_ =	shalt  }
0x55: {  	_ =	shalt  }
0x56: {  	_ =	shalt  }
0x57: {  	_ =	shalt  }
0x58: {  	_ =	shalt  }
0x59: {  	_ =	shalt  }
0x5a: {  	_ =	shalt  }
0x5b: {  	_ =	shalt  }
0x5c: {  	_ =	shalt  }
0x5d: {  	_ =	shalt  }
0x5e: {  	_ =	shalt  }
0x5f: {  	_ =	shalt  }
0x60: {  	_ =	shalt  }
0x61: {  	_ =	shalt  }
0x62: {  	_ =	shalt  }
0x63: {  	_ =	shalt  }
0x64: {  	_ =	shalt  }
0x65: {  	_ =	shalt  }
0x66: {  	_ =	shalt  }
0x67: {  	_ =	shalt  }
0x68: {  	_ =	shalt  }
0x69: {  	_ =	shalt  }
0x6a: {  	_ =	shalt  }
0x6b: {  	_ =	shalt  }
0x6c: {  	_ =	shalt  }
0x6d: {  	_ =	shalt  }
0x6e: {  	_ =	shalt  }
0x6f: {  	_ =	shalt  }
0x70: {  	_ =	shalt  }
0x71: {  	_ =	shalt  }
0x72: {  	_ =	shalt  }
0x73: {  	_ =	shalt  }
0x74: {  	_ =	shalt  }
0x75: {  	_ =	shalt  }
0x76: {  	_ =	shalt  }
0x77: {  	_ =	shalt  }
0x78: {  	_ =	shalt  }
0x79: {  	_ =	shalt  }
0x7a: {  	_ =	shalt  }
0x7b: {  	_ =	shalt  }
0x7c: {  	_ =	shalt  }
0x7d: {  	_ =	shalt  }
0x7e: {  	_ =	shalt  }
0x7f: {  	_ =	shalt  }
0x80: {  	_ =	shalt  }
0x81: {  	_ =	shalt  }
0x82: {  	_ =	shalt  }
0x83: {  	_ =	shalt  }
0x84: {  	_ =	shalt  }
0x85: {  	_ =	shalt  }
0x86: {  	_ =	shalt  }
0x87: {  	_ =	shalt  }
.Lfunc_end0:
.L_simem_size_0:
called_computation_lowered:
.L_overlay_start_0:
0x88: {  	s2 =	sld [smem:$0x3FD9]  }
0x89: {  	s3 =	sld [smem:$0x3FFE];
	_ =	sdelay $0x1  }
0x8a: {  	s1 =	srdreg.scid  }
0x8b: {  	s0 =	sand.u32 $0x1, s1  }
0x8c: {  	s17 =	sshll.u32 s0, $0xA;
	s2 =	sadd.s32 s3, s2  }
0x8d: {  	s2 =	sadd.s32 s2, s17  }
0x8e: {  	[smem:$0x3FC3] =	sst s2  }
0x8f: {  	_ = 	snop  }
0x90: {  	s2 =	sld [smem:$0x3FD0];
	(tm) =	ssettm $0x1  }
0x91: {  	s18 =	sld [smem:$0x3FFB];
	_ =	sdelay $0x3  }
0x92: {  	_ =	strace s18  }
0x93: {  	s3 =	sld [smem:$0x3FFC];
	_ =	sdelay $0x3  }
0x94: {  	_ =	strace s3  }
0x95: {  	s3 =	sld [smem:$0x3FFD];
	_ =	sdelay $0x3  }
0x96: {  	_ =	strace s3  }
0x97: {  	_ =	strace $0x8FFFFFFF  }
0x98: {  	s19 =	sld [smem:$0x3FDB];
	_ =	sdelay $0x1  }
0x99: {  	s4 =	simm.s32 $_scs_section_size  }
0x9a: {  	s5 =	simm.s32 $_size__tile_overlayer_lowered;
	s6 =	simm.s32 $_tile_overlayer_lowered  }
0x9b: {  	s22 =	simm.s32 $0x1BFF;
	s21 =	sshll.u32 s6, $0x1;
	s3 =	sadd.s32 s4, s19  }
0x9c: {  	s7 =	simm.s32 $0x0;
	s20 =	sshll.u32 s5, $0x1;
	s5 =	sadd.s32 s21, s3  }
0x9d: {  	[timem:s7], [sflag:s22] =	dma.local [hbm:s5], s20  }
0x9e: {  	_ =	swait.ge [sflag:s22], s20  }
0x9f: {  	s4 =	ssub.s32 $0x0, s20;
	[sflag:s22] =	ssyncset.done $0x0  }
0xa0: {  	[sflag:s22] =	ssyncadd.s32 s4;
	_ =	sdelay $0x1  }
0xa1: {  	s23 =	simm.s32 $0x1B8B  }
0xa2: {  	_ =	swait.ge [sflag:s23], $0x1  }
0xa3: {  	[sflag:s23] =	ssyncset.done $0x0  }
0xa4: {  	s25 =	simm.s32 $0x1B8E;
	s24 =	sld [smem:$0x3FFE];
	[sflag:s23] =	ssyncadd.s32 $0xFFFFFFFF  }
0xa5: {  	s26 =	simm.s32 $execute0_lowered;
	[smem:$0x3FD2] =	sst s25  }
0xa6: {  	s5 =	sshll.u32 s26, $0x1;
	_ =	strace $0x80000046;
	[dreg:$0x1] =	wrdreg $0xFFFFFFFF  }
0xa7: {  	s28 =	simm.s32 $_size_execute0_lowered;
	s3 =	sadd.s32 s3, s5;
	[dreg:$0x0] =	wrdreg $0x0  }
0xa8: {  	s5 =	sshll.u32 s28, $0x1;
	[dreg:$0x2] =	wrdreg s3  }
0xa9: {  	[dreg:$0x3] =	wrdreg s5  }
0xaa: {  	[dreg:$0x4] =	wrdreg $0xC0  }
0xab: {  	_ =	task [dreg:s7], $0x5FFFF  }
0xac: {  	[dreg:$0x1] =	wrdreg $0xFFFFFFFF  }
0xad: {  	[dreg:$0x0] =	wrdreg $0x60  }
0xae: {  	[dreg:$0x2] =	wrdreg s24  }
0xaf: {  	[dreg:$0x3] =	wrdreg s2  }
0xb0: {  	[dreg:$0x4] =	wrdreg $0x9  }
0xb1: {  	_ =	task.clear_ibuf [dreg:s7], $0x5FFFF;
	_ =	strace $0x90000046  }
0xb2: {  	s29 =	simm.s32 $0x9;
	_ =	strace $0x80000048  }
0xb3: {  	_ =	swait.ge [sflag:s29], $0x1  }
0xb4: {  	[sflag:s29] =	ssyncadd.s32 $0xFFFFFFFF  }
0xb5: {  	_ =	strace $0x90000048  }
0xb6: {  	_ =	sfence  }
0xb7: {  	s30 =	sld [smem:$0x0];
	_ =	sdelay $0x2  }
0xb8: {  	s31 =	sshll.u32 s1, $0xD;
	s1 =	sshrl.u32 s1, $0x2  }
0xb9: {  	s3 =	sand.u32 $0x4000, s31;
	s1 =	sadd.s32 s1, s30  }
0xba: {  	s0 =	sor.u32 s3, s0;
	s1 =	sshll.u32 s1, $0x11  }
0xbb: {  	s0 =	sor.u32 s1, s0  }
0xbc: {  	s0 =	sadd.s32 $0x8F2B, s0  }
0xbd: {  	[sflag:s0] =	ssyncadd.remote.s32 $0x1  }
0xbe: {  	_ =	sfence.sel $0xFFFF  }
0xbf: {  	[dreg:$0x0] =	wrdreg $0xFFFFFFFF;
	(pc) =	sbr.abs _section_cstart, $3  }
0xc0: {  	[dreg:$0x1] =	wrdreg $0xFFFFFFFF  }
0xc1: {  	_ =	task.clear_ibuf [dreg:s7], $0x2FFFF;
	_ =	strace $0x9FFFFFFF  }
0xc2: {  	(tm) =	ssettm $0x7FFFFFFF  }
0xc3: {  	_ =	shalt  }
tec
execute0_lowered:
.L_overlay_start_1:
0x0: {  	(tag) =	ssettag $0x1  }
0x1: {  	s0 =	rddreg [dreg:$0x0]  }
0x2: {  	s2 =	rddreg [dreg:$0x1]  }
0x3: {  	s3 =	srdreg.scid;
	s1 =	stileid.u32  }
0x4: {  	s14 =	simm.s32 $0x1000;
	s15 =	simm.s32 $0x2000;
	s16 =	simm.s32 $0x3000  }
0x5: {  	s17 =	simm.s32 $0x1;
	s18 =	simm.s32 $0x3800;
	s19 =	simm.s32 $0x4000  }
0x6: {  	s20 =	simm.s32 $0x4800;
	s21 =	simm.s32 $0x0;
	s4 =	sand.u32 $0x1, s3  }
0x7: {  	s3 =	simm.s32 $0x0;
	s5 =	sshll.u32 s1, $0xC;
	s13 =	sshll.u32 s4, $0xB  }
0x8: {  	[smem:$0x7FF] =	sst s3;
	s6 =	ssub.s32 $0x2, s4;
	s4 =	sadd.s32 $0xE00, s0  }
0x9: {  	s5 =	sor.u32 s13, s5;
	_ =	strace $0x80000047;
	s7 =	sshrl.u32 s6, $0x1  }
0xa: {  	s11 =	sor.u32 $0x20, s13;
	s12 =	sor.u32 $0x2020, s13;
	s5 =	sshrl.u32 s5, $0x3  }
0xb: {  	s13 =	sor.u32 $0x1020, s13;
	s31 =	ssub.s32 s6, s7;
	s9 =	sadd.s32 s5, s0  }
0xc: {  	s5 =	sadd.s32 $0xC00, s0;
	s10 =	smax.u32 s31, $0x1;
	s6 =	sadd.s32 $0x1000, s9  }
0xd: {  	s7 =	sadd.s32 $0x3000, s9;
	s8 =	sadd.s32 $0x5000, s9;
	s9 =	sadd.s32 $0x7000, s9  }
.LBB2_1:
0xe: {  	[tilespmem:s3], [sflag:$0x1] =	stream.linear.gather [hbm4b:s4+s3], $0x1000, $0x38;
	[tilespmem:$0x5000] =	vst v63  }
0xf: {  	_ = 	snop  }
0x10: {  	[tilespmem:s14], [sflag:$0x1] =	stream.linear.gather [hbm4b:s5+s3], $0x1000, $0x38;
	[tilespmem:$0x5000] =	vst v63  }
0x11: {  	_ = 	snop  }
0x12: {  	[tilespmem:s15], [sflag:$0x1] =	stream.linear.gather [hbm4b:s2+s3], $0x1000, $0x38;
	[tilespmem:$0x5000] =	vst v63  }
0x13: {  	_ = 	snop  }
0x14: {  	[tilespmem:s16], [sflag:$0x1] =	stream.linear.gather [hbm4b:s6+s3], $0x800, $0x38;
	[tilespmem:$0x5000] =	vst v63  }
0x15: {  	_ =	swait.ge [sflag:s17], $0x1000  }
0x16: {  	[sflag:s17] =	ssyncset.done $0x0  }
0x17: {  	[sflag:s17] =	ssyncadd.s32 $0xFFFFF000  }
0x18: {  	_ =	swait.ge [sflag:s17], $0x1000  }
0x19: {  	[sflag:s17] =	ssyncset.done $0x0  }
0x1a: {  	[sflag:s17] =	ssyncadd.s32 $0xFFFFF000  }
0x1b: {  	_ =	swait.ge [sflag:s17], $0x1000  }
0x1c: {  	[sflag:s17] =	ssyncset.done $0x0  }
0x1d: {  	[sflag:s17] =	ssyncadd.s32 $0xFFFFF000  }
0x1e: {  	_ =	swait.ge [sflag:s17], $0x800  }
0x1f: {  	[sflag:s17] =	ssyncset.done $0x0  }
0x20: {  	s0 =	simm.s32 $0x3020;
	[sflag:s17] =	ssyncadd.s32 $0xFFFFF800  }
0x21: {  	v0 =	vld [tilespmem:s0+$0x10]  }
0x22: {  	v1 =	vld [tilespmem:s0+$0xFFFFFFF0]  }
0x23: {  	v2 =	vld [tilespmem:s0+$0xFFFFFFE0]  }
0x24: {  	v3 =	vld [tilespmem:s0+$0x0]  }
0x25: {  	v5 =	vld [tilespmem:s11+$0x10]  }
0x26: {  	v9 =	vld [tilespmem:s11+$0xFFFFFFE0]  }
0x27: {  	v11 =	vld [tilespmem:s11+$0xFFFFFFF0]  }
0x28: {  	v12 =	vld [tilespmem:s11+$0x0]  }
0x29: {  	v4 =	vld.idx.msk [tilespmem:v0+s3+$0x0], $0xffff  }
0x2a: {  	v6 =	vld.idx.msk [tilespmem:v1+s3+$0x0], $0xffff  }
0x2b: {  	v7 =	vld.idx.msk [tilespmem:v2+s3+$0x0], $0xffff  }
0x2c: {  	v8 =	vld.idx.msk [tilespmem:v3+s3+$0x0], $0xffff  }
0x2d: {  	v10 =	vld.idx.msk [tilespmem:v0+s15+$0x0], $0xffff  }
0x2e: {  	v13 =	vld.idx.msk [tilespmem:v2+s14+$0x0], $0xffff  }
0x2f: {  	v14 =	vld.idx.msk [tilespmem:v2+s15+$0x0], $0xffff;
	v4 =	vsub.f32 v4, v5  }
0x30: {  	s25 =	simm.s32 $0x3820;
	v15 =	vld.idx.msk [tilespmem:v3+s14+$0x0], $0xffff  }
0x31: {  	v5 =	vld.idx.msk [tilespmem:v0+s14+$0x0], $0xffff;
	[tilespmem:s25+$0x10] =	vst v4  }
0x32: {  	v4 =	vld [tilespmem:s13+$0x10]  }
0x33: {  	s22 =	simm.s32 $0x3060;
	v0 =	vld.idx.msk [tilespmem:v3+s15+$0x0], $0xffff  }
0x34: {  	v2 =	vsub.f32 v7, v9;
	v9 =	vld [tilespmem:s22+$0xFFFFFFE0]  }
0x35: {  	v3 =	vsub.f32 v6, v11;
	v11 =	vld [tilespmem:s22+$0x0]  }
0x36: {  	v6 =	vld.idx.msk [tilespmem:v1+s14+$0x0], $0xffff  }
0x37: {  	v7 =	vld.idx.msk [tilespmem:v1+s15+$0x0], $0xffff;
	[tilespmem:s25+$0xFFFFFFE0] =	vst v2;
	v1 =	vsub.f32 v5, v4  }
0x38: {  	s26 =	simm.s32 $0x4020;
	[tilespmem:s25+$0xFFFFFFF0] =	vst v3;
	v2 =	vld [tilespmem:s13+$0xFFFFFFE0]  }
0x39: {  	[tilespmem:s26+$0x10] =	vst v1;
	v1 =	vld [tilespmem:s22+$0x10]  }
0x3a: {  	v3 =	vld [tilespmem:s13+$0xFFFFFFF0]  }
0x3b: {  	v5 =	vsub.f32 v8, v12;
	v8 =	vld [tilespmem:s22+$0xFFFFFFF0]  }
0x3c: {  	v16 =	vld.idx.msk [tilespmem:v9+s3+$0x0], $0xffff  }
0x3d: {  	v17 =	vld.idx.msk [tilespmem:v11+s3+$0x0], $0xffff  }
0x3e: {  	[tilespmem:s25+$0x0] =	vst v5;
	v4 =	vld [tilespmem:s12+$0x10]  }
0x3f: {  	v2 =	vsub.f32 v13, v2;
	s22 =	sadd.s32 $0x40, s11;
	v5 =	vld [tilespmem:s13+$0x0]  }
0x40: {  	v3 =	vsub.f32 v6, v3;
	v6 =	vld [tilespmem:s22+$0x10]  }
0x41: {  	[tilespmem:s26+$0xFFFFFFE0] =	vst v2;
	v2 =	vld.idx.msk [tilespmem:v1+s3+$0x0], $0xffff  }
0x42: {  	[tilespmem:s26+$0xFFFFFFF0] =	vst v3;
	v61 =	vld [tilespmem:s12+$0xFFFFFFE0]  }
0x43: {  	v3 =	vld [tilespmem:s12+$0xFFFFFFF0]  }
0x44: {  	v18 =	vld [tilespmem:s22+$0xFFFFFFE0]  }
0x45: {  	v20 =	vld [tilespmem:s22+$0xFFFFFFF0]  }
0x46: {  	v62 =	vld.idx.msk [tilespmem:v8+s3+$0x0], $0xffff;
	v6 =	vsub.f32 v2, v6  }
0x47: {  	s24 =	simm.s32 $0x3860;
	v19 =	vld.idx.msk [tilespmem:v1+s14+$0x0], $0xffff  }
0x48: {  	s25 =	sadd.s32 $0x40, s13;
	v2 =	vld.idx.msk [tilespmem:v1+s15+$0x0], $0xffff;
	[tilespmem:s24+$0x10] =	vst v6  }
0x49: {  	v21 =	vld [tilespmem:s25+$0x10]  }
0x4a: {  	v1 =	vsub.f32 v10, v4;
	v10 =	vld [tilespmem:s22+$0x0]  }
0x4b: {  	s23 =	simm.s32 $0x4820;
	v4 =	vsub.f32 v15, v5;
	v5 =	vld.idx.msk [tilespmem:v11+s14+$0x0], $0xffff  }
0x4c: {  	v12 =	vsub.f32 v14, v61;
	v6 =	vld.idx.msk [tilespmem:v9+s14+$0x0], $0xffff;
	[tilespmem:s23+$0x10] =	vst v1  }
0x4d: {  	v1 =	vld.idx.msk [tilespmem:v9+s15+$0x0], $0xffff;
	[tilespmem:s26+$0x0] =	vst v4;
	v4 =	vsub.f32 v7, v3  }
0x4e: {  	[tilespmem:s23+$0xFFFFFFE0] =	vst v12;
	v3 =	vld.idx.msk [tilespmem:v11+s15+$0x0], $0xffff;
	v9 =	vsub.f32 v19, v21  }
0x4f: {  	v11 =	vsub.f32 v16, v18;
	v7 =	vld.idx.msk [tilespmem:v8+s14+$0x0], $0xffff;
	s26 =	simm.s32 $0x4060;
	[tilespmem:s23+$0xFFFFFFF0] =	vst v4  }
0x50: {  	s28 =	sadd.s32 $0x40, s12;
	v63 =	vsub.f32 v62, v20;
	v4 =	vld.idx.msk [tilespmem:v8+s15+$0x0], $0xffff;
	[tilespmem:s26+$0x10] =	vst v9  }
0x51: {  	[tilespmem:s24+$0xFFFFFFE0] =	vst v11;
	v10 =	vsub.f32 v17, v10;
	v8 =	vld [tilespmem:s28+$0x10]  }
0x52: {  	s31 =	simm.s32 $0x4;
	[tilespmem:s24+$0xFFFFFFF0] =	vst v63;
	v9 =	vld [tilespmem:s25+$0xFFFFFFE0]  }
0x53: {  	s30 =	smov.u32 s12;
	s29 =	simm.s32 $0x4820;
	s0 =	simm.s32 $0x30A0;
	[tilespmem:s24+$0x0] =	vst v10;
	v10 =	vld [tilespmem:s25+$0xFFFFFFF0]  }
.LBB2_2:
0x54: {  	v11 =	vld [tilespmem:s0+$0x10];
	s31 =	sadd.s32 $0x4, s31  }
0x55: {  	v12 =	vld [tilespmem:s0+$0xFFFFFFF0];
	p0 =	slt.u32 s31, $0x7C  }
0x56: {  	v13 =	vld [tilespmem:s0+$0x0];
	v2 =	vsub.f32 v2, v8  }
0x57: {  	s23 =	sadd.s32 $0x40, s23;
	v8 =	vld [tilespmem:s0+$0xFFFFFFE0];
	v6 =	vsub.f32 v6, v9  }
0x58: {  	v7 =	vsub.f32 v7, v10;
	v9 =	vld [tilespmem:s25+$0x0];
	[tilespmem:s23+$0x10] =	vst v2  }
0x59: {  	[tilespmem:s26+$0xFFFFFFE0] =	vst v6;
	v2 =	vld [tilespmem:s30+$0x0];
	s30 =	smov.u32 s28  }
0x5a: {  	v6 =	vld [tilespmem:s28+$0xFFFFFFE0];
	[tilespmem:s26+$0xFFFFFFF0] =	vst v7  }
0x5b: {  	v7 =	vld [tilespmem:s28+$0xFFFFFFF0]  }
0x5c: {  	s22 =	sadd.s32 $0x40, s22;
	v10 =	vld.idx.msk [tilespmem:v11+s3+$0x0], $0xffff  }
0x5d: {  	v14 =	vld [tilespmem:s22+$0x10];
	v5 =	vsub.f32 v5, v9  }
0x5e: {  	v9 =	vld.idx.msk [tilespmem:v12+s3+$0x0], $0xffff;
	v2 =	vsub.f32 v0, v2;
	v0 =	vmov v3  }
0x5f: {  	v3 =	vld.idx.msk [tilespmem:v8+s3+$0x0], $0xffff;
	v1 =	vsub.f32 v1, v6;
	[tilespmem:s26+$0x0] =	vst v5  }
0x60: {  	v15 =	vld.idx.msk [tilespmem:v13+s3+$0x0], $0xffff;
	v4 =	vsub.f32 v4, v7;
	[tilespmem:s29+$0x0] =	vst v2;
	s29 =	smov.u32 s23  }
0x61: {  	v5 =	vld [tilespmem:s22+$0xFFFFFFE0];
	[tilespmem:s23+$0xFFFFFFE0] =	vst v1  }
0x62: {  	v1 =	vld [tilespmem:s22+$0xFFFFFFF0];
	v6 =	vsub.f32 v10, v14;
	[tilespmem:s23+$0xFFFFFFF0] =	vst v4  }
0x63: {  	s24 =	sadd.s32 $0x40, s24;
	v4 =	vld.idx.msk [tilespmem:v11+s14+$0x0], $0xffff  }
0x64: {  	s25 =	sadd.s32 $0x40, s25;
	v2 =	vld.idx.msk [tilespmem:v11+s15+$0x0], $0xffff;
	[tilespmem:s24+$0x10] =	vst v6  }
0x65: {  	v7 =	vld [tilespmem:s25+$0x10]  }
0x66: {  	v3 =	vsub.f32 v3, v5;
	v10 =	vld [tilespmem:s22+$0x0]  }
0x67: {  	v6 =	vld.idx.msk [tilespmem:v8+s14+$0x0], $0xffff;
	v11 =	vsub.f32 v9, v1  }
0x68: {  	v1 =	vld.idx.msk [tilespmem:v8+s15+$0x0], $0xffff;
	[tilespmem:s24+$0xFFFFFFE0] =	vst v3  }
0x69: {  	v5 =	vld.idx.msk [tilespmem:v13+s14+$0x0], $0xffff  }
0x6a: {  	v3 =	vld.idx.msk [tilespmem:v13+s15+$0x0], $0xffff;
	v8 =	vsub.f32 v4, v7  }
.Ltmp0:
0x6b: {  	s26 =	sadd.s32 $0x40, s26;
	v7 =	vld.idx.msk [tilespmem:v12+s14+$0x0], $0xffff;
	v9 =	vsub.f32 v15, v10;
	(pc) =	sbr.rel @p0 .LBB2_2-.Ltmp0, $4  }
0x6c: {  	s28 =	sadd.s32 $0x40, s28;
	v4 =	vld.idx.msk [tilespmem:v12+s15+$0x0], $0xffff;
	[tilespmem:s26+$0x10] =	vst v8  }
0x6d: {  	[tilespmem:s24+$0x0] =	vst v9;
	v8 =	vld [tilespmem:s28+$0x10]  }
0x6e: {  	v9 =	vld [tilespmem:s25+$0xFFFFFFE0];
	[tilespmem:s24+$0xFFFFFFF0] =	vst v11  }
0x6f: {  	s0 =	sadd.s32 $0x40, s0;
	v10 =	vld [tilespmem:s25+$0xFFFFFFF0]  }
0x70: {  	v11 =	vld [tilespmem:s25+$0x0];
	_ =	sdelay $0x2  }
0x71: {  	v6 =	vsub.f32 v6, v9  }
0x72: {  	v7 =	vsub.f32 v7, v10  }
0x73: {  	v60 =	vld [tilespmem:s30+$0x0];
	[tilespmem:s26+$0xFFFFFFE0] =	vst v6;
	v5 =	vsub.f32 v5, v11  }
0x74: {  	v61 =	vld [tilespmem:s28+$0xFFFFFFE0];
	[tilespmem:s26+$0xFFFFFFF0] =	vst v7  }
0x75: {  	v7 =	vld [tilespmem:s28+$0xFFFFFFF0];
	[tilespmem:s26+$0x0] =	vst v5  }
0x76: {  	v5 =	vld [tilespmem:s28+$0x0]  }
0x77: {  	v2 =	vsub.f32 v2, v8  }
0x78: {  	s0 =	sadd.s32 $0x40, s23;
	v0 =	vsub.f32 v0, v60  }
0x79: {  	[tilespmem:s0+$0x10] =	vst v2;
	v1 =	vsub.f32 v1, v61  }
0x7a: {  	[tilespmem:s29+$0x0] =	vst v0;
	v62 =	vsub.f32 v4, v7  }
0x7b: {  	[tilespmem:s0+$0xFFFFFFE0] =	vst v1;
	v63 =	vsub.f32 v3, v5  }
0x7c: {  	[tilespmem:s0+$0xFFFFFFF0] =	vst v62  }
0x7d: {  	[tilespmem:s0+$0x0] =	vst v63  }
0x7e: {  	[hbm4b:s7+s3] =	stream.linear.scatter [tilespmem:s18], [sflag:$0x1], $0x800, $0x38;
	[tilespmem:$0x5000] =	vst v63  }
0x7f: {  	_ = 	snop  }
0x80: {  	[hbm4b:s8+s3] =	stream.linear.scatter [tilespmem:s19], [sflag:$0x1], $0x800, $0x38;
	[tilespmem:$0x5000] =	vst v63  }
0x81: {  	_ = 	snop  }
0x82: {  	[hbm4b:s9+s3] =	stream.linear.scatter [tilespmem:s20], [sflag:$0x1], $0x800, $0x38;
	[tilespmem:$0x5000] =	vst v63  }
0x83: {  	_ =	swait.ge [sflag:s17], $0x800  }
0x84: {  	[sflag:s17] =	ssyncset.done $0x0  }
0x85: {  	s21 =	sadd.s32 $0x1, s21;
	[sflag:s17] =	ssyncadd.s32 $0xFFFFF800  }
0x86: {  	p0 =	sne.s32 s21, s10;
	_ =	swait.ge [sflag:s17], $0x800  }
.Ltmp1:
0x87: {  	[sflag:s17] =	ssyncset.done $0x0;
	(pc) =	sbr.rel @p0 .LBB2_1-.Ltmp1, $4  }
0x88: {  	[sflag:s17] =	ssyncadd.s32 $0xFFFFF800  }
0x89: {  	_ =	swait.ge [sflag:s17], $0x800  }
0x8a: {  	[sflag:s17] =	ssyncset.done $0x0  }
0x8b: {  	[sflag:s17] =	ssyncadd.s32 $0xFFFFF800  }
0x8c: {  	_ =	sfence.sel $0x180000  }
0x8d: {  	[bflag:$0x0] =	sbarrier.arrive $0xFFFF  }
0x8e: {  	_ =	strace $0x90000047  }
0x8f: {  	[bflag:$0x2] =	sbarrier.arrive $0xFFFF  }
0x90: {  	p0 =	sne.s32 s1, $0x0;
	s0 =	rddreg [dreg:$0x2]  }
0x91: {  	s0 =	sadd.s32 @!p0 $0x100000, s0  }
0x92: {  	[sflag:s0] =	ssyncadd.tile.s32 @!p0 $0x1;
	_ =	shalt  }
.Lfunc_end2:
_tile_overlayer_lowered:
.L_overlay_start_2:
0x93: {  	(tag) =	ssettag $0x2  }
0x94: {  	s0 =	rddreg [dreg:$0x0];
	s2 =	stileid.u32  }
0x95: {  	s1 =	rddreg [dreg:$0x1];
	p0 =	sne.s32 s2, $0x0  }
0x96: {  	s3 =	rddreg [dreg:$0x2];
	[bflag:$0x3] =	sbarrier.arrive $0xFFFF;
	s2 =	simm.s32 @!p0 $0x1C02  }
0x97: {  	[timem:s3], [sflag:s2] =	dma.local @!p0 [hbm:s0], s1  }
0x98: {  	s0 =	simm.s32 @!p0 $0x2  }
0x99: {  	_ =	swait.ge @!p0 [sflag:s0], s1  }
0x9a: {  	s1 =	ssub.s32 @!p0 $0x0, s1;
	[sflag:s0] =	ssyncset.done @!p0 $0x0  }
0x9b: {  	[sflag:s0] =	ssyncadd.s32 @!p0 s1  }
0x9c: {  	[bflag:$0x3] =	sbarrier.arrive $0xFFFF  }
0x9d: {  	_ =	shalt  }

</sc_bundles>
